<compile_context>
chip_gen: v7x
topology: tpu7x:2x2x1
jax: 0.10.2.dev20260603
libtpu: 0.0.44.dev20260713+nightly
codegen_flags: <defaults>
</compile_context>

<pallas_src>
import functools

import jax
import jax.numpy as jnp
from jax import lax
from jax.experimental import pallas as pl
from jax.experimental.pallas import tpu as pltpu
from jax.experimental.pallas import tpu_sc as plsc

_EPS = 1e-5



def _make_sc_segsum(n_pad, half, nchunk, chunk, nsub):
    rows_per_tile = n_pad // nsub
    ncopy = rows_per_tile // chunk

    mesh = plsc.VectorSubcoreMesh(core_axis_name="c", subcore_axis_name="s")

    @functools.partial(
        pl.kernel,
        mesh=mesh,
        out_type=jax.ShapeDtypeStruct((2, n_pad, half), jnp.float32),
        scratch_types=[
            pltpu.VMEM((nchunk, chunk), jnp.int32),
            pltpu.VMEM((nchunk, chunk), jnp.int32),
            pltpu.VMEM((chunk, half), jnp.float32),
            pltpu.VMEM_SHARED((n_pad, half), jnp.float32),
            pltpu.SemaphoreType.DMA,
        ],
    )
    def segsum(hcat_hbm, src_hbm, dst_hbm, out_hbm, src_v, dst_v, rows_v,
               acc_sh, sem):
        c = lax.axis_index("c")
        s = lax.axis_index("s")
        base = s * rows_per_tile

        def _zrow(i, _):
            r = i // (half // 16)
            k = i % (half // 16)
            rows_v[r, pl.ds(k * 16, 16)] = jnp.zeros((16,), jnp.float32)
            return 0

        lax.fori_loop(0, chunk * (half // 16), _zrow, 0)
        for r in range(ncopy):
            pltpu.sync_copy(rows_v, acc_sh.at[pl.ds(base + r * chunk, chunk)])
        plsc.subcore_barrier()

        pltpu.sync_copy(src_hbm.at[c, s], src_v)
        pltpu.sync_copy(dst_hbm.at[s], dst_v)

        def _edge_chunk(j, _):
            pltpu.async_copy(hcat_hbm.at[src_v.at[j]], rows_v, sem).wait()
            pltpu.sync_copy(rows_v, acc_sh.at[dst_v.at[j]], add=True)
            return 0

        lax.fori_loop(0, nchunk, _edge_chunk, 0)
        plsc.subcore_barrier()

        pltpu.sync_copy(acc_sh.at[pl.ds(base, rows_per_tile)],
                        out_hbm.at[c, pl.ds(base, rows_per_tile)])

    return segsum



def _dot3(z, w):
    return jnp.dot(z.astype(jnp.bfloat16), w.astype(jnp.bfloat16),
                   preferred_element_type=jnp.float32)


def _stats_update(st_r, y, i, tile, d):
    m_i = jnp.mean(y, axis=0, keepdims=True)
    yc = y - m_i
    m2_i = jnp.sum(yc * yc, axis=0, keepdims=True)
    pad = jnp.zeros((6, d), jnp.float32)

    @pl.when(i == 0)
    def _():
        st_r[...] = jnp.concatenate([m_i, m2_i, pad], axis=0)

    @pl.when(i > 0)
    def _():
        st = st_r[...]
        n_a = (i * tile).astype(jnp.float32)
        n_tot = n_a + tile
        delta = m_i - st[0:1]
        mean = st[0:1] + delta * (tile / n_tot)
        m2 = st[1:2] + m2_i + delta * delta * (n_a * tile / n_tot)
        st_r[...] = jnp.concatenate([mean, m2, pad], axis=0)

def _p1(h3, m3, w, b, rows, tile):
    grid = rows // tile
    half = h3.shape[2]
    d = w.shape[1]

    def body(ha_r, hb_r, ma_r, mb_r, w_r, b_r, y_r, st_r):
        i = pl.program_id(0)
        z = jnp.concatenate([ha_r[...] + ma_r[...], hb_r[...] + mb_r[...]],
                            axis=1)
        y = _dot3(z, w_r[...]) + b_r[...]
        y_r[...] = y
        _stats_update(st_r, y, i, tile, d)

    return pl.pallas_call(
        body,
        grid=(grid,),
        in_specs=[
            pl.BlockSpec((None, tile, half), lambda i: (0, i, 0)),
            pl.BlockSpec((None, tile, half), lambda i: (1, i, 0)),
            pl.BlockSpec((None, tile, half), lambda i: (0, i, 0)),
            pl.BlockSpec((None, tile, half), lambda i: (1, i, 0)),
            pl.BlockSpec((2 * half, d), lambda i: (0, 0)),
            pl.BlockSpec((1, d), lambda i: (0, 0)),
        ],
        out_specs=[
            pl.BlockSpec((tile, d), lambda i: (i, 0)),
            pl.BlockSpec((8, d), lambda i: (0, 0)),
        ],
        out_shape=[
            jax.ShapeDtypeStruct((rows, d), jnp.float32),
            jax.ShapeDtypeStruct((8, d), jnp.float32),
        ],
    )(h3, h3, m3, m3, w, b)


def _p2(y1, st1, g, be, w, b, rows, tile):
    grid = rows // tile
    d = y1.shape[1]
    inv_n = 1.0 / rows

    def body(y1_r, st_r, g_r, be_r, w_r, b_r, y2_r, st2_r):
        i = pl.program_id(0)
        st = st_r[...]
        mu = st[0:1]
        var = st[1:2] * inv_n
        s = jnp.sqrt(var + _EPS)
        a = jnp.maximum((y1_r[...] - mu) / s * g_r[...] + be_r[...], 0.0)
        y2 = _dot3(a, w_r[...]) + b_r[...]
        y2_r[...] = y2
        _stats_update(st2_r, y2, i, tile, d)

    return pl.pallas_call(
        body,
        grid=(grid,),
        in_specs=[
            pl.BlockSpec((tile, d), lambda i: (i, 0)),
            pl.BlockSpec((8, d), lambda i: (0, 0)),
            pl.BlockSpec((1, d), lambda i: (0, 0)),
            pl.BlockSpec((1, d), lambda i: (0, 0)),
            pl.BlockSpec((d, d), lambda i: (0, 0)),
            pl.BlockSpec((1, d), lambda i: (0, 0)),
        ],
        out_specs=[
            pl.BlockSpec((tile, d), lambda i: (i, 0)),
            pl.BlockSpec((8, d), lambda i: (0, 0)),
        ],
        out_shape=[
            jax.ShapeDtypeStruct((rows, d), jnp.float32),
            jax.ShapeDtypeStruct((8, d), jnp.float32),
        ],
    )(y1, st1, g, be, w, b)


def _p3_split(y2, st2, g, be, rows, tile):
    grid = rows // tile
    d = y2.shape[1]
    half = d // 2
    inv_n = 1.0 / rows

    def body(y2_r, st_r, g_r, be_r, h3_r):
        st = st_r[...]
        mu = st[0:1]
        var = st[1:2] * inv_n
        s = jnp.sqrt(var + _EPS)
        h = jnp.maximum((y2_r[...] - mu) / s * g_r[...] + be_r[...], 0.0)
        h3_r[0] = h[:, :half]
        h3_r[1] = h[:, half:]

    return pl.pallas_call(
        body,
        grid=(grid,),
        in_specs=[
            pl.BlockSpec((tile, d), lambda i: (i, 0)),
            pl.BlockSpec((8, d), lambda i: (0, 0)),
            pl.BlockSpec((1, d), lambda i: (0, 0)),
            pl.BlockSpec((1, d), lambda i: (0, 0)),
        ],
        out_specs=pl.BlockSpec((2, tile, half), lambda i: (0, i, 0)),
        out_shape=jax.ShapeDtypeStruct((2, rows, half), jnp.float32),
    )(y2, st2, g, be)


def _p3_final(y2, st2, g, be, rows, tile):
    grid = rows // tile
    d = y2.shape[1]
    inv_n = 1.0 / rows

    def body(y2_r, st_r, g_r, be_r, out_r):
        st = st_r[...]
        mu = st[0:1]
        var = st[1:2] * inv_n
        s = jnp.sqrt(var + _EPS)
        out_r[...] = (y2_r[...] - mu) / s * g_r[...] + be_r[...]

    return pl.pallas_call(
        body,
        grid=(grid,),
        in_specs=[
            pl.BlockSpec((tile, d), lambda i: (i, 0)),
            pl.BlockSpec((8, d), lambda i: (0, 0)),
            pl.BlockSpec((1, d), lambda i: (0, 0)),
            pl.BlockSpec((1, d), lambda i: (0, 0)),
        ],
        out_specs=pl.BlockSpec((tile, d), lambda i: (i, 0)),
        out_shape=jax.ShapeDtypeStruct((rows, d), jnp.float32),
    )(y2, st2, g, be)



def kernel(x, edge_index, batch, W1, b1, g1, be1, W2, b2, g2, be2):
    del batch
    n, d = x.shape
    e = edge_index.shape[1]
    nlayer = W1.shape[0]
    half = d // 2

    nsub = 16
    chunk = 128
    grain = nsub * chunk
    nchunk = -(-e // grain)
    e_pad = nchunk * grain
    n_pad = -(-n // (nsub * chunk)) * (nsub * chunk)

    src = edge_index[0].astype(jnp.int32)
    dst = edge_index[1].astype(jnp.int32)
    src = jnp.concatenate([src, jnp.zeros((e_pad - e,), jnp.int32)])
    dst = jnp.concatenate([dst, jnp.full((e_pad - e,), n, jnp.int32)])
    src3 = src.reshape(nsub, nchunk, chunk)
    src4 = jnp.stack([src3, src3 + n])
    dst3 = dst.reshape(nsub, nchunk, chunk)

    segsum = _make_sc_segsum(n_pad, half, nchunk, chunk, nsub)

    tile = 2000
    h3 = jnp.stack([x[:, :half], x[:, half:]]).astype(jnp.float32)
    for l in range(nlayer):
        m3 = segsum(h3.reshape(2 * n, half), src4, dst3)
        y1, s1 = _p1(h3, m3, W1[l], b1[l][None], n, tile)
        y2, s2 = _p2(y1, s1, g1[l][None], be1[l][None], W2[l], b2[l][None], n, tile)
        if l < nlayer - 1:
            h3 = _p3_split(y2, s2, g2[l][None], be2[l][None], n, tile)
        else:
            out = _p3_final(y2, s2, g2[l][None], be2[l][None], n, tile)
    return out

# --- scband reference (transcript-rebuilt; emitter-appended) ---
"""Pipeline reference for scband-pcqmcontact-gnnnode-22385369546873 (READ-ONLY COPY).

The authoritative reference and input builder live on the scoring server;
editing this copy changes nothing except your own understanding.
"""

import jax, jax.numpy as jnp
import numpy as np

N = 10000
E = 160000
D = 256
L = 6

def _bn(z, g, b, eps=1e-5):
    mu = jnp.mean(z, axis=0, keepdims=True)
    var = jnp.var(z, axis=0, keepdims=True)
    return (z - mu) / jnp.sqrt(var + eps) * g + b

def setup_inputs(seed: int = 0) -> dict:
    key = jax.random.key(seed)
    ks = jax.random.split(key, 12)
    x = jax.random.normal(ks[0], (N, D), dtype=jnp.float32)
    edge_index = jax.random.randint(ks[1], (2, E), 0, N, dtype=jnp.int64) if jax.config.jax_enable_x64 else jax.random.randint(ks[1], (2, E), 0, N).astype(jnp.int32)
    batch = jnp.sort(jax.random.randint(ks[2], (N,), 0, 64))
    W1 = jax.random.normal(ks[3], (L, D, D), dtype=jnp.float32) * 0.05
    b1 = jnp.zeros((L, D), dtype=jnp.float32)
    g1 = jnp.ones((L, D), dtype=jnp.float32)
    be1 = jnp.zeros((L, D), dtype=jnp.float32)
    W2 = jax.random.normal(ks[4], (L, D, D), dtype=jnp.float32) * 0.05
    b2 = jnp.zeros((L, D), dtype=jnp.float32)
    g2 = jnp.ones((L, D), dtype=jnp.float32)
    be2 = jnp.zeros((L, D), dtype=jnp.float32)
    return {"x": x, "edge_index": edge_index, "batch": batch,
            "W1": W1, "b1": b1, "g1": g1, "be1": be1,
            "W2": W2, "b2": b2, "g2": g2, "be2": be2}

def reference(x, edge_index, batch, W1, b1, g1, be1, W2, b2, g2, be2):
    # PCQMContactGNNNode forward, mode='base', is_cgp=False, eval-mode dropout (identity).
    # Each layer: GINConv(nn=[Linear, BN, ReLU, Linear]) -> outer BN -> ReLU (except last layer).
    src = edge_index[0]
    dst = edge_index[1]
    h = x.astype(jnp.float32)
    for l in range(L):
        # GIN aggregation: sum of neighbor messages + (1+eps)*h, eps=0
        m = jax.ops.segment_sum(h[src], dst, num_segments=N)
        z = h + m
        # inner MLP
        z = z @ W1[l] + b1[l]
        z = _bn(z, g1[l], be1[l])
        z = jax.nn.relu(z)
        z = z @ W2[l] + b2[l]
        # outer batch norm
        z = _bn(z, g2[l], be2[l])
        if l < L - 1:
            z = jax.nn.relu(z)
        h = z
    return h

if __name__ == "__main__":
    import jax
    _d = setup_inputs()
    print(jax.jit(kernel)(*tuple(_d.values())))

</pallas_src>

<mosaic_0001>
#map = affine_map<(d0, d1) -> (0, 0)>
#map1 = affine_map<(d0, d1) -> (0, 0, 0, 0)>
#map2 = affine_map<(d0, d1) -> (0, 0, 0)>
module attributes {stable_mosaic.version = 14 : i64} {
  func.func @segsum(%arg0: i32, %arg1: i32, %arg2: memref<20000x128xf32, #tpu.memory_space<hbm>>, %arg3: memref<2x16x79x128xi32, #tpu.memory_space<hbm>>, %arg4: memref<16x79x128xi32, #tpu.memory_space<hbm>>, %arg5: memref<2x10240x128xf32, #tpu.memory_space<hbm>>, %arg6: memref<79x128xi32, #tpu.memory_space<vmem>>, %arg7: memref<79x128xi32, #tpu.memory_space<vmem>>, %arg8: memref<128x128xf32, #tpu.memory_space<vmem>>, %arg9: memref<10240x128xf32, #tpu.memory_space<vmem_shared>>, %arg10: memref<!tpu.dma_semaphore, #tpu.memory_space<semaphore_mem>>) attributes {dimension_semantics = [#tpu.dimension_semantics<core_parallel>, #tpu.dimension_semantics<subcore_parallel>], iteration_bounds = array<i64: 2, 16>, scalar_prefetch = 0 : i64, scratch_operands = 5 : i64, tpu.core_type = #tpu.core_type<sc_vector_subcore>, window_params = [{transform_indices = #map}, {transform_indices = #map1}, {transform_indices = #map2}, {transform_indices = #map2}]} {
    %mul3A = arith.constant 640 : i32
    %mul3A_0 = arith.muli %arg1, %mul3A : i32
    %scan3A = arith.constant 0 : i32
    %scan3A_1 = arith.constant 0 : i32
    %scan3A_2 = arith.constant 1024 : i32
    %scan3A_3 = arith.addi %scan3A_1, %scan3A_2 : i32
    %scan3A_4 = arith.constant 1 : i32
    %scan3A_5 = scf.for %scan3A_24 = %scan3A_1 to %scan3A_3 step %scan3A_4 iter_args(%scan3A_25 = %scan3A) -> (i32)  : i32 {
      %jit3A = arith.constant 8 : i32
      %div3A = arith.divsi %scan3A_24, %jit3A : i32
      %sign3A = arith.constant 0 : i32
      %sign3A_26 = arith.cmpi sgt, %scan3A_24, %sign3A : i32
      %sign3A_27 = arith.extui %sign3A_26 : i1 to i32
      %sign3A_28 = arith.constant 0 : i32
      %sign3A_29 = arith.cmpi slt, %scan3A_24, %sign3A_28 : i32
      %sign3A_30 = arith.extui %sign3A_29 : i1 to i32
      %sign3A_31 = arith.subi %sign3A_27, %sign3A_30 : i32
      %sign3A_32 = arith.constant 0 : i32
      %sign3A_33 = arith.cmpi sgt, %jit3A, %sign3A_32 : i32
      %sign3A_34 = arith.extui %sign3A_33 : i1 to i32
      %sign3A_35 = arith.constant 0 : i32
      %sign3A_36 = arith.cmpi slt, %jit3A, %sign3A_35 : i32
      %sign3A_37 = arith.extui %sign3A_36 : i1 to i32
      %sign3A_38 = arith.subi %sign3A_34, %sign3A_37 : i32
      %ne3A = arith.cmpi ne, %sign3A_31, %sign3A_38 : i32
      %rem3A = arith.remsi %scan3A_24, %jit3A : i32
      %ne3A_39 = arith.constant 0 : i32
      %ne3A_40 = arith.cmpi ne, %rem3A, %ne3A_39 : i32
      %and3A = arith.andi %ne3A, %ne3A_40 : i1
      %sub3A = arith.constant 1 : i32
      %sub3A_41 = arith.subi %div3A, %sub3A : i32
      %select_n3A = arith.select %and3A, %sub3A_41, %div3A : i32
      %jit3A_42 = arith.constant 8 : i32
      %eq3A = arith.constant 0 : i32
      %eq3A_43 = arith.cmpi eq, %jit3A_42, %eq3A : i32
      %jit3A_44 = arith.constant 1 : i32
      %select_n3A_45 = arith.select %eq3A_43, %jit3A_44, %jit3A_42 : i32
      %rem3A_46 = arith.remsi %scan3A_24, %select_n3A_45 : i32
      %ne3A_47 = arith.constant 0 : i32
      %ne3A_48 = arith.cmpi ne, %rem3A_46, %ne3A_47 : i32
      %lt3A = arith.constant 0 : i32
      %lt3A_49 = arith.cmpi slt, %rem3A_46, %lt3A : i32
      %lt3A_50 = arith.constant 0 : i32
      %lt3A_51 = arith.cmpi slt, %select_n3A_45, %lt3A_50 : i32
      %ne3A_52 = arith.xori %lt3A_49, %lt3A_51 : i1
      %and3A_53 = arith.andi %ne3A_52, %ne3A_48 : i1
      %add3A_54 = arith.addi %rem3A_46, %select_n3A_45 : i32
      %select_n3A_55 = arith.select %and3A_53, %add3A_54, %rem3A_46 : i32
      %broadcast_in_dim3A = arith.constant 0.000000e+00 : f32
      %broadcast_in_dim3A_56 = vector.broadcast %broadcast_in_dim3A : f32 to vector<16xf32>
      %mul3A_57 = arith.constant 16 : i32
      %mul3A_58 = arith.muli %select_n3A_55, %mul3A_57 : i32
      %swap3A = arith.index_cast %select_n3A : i32 to index
      %swap3A_59 = arith.index_cast %mul3A_58 : i32 to index
      %swap3A_60 = tpu.vector_load %arg8[%swap3A, %swap3A_59] {strides = array<i32>} : memref<128x128xf32, #tpu.memory_space<vmem>>, vector<1x16xf32>,
      %swap3A_61 = vector.shape_cast %swap3A_60 : vector<1x16xf32> to vector<16xf32>
      %swap3A_62 = vector.shape_cast %broadcast_in_dim3A_56 : vector<16xf32> to vector<1x16xf32>
      tpu.vector_store %arg8[%swap3A, %swap3A_59], %swap3A_62 {strides = array<i32>} : memref<128x128xf32, #tpu.memory_space<vmem>>, vector<1x16xf32>,
      %scan3A_63 = arith.constant 0 : i32
      scf.yield %scan3A_63 : i32
    }
    %scan3A_6 = arith.constant 1024 : i32
    %add3A = arith.constant 0 : i32
    %add3A_7 = arith.addi %mul3A_0, %add3A : i32
    "tpu.region"() ({
      %run_scoped3A = tpu.sem_alloc : memref<!tpu.dma_semaphore, #tpu.memory_space<semaphore_mem>>
      %dma_start3A = arith.constant 0 : i32
      %dma_start3A_24 = tpu.memref_slice %arg9[%add3A_7, %dma_start3A] : memref<10240x128xf32, #tpu.memory_space<vmem_shared>> -> memref<128x128xf32, #tpu.memory_space<vmem_shared>>
      %dma_start3A_25 = arith.constant 0 : i32
      %dma_start3A_26 = tpu.memref_slice %arg9[%add3A_7, %dma_start3A_25] : memref<10240x128xf32, #tpu.memory_space<vmem_shared>> -> memref<128x128xf32, #tpu.memory_space<vmem_shared>>
      tpu.enqueue_dma source(%arg8 : memref<128x128xf32, #tpu.memory_space<vmem>>) target(%dma_start3A_26 : memref<128x128xf32, #tpu.memory_space<vmem_shared>>) target_semaphore(%run_scoped3A : memref<!tpu.dma_semaphore, #tpu.memory_space<semaphore_mem>>)
      %dma_wait3A = arith.constant 0 : i32
      %dma_wait3A_27 = tpu.memref_slice %arg9[%add3A_7, %dma_wait3A] : memref<10240x128xf32, #tpu.memory_space<vmem_shared>> -> memref<128x128xf32, #tpu.memory_space<vmem_shared>>
      %dma_wait3A_28 = arith.constant 0 : i32
      %dma_wait3A_29 = tpu.memref_slice %arg9[%add3A_7, %dma_wait3A_28] : memref<10240x128xf32, #tpu.memory_space<vmem_shared>> -> memref<128x128xf32, #tpu.memory_space<vmem_shared>>
      tpu.wait_dma2 semaphore(%run_scoped3A : memref<!tpu.dma_semaphore, #tpu.memory_space<semaphore_mem>>) src(%arg8 : memref<128x128xf32, #tpu.memory_space<vmem>>) dst(%dma_wait3A_29 : memref<128x128xf32, #tpu.memory_space<vmem_shared>>)
      tpu.yield
    }) : () -> ()
    %add3A_8 = arith.constant 128 : i32
    %add3A_9 = arith.addi %mul3A_0, %add3A_8 : i32
    "tpu.region"() ({
      %run_scoped3A = tpu.sem_alloc : memref<!tpu.dma_semaphore, #tpu.memory_space<semaphore_mem>>
      %dma_start3A = arith.constant 0 : i32
      %dma_start3A_24 = tpu.memref_slice %arg9[%add3A_9, %dma_start3A] : memref<10240x128xf32, #tpu.memory_space<vmem_shared>> -> memref<128x128xf32, #tpu.memory_space<vmem_shared>>
      %dma_start3A_25 = arith.constant 0 : i32
      %dma_start3A_26 = tpu.memref_slice %arg9[%add3A_9, %dma_start3A_25] : memref<10240x128xf32, #tpu.memory_space<vmem_shared>> -> memref<128x128xf32, #tpu.memory_space<vmem_shared>>
      tpu.enqueue_dma source(%arg8 : memref<128x128xf32, #tpu.memory_space<vmem>>) target(%dma_start3A_26 : memref<128x128xf32, #tpu.memory_space<vmem_shared>>) target_semaphore(%run_scoped3A : memref<!tpu.dma_semaphore, #tpu.memory_space<semaphore_mem>>)
      %dma_wait3A = arith.constant 0 : i32
      %dma_wait3A_27 = tpu.memref_slice %arg9[%add3A_9, %dma_wait3A] : memref<10240x128xf32, #tpu.memory_space<vmem_shared>> -> memref<128x128xf32, #tpu.memory_space<vmem_shared>>
      %dma_wait3A_28 = arith.constant 0 : i32
      %dma_wait3A_29 = tpu.memref_slice %arg9[%add3A_9, %dma_wait3A_28] : memref<10240x128xf32, #tpu.memory_space<vmem_shared>> -> memref<128x128xf32, #tpu.memory_space<vmem_shared>>
      tpu.wait_dma2 semaphore(%run_scoped3A : memref<!tpu.dma_semaphore, #tpu.memory_space<semaphore_mem>>) src(%arg8 : memref<128x128xf32, #tpu.memory_space<vmem>>) dst(%dma_wait3A_29 : memref<128x128xf32, #tpu.memory_space<vmem_shared>>)
      tpu.yield
    }) : () -> ()
    %add3A_10 = arith.constant 256 : i32
    %add3A_11 = arith.addi %mul3A_0, %add3A_10 : i32
    "tpu.region"() ({
      %run_scoped3A = tpu.sem_alloc : memref<!tpu.dma_semaphore, #tpu.memory_space<semaphore_mem>>
      %dma_start3A = arith.constant 0 : i32
      %dma_start3A_24 = tpu.memref_slice %arg9[%add3A_11, %dma_start3A] : memref<10240x128xf32, #tpu.memory_space<vmem_shared>> -> memref<128x128xf32, #tpu.memory_space<vmem_shared>>
      %dma_start3A_25 = arith.constant 0 : i32
      %dma_start3A_26 = tpu.memref_slice %arg9[%add3A_11, %dma_start3A_25] : memref<10240x128xf32, #tpu.memory_space<vmem_shared>> -> memref<128x128xf32, #tpu.memory_space<vmem_shared>>
      tpu.enqueue_dma source(%arg8 : memref<128x128xf32, #tpu.memory_space<vmem>>) target(%dma_start3A_26 : memref<128x128xf32, #tpu.memory_space<vmem_shared>>) target_semaphore(%run_scoped3A : memref<!tpu.dma_semaphore, #tpu.memory_space<semaphore_mem>>)
      %dma_wait3A = arith.constant 0 : i32
      %dma_wait3A_27 = tpu.memref_slice %arg9[%add3A_11, %dma_wait3A] : memref<10240x128xf32, #tpu.memory_space<vmem_shared>> -> memref<128x128xf32, #tpu.memory_space<vmem_shared>>
      %dma_wait3A_28 = arith.constant 0 : i32
      %dma_wait3A_29 = tpu.memref_slice %arg9[%add3A_11, %dma_wait3A_28] : memref<10240x128xf32, #tpu.memory_space<vmem_shared>> -> memref<128x128xf32, #tpu.memory_space<vmem_shared>>
      tpu.wait_dma2 semaphore(%run_scoped3A : memref<!tpu.dma_semaphore, #tpu.memory_space<semaphore_mem>>) src(%arg8 : memref<128x128xf32, #tpu.memory_space<vmem>>) dst(%dma_wait3A_29 : memref<128x128xf32, #tpu.memory_space<vmem_shared>>)
      tpu.yield
    }) : () -> ()
    %add3A_12 = arith.constant 384 : i32
    %add3A_13 = arith.addi %mul3A_0, %add3A_12 : i32
    "tpu.region"() ({
      %run_scoped3A = tpu.sem_alloc : memref<!tpu.dma_semaphore, #tpu.memory_space<semaphore_mem>>
      %dma_start3A = arith.constant 0 : i32
      %dma_start3A_24 = tpu.memref_slice %arg9[%add3A_13, %dma_start3A] : memref<10240x128xf32, #tpu.memory_space<vmem_shared>> -> memref<128x128xf32, #tpu.memory_space<vmem_shared>>
      %dma_start3A_25 = arith.constant 0 : i32
      %dma_start3A_26 = tpu.memref_slice %arg9[%add3A_13, %dma_start3A_25] : memref<10240x128xf32, #tpu.memory_space<vmem_shared>> -> memref<128x128xf32, #tpu.memory_space<vmem_shared>>
      tpu.enqueue_dma source(%arg8 : memref<128x128xf32, #tpu.memory_space<vmem>>) target(%dma_start3A_26 : memref<128x128xf32, #tpu.memory_space<vmem_shared>>) target_semaphore(%run_scoped3A : memref<!tpu.dma_semaphore, #tpu.memory_space<semaphore_mem>>)
      %dma_wait3A = arith.constant 0 : i32
      %dma_wait3A_27 = tpu.memref_slice %arg9[%add3A_13, %dma_wait3A] : memref<10240x128xf32, #tpu.memory_space<vmem_shared>> -> memref<128x128xf32, #tpu.memory_space<vmem_shared>>
      %dma_wait3A_28 = arith.constant 0 : i32
      %dma_wait3A_29 = tpu.memref_slice %arg9[%add3A_13, %dma_wait3A_28] : memref<10240x128xf32, #tpu.memory_space<vmem_shared>> -> memref<128x128xf32, #tpu.memory_space<vmem_shared>>
      tpu.wait_dma2 semaphore(%run_scoped3A : memref<!tpu.dma_semaphore, #tpu.memory_space<semaphore_mem>>) src(%arg8 : memref<128x128xf32, #tpu.memory_space<vmem>>) dst(%dma_wait3A_29 : memref<128x128xf32, #tpu.memory_space<vmem_shared>>)
      tpu.yield
    }) : () -> ()
    %add3A_14 = arith.constant 512 : i32
    %add3A_15 = arith.addi %mul3A_0, %add3A_14 : i32
    "tpu.region"() ({
      %run_scoped3A = tpu.sem_alloc : memref<!tpu.dma_semaphore, #tpu.memory_space<semaphore_mem>>
      %dma_start3A = arith.constant 0 : i32
      %dma_start3A_24 = tpu.memref_slice %arg9[%add3A_15, %dma_start3A] : memref<10240x128xf32, #tpu.memory_space<vmem_shared>> -> memref<128x128xf32, #tpu.memory_space<vmem_shared>>
      %dma_start3A_25 = arith.constant 0 : i32
      %dma_start3A_26 = tpu.memref_slice %arg9[%add3A_15, %dma_start3A_25] : memref<10240x128xf32, #tpu.memory_space<vmem_shared>> -> memref<128x128xf32, #tpu.memory_space<vmem_shared>>
      tpu.enqueue_dma source(%arg8 : memref<128x128xf32, #tpu.memory_space<vmem>>) target(%dma_start3A_26 : memref<128x128xf32, #tpu.memory_space<vmem_shared>>) target_semaphore(%run_scoped3A : memref<!tpu.dma_semaphore, #tpu.memory_space<semaphore_mem>>)
      %dma_wait3A = arith.constant 0 : i32
      %dma_wait3A_27 = tpu.memref_slice %arg9[%add3A_15, %dma_wait3A] : memref<10240x128xf32, #tpu.memory_space<vmem_shared>> -> memref<128x128xf32, #tpu.memory_space<vmem_shared>>
      %dma_wait3A_28 = arith.constant 0 : i32
      %dma_wait3A_29 = tpu.memref_slice %arg9[%add3A_15, %dma_wait3A_28] : memref<10240x128xf32, #tpu.memory_space<vmem_shared>> -> memref<128x128xf32, #tpu.memory_space<vmem_shared>>
      tpu.wait_dma2 semaphore(%run_scoped3A : memref<!tpu.dma_semaphore, #tpu.memory_space<semaphore_mem>>) src(%arg8 : memref<128x128xf32, #tpu.memory_space<vmem>>) dst(%dma_wait3A_29 : memref<128x128xf32, #tpu.memory_space<vmem_shared>>)
      tpu.yield
    }) : () -> ()
    %barrier3A = arith.constant 0 : index
    tpu.barrier barrier_id(%barrier3A)
    "tpu.region"() ({
      %run_scoped3A = tpu.sem_alloc : memref<!tpu.dma_semaphore, #tpu.memory_space<semaphore_mem>>
      %dma_start3A = arith.constant 0 : i32
      %dma_start3A_24 = arith.constant 0 : i32
      %dma_start3A_25 = tpu.memref_slice %arg3[%arg0, %arg1, %dma_start3A, %dma_start3A_24] : memref<2x16x79x128xi32, #tpu.memory_space<hbm>> -> memref<1x1x79x128xi32, #tpu.memory_space<hbm>>
      %dma_start3A_26 = tpu.memref_squeeze %dma_start3A_25 : memref<1x1x79x128xi32, #tpu.memory_space<hbm>> -> memref<79x128xi32, #tpu.memory_space<hbm>>
      %dma_start3A_27 = arith.constant 0 : i32
      %dma_start3A_28 = arith.constant 0 : i32
      %dma_start3A_29 = tpu.memref_slice %arg3[%arg0, %arg1, %dma_start3A_27, %dma_start3A_28] : memref<2x16x79x128xi32, #tpu.memory_space<hbm>> -> memref<1x1x79x128xi32, #tpu.memory_space<hbm>>
      %dma_start3A_30 = tpu.memref_squeeze %dma_start3A_29 : memref<1x1x79x128xi32, #tpu.memory_space<hbm>> -> memref<79x128xi32, #tpu.memory_space<hbm>>
      tpu.enqueue_dma source(%dma_start3A_30 : memref<79x128xi32, #tpu.memory_space<hbm>>) target(%arg6 : memref<79x128xi32, #tpu.memory_space<vmem>>) target_semaphore(%run_scoped3A : memref<!tpu.dma_semaphore, #tpu.memory_space<semaphore_mem>>)
      %dma_wait3A = arith.constant 0 : i32
      %dma_wait3A_31 = arith.constant 0 : i32
      %dma_wait3A_32 = tpu.memref_slice %arg3[%arg0, %arg1, %dma_wait3A, %dma_wait3A_31] : memref<2x16x79x128xi32, #tpu.memory_space<hbm>> -> memref<1x1x79x128xi32, #tpu.memory_space<hbm>>
      %dma_wait3A_33 = tpu.memref_squeeze %dma_wait3A_32 : memref<1x1x79x128xi32, #tpu.memory_space<hbm>> -> memref<79x128xi32, #tpu.memory_space<hbm>>
      %dma_wait3A_34 = arith.constant 0 : i32
      %dma_wait3A_35 = arith.constant 0 : i32
      %dma_wait3A_36 = tpu.memref_slice %arg3[%arg0, %arg1, %dma_wait3A_34, %dma_wait3A_35] : memref<2x16x79x128xi32, #tpu.memory_space<hbm>> -> memref<1x1x79x128xi32, #tpu.memory_space<hbm>>
      %dma_wait3A_37 = tpu.memref_squeeze %dma_wait3A_36 : memref<1x1x79x128xi32, #tpu.memory_space<hbm>> -> memref<79x128xi32, #tpu.memory_space<hbm>>
      tpu.wait_dma2 semaphore(%run_scoped3A : memref<!tpu.dma_semaphore, #tpu.memory_space<semaphore_mem>>) src(%dma_wait3A_37 : memref<79x128xi32, #tpu.memory_space<hbm>>) dst(%arg6 : memref<79x128xi32, #tpu.memory_space<vmem>>)
      tpu.yield
    }) : () -> ()
    "tpu.region"() ({
      %run_scoped3A = tpu.sem_alloc : memref<!tpu.dma_semaphore, #tpu.memory_space<semaphore_mem>>
      %dma_start3A = arith.constant 0 : i32
      %dma_start3A_24 = arith.constant 0 : i32
      %dma_start3A_25 = tpu.memref_slice %arg4[%arg1, %dma_start3A, %dma_start3A_24] : memref<16x79x128xi32, #tpu.memory_space<hbm>> -> memref<1x79x128xi32, #tpu.memory_space<hbm>>
      %dma_start3A_26 = tpu.memref_squeeze %dma_start3A_25 : memref<1x79x128xi32, #tpu.memory_space<hbm>> -> memref<79x128xi32, #tpu.memory_space<hbm>>
      %dma_start3A_27 = arith.constant 0 : i32
      %dma_start3A_28 = arith.constant 0 : i32
      %dma_start3A_29 = tpu.memref_slice %arg4[%arg1, %dma_start3A_27, %dma_start3A_28] : memref<16x79x128xi32, #tpu.memory_space<hbm>> -> memref<1x79x128xi32, #tpu.memory_space<hbm>>
      %dma_start3A_30 = tpu.memref_squeeze %dma_start3A_29 : memref<1x79x128xi32, #tpu.memory_space<hbm>> -> memref<79x128xi32, #tpu.memory_space<hbm>>
      tpu.enqueue_dma source(%dma_start3A_30 : memref<79x128xi32, #tpu.memory_space<hbm>>) target(%arg7 : memref<79x128xi32, #tpu.memory_space<vmem>>) target_semaphore(%run_scoped3A : memref<!tpu.dma_semaphore, #tpu.memory_space<semaphore_mem>>)
      %dma_wait3A = arith.constant 0 : i32
      %dma_wait3A_31 = arith.constant 0 : i32
      %dma_wait3A_32 = tpu.memref_slice %arg4[%arg1, %dma_wait3A, %dma_wait3A_31] : memref<16x79x128xi32, #tpu.memory_space<hbm>> -> memref<1x79x128xi32, #tpu.memory_space<hbm>>
      %dma_wait3A_33 = tpu.memref_squeeze %dma_wait3A_32 : memref<1x79x128xi32, #tpu.memory_space<hbm>> -> memref<79x128xi32, #tpu.memory_space<hbm>>
      %dma_wait3A_34 = arith.constant 0 : i32
      %dma_wait3A_35 = arith.constant 0 : i32
      %dma_wait3A_36 = tpu.memref_slice %arg4[%arg1, %dma_wait3A_34, %dma_wait3A_35] : memref<16x79x128xi32, #tpu.memory_space<hbm>> -> memref<1x79x128xi32, #tpu.memory_space<hbm>>
      %dma_wait3A_37 = tpu.memref_squeeze %dma_wait3A_36 : memref<1x79x128xi32, #tpu.memory_space<hbm>> -> memref<79x128xi32, #tpu.memory_space<hbm>>
      tpu.wait_dma2 semaphore(%run_scoped3A : memref<!tpu.dma_semaphore, #tpu.memory_space<semaphore_mem>>) src(%dma_wait3A_37 : memref<79x128xi32, #tpu.memory_space<hbm>>) dst(%arg7 : memref<79x128xi32, #tpu.memory_space<vmem>>)
      tpu.yield
    }) : () -> ()
    %scan3A_16 = arith.constant 0 : i32
    %scan3A_17 = arith.constant 0 : i32
    %scan3A_18 = arith.constant 79 : i32
    %scan3A_19 = arith.addi %scan3A_17, %scan3A_18 : i32
    %scan3A_20 = arith.constant 1 : i32
    %scan3A_21 = scf.for %scan3A_24 = %scan3A_17 to %scan3A_19 step %scan3A_20 iter_args(%scan3A_25 = %scan3A_16) -> (i32)  : i32 {
      %dma_start3A = arith.constant 0 : i32
      %dma_start3A_26 = tpu.memref_slice %arg6[%scan3A_24, %dma_start3A] : memref<79x128xi32, #tpu.memory_space<vmem>> -> memref<1x128xi32, #tpu.memory_space<vmem>>
      %dma_start3A_27 = tpu.memref_squeeze %dma_start3A_26 : memref<1x128xi32, #tpu.memory_space<vmem>> -> memref<128xi32, #tpu.memory_space<vmem>>
      %dma_start3A_28 = arith.constant 0 : i32
      %dma_start3A_29 = arith.constant 0 : i32
      %dma_start3A_30 = tpu.memref_slice %arg2[%dma_start3A_28, %dma_start3A_29] : memref<20000x128xf32, #tpu.memory_space<hbm>> -> memref<20000x128xf32, #tpu.memory_space<hbm>>
      tpu.enqueue_indirect_dma source(%dma_start3A_30 : memref<20000x128xf32, #tpu.memory_space<hbm>>) target(%arg8 : memref<128x128xf32, #tpu.memory_space<vmem>>) offsets(%dma_start3A_27 : memref<128xi32, #tpu.memory_space<vmem>>) semaphore(%arg10 : memref<!tpu.dma_semaphore, #tpu.memory_space<semaphore_mem>>)
      %dma_wait3A = arith.constant 0 : i32
      %dma_wait3A_31 = tpu.memref_slice %arg6[%scan3A_24, %dma_wait3A] : memref<79x128xi32, #tpu.memory_space<vmem>> -> memref<1x128xi32, #tpu.memory_space<vmem>>
      %dma_wait3A_32 = tpu.memref_squeeze %dma_wait3A_31 : memref<1x128xi32, #tpu.memory_space<vmem>> -> memref<128xi32, #tpu.memory_space<vmem>>
      %dma_wait3A_33 = arith.constant 0 : i32
      %dma_wait3A_34 = arith.constant 0 : i32
      %dma_wait3A_35 = tpu.memref_slice %arg2[%dma_wait3A_33, %dma_wait3A_34] : memref<20000x128xf32, #tpu.memory_space<hbm>> -> memref<20000x128xf32, #tpu.memory_space<hbm>>
      tpu.wait_indirect_dma semaphore(%arg10 : memref<!tpu.dma_semaphore, #tpu.memory_space<semaphore_mem>>) src(%dma_wait3A_35 : memref<20000x128xf32, #tpu.memory_space<hbm>>) dst(%arg8 : memref<128x128xf32, #tpu.memory_space<vmem>>)
      "tpu.region"() ({
        %run_scoped3A = tpu.sem_alloc : memref<!tpu.dma_semaphore, #tpu.memory_space<semaphore_mem>>
        %dma_start3A_37 = arith.constant 0 : i32
        %dma_start3A_38 = tpu.memref_slice %arg7[%scan3A_24, %dma_start3A_37] : memref<79x128xi32, #tpu.memory_space<vmem>> -> memref<1x128xi32, #tpu.memory_space<vmem>>
        %dma_start3A_39 = tpu.memref_squeeze %dma_start3A_38 : memref<1x128xi32, #tpu.memory_space<vmem>> -> memref<128xi32, #tpu.memory_space<vmem>>
        %dma_start3A_40 = arith.constant 0 : i32
        %dma_start3A_41 = arith.constant 0 : i32
        %dma_start3A_42 = tpu.memref_slice %arg9[%dma_start3A_40, %dma_start3A_41] : memref<10240x128xf32, #tpu.memory_space<vmem_shared>> -> memref<10240x128xf32, #tpu.memory_space<vmem_shared>>
        tpu.enqueue_indirect_dma source(%arg8 : memref<128x128xf32, #tpu.memory_space<vmem>>) target(%dma_start3A_42 : memref<10240x128xf32, #tpu.memory_space<vmem_shared>>) offsets(%dma_start3A_39 : memref<128xi32, #tpu.memory_space<vmem>>) semaphore(%run_scoped3A : memref<!tpu.dma_semaphore, #tpu.memory_space<semaphore_mem>>) {add = true}
        %dma_wait3A_43 = arith.constant 0 : i32
        %dma_wait3A_44 = tpu.memref_slice %arg7[%scan3A_24, %dma_wait3A_43] : memref<79x128xi32, #tpu.memory_space<vmem>> -> memref<1x128xi32, #tpu.memory_space<vmem>>
        %dma_wait3A_45 = tpu.memref_squeeze %dma_wait3A_44 : memref<1x128xi32, #tpu.memory_space<vmem>> -> memref<128xi32, #tpu.memory_space<vmem>>
        %dma_wait3A_46 = arith.constant 0 : i32
        %dma_wait3A_47 = arith.constant 0 : i32
        %dma_wait3A_48 = tpu.memref_slice %arg9[%dma_wait3A_46, %dma_wait3A_47] : memref<10240x128xf32, #tpu.memory_space<vmem_shared>> -> memref<10240x128xf32, #tpu.memory_space<vmem_shared>>
        tpu.wait_indirect_dma semaphore(%run_scoped3A : memref<!tpu.dma_semaphore, #tpu.memory_space<semaphore_mem>>) src(%arg8 : memref<128x128xf32, #tpu.memory_space<vmem>>) dst(%dma_wait3A_48 : memref<10240x128xf32, #tpu.memory_space<vmem_shared>>)
        tpu.yield
      }) : () -> ()
      %scan3A_36 = arith.constant 0 : i32
      scf.yield %scan3A_36 : i32
    }
    %scan3A_22 = arith.constant 79 : i32
    %barrier3A_23 = arith.constant 0 : index
    tpu.barrier barrier_id(%barrier3A_23)
    "tpu.region"() ({
      %run_scoped3A = tpu.sem_alloc : memref<!tpu.dma_semaphore, #tpu.memory_space<semaphore_mem>>
      %dma_start3A = arith.constant 0 : i32
      %dma_start3A_24 = tpu.memref_slice %arg5[%arg0, %mul3A_0, %dma_start3A] : memref<2x10240x128xf32, #tpu.memory_space<hbm>> -> memref<1x640x128xf32, #tpu.memory_space<hbm>>
      %dma_start3A_25 = tpu.memref_squeeze %dma_start3A_24 : memref<1x640x128xf32, #tpu.memory_space<hbm>> -> memref<640x128xf32, #tpu.memory_space<hbm>>
      %dma_start3A_26 = arith.constant 0 : i32
      %dma_start3A_27 = tpu.memref_slice %arg9[%mul3A_0, %dma_start3A_26] : memref<10240x128xf32, #tpu.memory_space<vmem_shared>> -> memref<640x128xf32, #tpu.memory_space<vmem_shared>>
      tpu.enqueue_dma source(%dma_start3A_27 : memref<640x128xf32, #tpu.memory_space<vmem_shared>>) target(%dma_start3A_25 : memref<640x128xf32, #tpu.memory_space<hbm>>) target_semaphore(%run_scoped3A : memref<!tpu.dma_semaphore, #tpu.memory_space<semaphore_mem>>)
      %dma_wait3A = arith.constant 0 : i32
      %dma_wait3A_28 = tpu.memref_slice %arg5[%arg0, %mul3A_0, %dma_wait3A] : memref<2x10240x128xf32, #tpu.memory_space<hbm>> -> memref<1x640x128xf32, #tpu.memory_space<hbm>>
      %dma_wait3A_29 = tpu.memref_squeeze %dma_wait3A_28 : memref<1x640x128xf32, #tpu.memory_space<hbm>> -> memref<640x128xf32, #tpu.memory_space<hbm>>
      %dma_wait3A_30 = arith.constant 0 : i32
      %dma_wait3A_31 = tpu.memref_slice %arg9[%mul3A_0, %dma_wait3A_30] : memref<10240x128xf32, #tpu.memory_space<vmem_shared>> -> memref<640x128xf32, #tpu.memory_space<vmem_shared>>
      tpu.wait_dma2 semaphore(%run_scoped3A : memref<!tpu.dma_semaphore, #tpu.memory_space<semaphore_mem>>) src(%dma_wait3A_31 : memref<640x128xf32, #tpu.memory_space<vmem_shared>>) dst(%dma_wait3A_29 : memref<640x128xf32, #tpu.memory_space<hbm>>)
      tpu.yield
    }) : () -> ()
    return
  }
}

#map = affine_map<(d0, d1) -> (0, 0)>
#map1 = affine_map<(d0, d1) -> (0, 0, 0, 0)>
#map2 = affine_map<(d0, d1) -> (0, 0, 0)>
module attributes {stable_mosaic.version = 14 : i64} {
  func.func @segsum(%arg0: i32, %arg1: i32, %arg2: memref<20000x128xf32, #tpu.memory_space<hbm>>, %arg3: memref<2x16x79x128xi32, #tpu.memory_space<hbm>>, %arg4: memref<16x79x128xi32, #tpu.memory_space<hbm>>, %arg5: memref<2x10240x128xf32, #tpu.memory_space<hbm>>, %arg6: memref<79x128xi32, #tpu.memory_space<vmem>>, %arg7: memref<79x128xi32, #tpu.memory_space<vmem>>, %arg8: memref<128x128xf32, #tpu.memory_space<vmem>>, %arg9: memref<10240x128xf32, #tpu.memory_space<vmem_shared>>, %arg10: memref<!tpu.dma_semaphore, #tpu.memory_space<semaphore_mem>>) attributes {dimension_semantics = [#tpu.dimension_semantics<core_parallel>, #tpu.dimension_semantics<subcore_parallel>], iteration_bounds = array<i64: 2, 16>, scalar_prefetch = 0 : i64, scratch_operands = 5 : i64, tpu.core_type = #tpu.core_type<sc_vector_subcore>, window_params = [{transform_indices = #map}, {transform_indices = #map1}, {transform_indices = #map2}, {transform_indices = #map2}]} {
    %mul3A = arith.constant 640 : i32
    %mul3A_0 = arith.muli %arg1, %mul3A : i32
    %scan3A = arith.constant 0 : i32
    %scan3A_1 = arith.constant 0 : i32
    %scan3A_2 = arith.constant 1024 : i32
    %scan3A_3 = arith.addi %scan3A_1, %scan3A_2 : i32
    %scan3A_4 = arith.constant 1 : i32
    %scan3A_5 = scf.for %scan3A_24 = %scan3A_1 to %scan3A_3 step %scan3A_4 iter_args(%scan3A_25 = %scan3A) -> (i32)  : i32 {
      %jit3A = arith.constant 8 : i32
      %div3A = arith.divsi %scan3A_24, %jit3A : i32
      %sign3A = arith.constant 0 : i32
      %sign3A_26 = arith.cmpi sgt, %scan3A_24, %sign3A : i32
      %sign3A_27 = arith.extui %sign3A_26 : i1 to i32
      %sign3A_28 = arith.constant 0 : i32
      %sign3A_29 = arith.cmpi slt, %scan3A_24, %sign3A_28 : i32
      %sign3A_30 = arith.extui %sign3A_29 : i1 to i32
      %sign3A_31 = arith.subi %sign3A_27, %sign3A_30 : i32
      %sign3A_32 = arith.constant 0 : i32
      %sign3A_33 = arith.cmpi sgt, %jit3A, %sign3A_32 : i32
      %sign3A_34 = arith.extui %sign3A_33 : i1 to i32
      %sign3A_35 = arith.constant 0 : i32
      %sign3A_36 = arith.cmpi slt, %jit3A, %sign3A_35 : i32
      %sign3A_37 = arith.extui %sign3A_36 : i1 to i32
      %sign3A_38 = arith.subi %sign3A_34, %sign3A_37 : i32
      %ne3A = arith.cmpi ne, %sign3A_31, %sign3A_38 : i32
      %rem3A = arith.remsi %scan3A_24, %jit3A : i32
      %ne3A_39 = arith.constant 0 : i32
      %ne3A_40 = arith.cmpi ne, %rem3A, %ne3A_39 : i32
      %and3A = arith.andi %ne3A, %ne3A_40 : i1
      %sub3A = arith.constant 1 : i32
      %sub3A_41 = arith.subi %div3A, %sub3A : i32
      %select_n3A = arith.select %and3A, %sub3A_41, %div3A : i32
      %jit3A_42 = arith.constant 8 : i32
      %eq3A = arith.constant 0 : i32
      %eq3A_43 = arith.cmpi eq, %jit3A_42, %eq3A : i32
      %jit3A_44 = arith.constant 1 : i32
      %select_n3A_45 = arith.select %eq3A_43, %jit3A_44, %jit3A_42 : i32
      %rem3A_46 = arith.remsi %scan3A_24, %select_n3A_45 : i32
      %ne3A_47 = arith.constant 0 : i32
      %ne3A_48 = arith.cmpi ne, %rem3A_46, %ne3A_47 : i32
      %lt3A = arith.constant 0 : i32
      %lt3A_49 = arith.cmpi slt, %rem3A_46, %lt3A : i32
      %lt3A_50 = arith.constant 0 : i32
      %lt3A_51 = arith.cmpi slt, %select_n3A_45, %lt3A_50 : i32
      %ne3A_52 = arith.xori %lt3A_49, %lt3A_51 : i1
      %and3A_53 = arith.andi %ne3A_52, %ne3A_48 : i1
      %add3A_54 = arith.addi %rem3A_46, %select_n3A_45 : i32
      %select_n3A_55 = arith.select %and3A_53, %add3A_54, %rem3A_46 : i32
      %broadcast_in_dim3A = arith.constant 0.000000e+00 : f32
      %broadcast_in_dim3A_56 = vector.broadcast %broadcast_in_dim3A : f32 to vector<16xf32>
      %mul3A_57 = arith.constant 16 : i32
      %mul3A_58 = arith.muli %select_n3A_55, %mul3A_57 : i32
      %swap3A = arith.index_cast %select_n3A : i32 to index
      %swap3A_59 = arith.index_cast %mul3A_58 : i32 to index
      %swap3A_60 = tpu.vector_load %arg8[%swap3A, %swap3A_59] {strides = array<i32>} : memref<128x128xf32, #tpu.memory_space<vmem>>, vector<1x16xf32>,
      %swap3A_61 = vector.shape_cast %swap3A_60 : vector<1x16xf32> to vector<16xf32>
      %swap3A_62 = vector.shape_cast %broadcast_in_dim3A_56 : vector<16xf32> to vector<1x16xf32>
      tpu.vector_store %arg8[%swap3A, %swap3A_59], %swap3A_62 {strides = array<i32>} : memref<128x128xf32, #tpu.memory_space<vmem>>, vector<1x16xf32>,
      %scan3A_63 = arith.constant 0 : i32
      scf.yield %scan3A_63 : i32
    }
    %scan3A_6 = arith.constant 1024 : i32
    %add3A = arith.constant 0 : i32
    %add3A_7 = arith.addi %mul3A_0, %add3A : i32
    "tpu.region"() ({
      %run_scoped3A = tpu.sem_alloc : memref<!tpu.dma_semaphore, #tpu.memory_space<semaphore_mem>>
      %dma_start3A = arith.constant 0 : i32
      %dma_start3A_24 = tpu.memref_slice %arg9[%add3A_7, %dma_start3A] : memref<10240x128xf32, #tpu.memory_space<vmem_shared>> -> memref<128x128xf32, #tpu.memory_space<vmem_shared>>
      %dma_start3A_25 = arith.constant 0 : i32
      %dma_start3A_26 = tpu.memref_slice %arg9[%add3A_7, %dma_start3A_25] : memref<10240x128xf32, #tpu.memory_space<vmem_shared>> -> memref<128x128xf32, #tpu.memory_space<vmem_shared>>
      tpu.enqueue_dma source(%arg8 : memref<128x128xf32, #tpu.memory_space<vmem>>) target(%dma_start3A_26 : memref<128x128xf32, #tpu.memory_space<vmem_shared>>) target_semaphore(%run_scoped3A : memref<!tpu.dma_semaphore, #tpu.memory_space<semaphore_mem>>)
      %dma_wait3A = arith.constant 0 : i32
      %dma_wait3A_27 = tpu.memref_slice %arg9[%add3A_7, %dma_wait3A] : memref<10240x128xf32, #tpu.memory_space<vmem_shared>> -> memref<128x128xf32, #tpu.memory_space<vmem_shared>>
      %dma_wait3A_28 = arith.constant 0 : i32
      %dma_wait3A_29 = tpu.memref_slice %arg9[%add3A_7, %dma_wait3A_28] : memref<10240x128xf32, #tpu.memory_space<vmem_shared>> -> memref<128x128xf32, #tpu.memory_space<vmem_shared>>
      tpu.wait_dma2 semaphore(%run_scoped3A : memref<!tpu.dma_semaphore, #tpu.memory_space<semaphore_mem>>) src(%arg8 : memref<128x128xf32, #tpu.memory_space<vmem>>) dst(%dma_wait3A_29 : memref<128x128xf32, #tpu.memory_space<vmem_shared>>)
      tpu.yield
    }) : () -> ()
    %add3A_8 = arith.constant 128 : i32
    %add3A_9 = arith.addi %mul3A_0, %add3A_8 : i32
    "tpu.region"() ({
      %run_scoped3A = tpu.sem_alloc : memref<!tpu.dma_semaphore, #tpu.memory_space<semaphore_mem>>
      %dma_start3A = arith.constant 0 : i32
      %dma_start3A_24 = tpu.memref_slice %arg9[%add3A_9, %dma_start3A] : memref<10240x128xf32, #tpu.memory_space<vmem_shared>> -> memref<128x128xf32, #tpu.memory_space<vmem_shared>>
      %dma_start3A_25 = arith.constant 0 : i32
      %dma_start3A_26 = tpu.memref_slice %arg9[%add3A_9, %dma_start3A_25] : memref<10240x128xf32, #tpu.memory_space<vmem_shared>> -> memref<128x128xf32, #tpu.memory_space<vmem_shared>>
      tpu.enqueue_dma source(%arg8 : memref<128x128xf32, #tpu.memory_space<vmem>>) target(%dma_start3A_26 : memref<128x128xf32, #tpu.memory_space<vmem_shared>>) target_semaphore(%run_scoped3A : memref<!tpu.dma_semaphore, #tpu.memory_space<semaphore_mem>>)
      %dma_wait3A = arith.constant 0 : i32
      %dma_wait3A_27 = tpu.memref_slice %arg9[%add3A_9, %dma_wait3A] : memref<10240x128xf32, #tpu.memory_space<vmem_shared>> -> memref<128x128xf32, #tpu.memory_space<vmem_shared>>
      %dma_wait3A_28 = arith.constant 0 : i32
      %dma_wait3A_29 = tpu.memref_slice %arg9[%add3A_9, %dma_wait3A_28] : memref<10240x128xf32, #tpu.memory_space<vmem_shared>> -> memref<128x128xf32, #tpu.memory_space<vmem_shared>>
      tpu.wait_dma2 semaphore(%run_scoped3A : memref<!tpu.dma_semaphore, #tpu.memory_space<semaphore_mem>>) src(%arg8 : memref<128x128xf32, #tpu.memory_space<vmem>>) dst(%dma_wait3A_29 : memref<128x128xf32, #tpu.memory_space<vmem_shared>>)
      tpu.yield
    }) : () -> ()
    %add3A_10 = arith.constant 256 : i32
    %add3A_11 = arith.addi %mul3A_0, %add3A_10 : i32
    "tpu.region"() ({
      %run_scoped3A = tpu.sem_alloc : memref<!tpu.dma_semaphore, #tpu.memory_space<semaphore_mem>>
      %dma_start3A = arith.constant 0 : i32
      %dma_start3A_24 = tpu.memref_slice %arg9[%add3A_11, %dma_start3A] : memref<10240x128xf32, #tpu.memory_space<vmem_shared>> -> memref<128x128xf32, #tpu.memory_space<vmem_shared>>
      %dma_start3A_25 = arith.constant 0 : i32
      %dma_start3A_26 = tpu.memref_slice %arg9[%add3A_11, %dma_start3A_25] : memref<10240x128xf32, #tpu.memory_space<vmem_shared>> -> memref<128x128xf32, #tpu.memory_space<vmem_shared>>
      tpu.enqueue_dma source(%arg8 : memref<128x128xf32, #tpu.memory_space<vmem>>) target(%dma_start3A_26 : memref<128x128xf32, #tpu.memory_space<vmem_shared>>) target_semaphore(%run_scoped3A : memref<!tpu.dma_semaphore, #tpu.memory_space<semaphore_mem>>)
      %dma_wait3A = arith.constant 0 : i32
      %dma_wait3A_27 = tpu.memref_slice %arg9[%add3A_11, %dma_wait3A] : memref<10240x128xf32, #tpu.memory_space<vmem_shared>> -> memref<128x128xf32, #tpu.memory_space<vmem_shared>>
      %dma_wait3A_28 = arith.constant 0 : i32
      %dma_wait3A_29 = tpu.memref_slice %arg9[%add3A_11, %dma_wait3A_28] : memref<10240x128xf32, #tpu.memory_space<vmem_shared>> -> memref<128x128xf32, #tpu.memory_space<vmem_shared>>
      tpu.wait_dma2 semaphore(%run_scoped3A : memref<!tpu.dma_semaphore, #tpu.memory_space<semaphore_mem>>) src(%arg8 : memref<128x128xf32, #tpu.memory_space<vmem>>) dst(%dma_wait3A_29 : memref<128x128xf32, #tpu.memory_space<vmem_shared>>)
      tpu.yield
    }) : () -> ()
    %add3A_12 = arith.constant 384 : i32
    %add3A_13 = arith.addi %mul3A_0, %add3A_12 : i32
    "tpu.region"() ({
      %run_scoped3A = tpu.sem_alloc : memref<!tpu.dma_semaphore, #tpu.memory_space<semaphore_mem>>
      %dma_start3A = arith.constant 0 : i32
      %dma_start3A_24 = tpu.memref_slice %arg9[%add3A_13, %dma_start3A] : memref<10240x128xf32, #tpu.memory_space<vmem_shared>> -> memref<128x128xf32, #tpu.memory_space<vmem_shared>>
      %dma_start3A_25 = arith.constant 0 : i32
      %dma_start3A_26 = tpu.memref_slice %arg9[%add3A_13, %dma_start3A_25] : memref<10240x128xf32, #tpu.memory_space<vmem_shared>> -> memref<128x128xf32, #tpu.memory_space<vmem_shared>>
      tpu.enqueue_dma source(%arg8 : memref<128x128xf32, #tpu.memory_space<vmem>>) target(%dma_start3A_26 : memref<128x128xf32, #tpu.memory_space<vmem_shared>>) target_semaphore(%run_scoped3A : memref<!tpu.dma_semaphore, #tpu.memory_space<semaphore_mem>>)
      %dma_wait3A = arith.constant 0 : i32
      %dma_wait3A_27 = tpu.memref_slice %arg9[%add3A_13, %dma_wait3A] : memref<10240x128xf32, #tpu.memory_space<vmem_shared>> -> memref<128x128xf32, #tpu.memory_space<vmem_shared>>
      %dma_wait3A_28 = arith.constant 0 : i32
      %dma_wait3A_29 = tpu.memref_slice %arg9[%add3A_13, %dma_wait3A_28] : memref<10240x128xf32, #tpu.memory_space<vmem_shared>> -> memref<128x128xf32, #tpu.memory_space<vmem_shared>>
      tpu.wait_dma2 semaphore(%run_scoped3A : memref<!tpu.dma_semaphore, #tpu.memory_space<semaphore_mem>>) src(%arg8 : memref<128x128xf32, #tpu.memory_space<vmem>>) dst(%dma_wait3A_29 : memref<128x128xf32, #tpu.memory_space<vmem_shared>>)
      tpu.yield
    }) : () -> ()
    %add3A_14 = arith.constant 512 : i32
    %add3A_15 = arith.addi %mul3A_0, %add3A_14 : i32
    "tpu.region"() ({
      %run_scoped3A = tpu.sem_alloc : memref<!tpu.dma_semaphore, #tpu.memory_space<semaphore_mem>>
      %dma_start3A = arith.constant 0 : i32
      %dma_start3A_24 = tpu.memref_slice %arg9[%add3A_15, %dma_start3A] : memref<10240x128xf32, #tpu.memory_space<vmem_shared>> -> memref<128x128xf32, #tpu.memory_space<vmem_shared>>
      %dma_start3A_25 = arith.constant 0 : i32
      %dma_start3A_26 = tpu.memref_slice %arg9[%add3A_15, %dma_start3A_25] : memref<10240x128xf32, #tpu.memory_space<vmem_shared>> -> memref<128x128xf32, #tpu.memory_space<vmem_shared>>
      tpu.enqueue_dma source(%arg8 : memref<128x128xf32, #tpu.memory_space<vmem>>) target(%dma_start3A_26 : memref<128x128xf32, #tpu.memory_space<vmem_shared>>) target_semaphore(%run_scoped3A : memref<!tpu.dma_semaphore, #tpu.memory_space<semaphore_mem>>)
      %dma_wait3A = arith.constant 0 : i32
      %dma_wait3A_27 = tpu.memref_slice %arg9[%add3A_15, %dma_wait3A] : memref<10240x128xf32, #tpu.memory_space<vmem_shared>> -> memref<128x128xf32, #tpu.memory_space<vmem_shared>>
      %dma_wait3A_28 = arith.constant 0 : i32
      %dma_wait3A_29 = tpu.memref_slice %arg9[%add3A_15, %dma_wait3A_28] : memref<10240x128xf32, #tpu.memory_space<vmem_shared>> -> memref<128x128xf32, #tpu.memory_space<vmem_shared>>
      tpu.wait_dma2 semaphore(%run_scoped3A : memref<!tpu.dma_semaphore, #tpu.memory_space<semaphore_mem>>) src(%arg8 : memref<128x128xf32, #tpu.memory_space<vmem>>) dst(%dma_wait3A_29 : memref<128x128xf32, #tpu.memory_space<vmem_shared>>)
      tpu.yield
    }) : () -> ()
    %barrier3A = arith.constant 0 : index
    tpu.barrier barrier_id(%barrier3A)
    "tpu.region"() ({
      %run_scoped3A = tpu.sem_alloc : memref<!tpu.dma_semaphore, #tpu.memory_space<semaphore_mem>>
      %dma_start3A = arith.constant 0 : i32
      %dma_start3A_24 = arith.constant 0 : i32
      %dma_start3A_25 = tpu.memref_slice %arg3[%arg0, %arg1, %dma_start3A, %dma_start3A_24] : memref<2x16x79x128xi32, #tpu.memory_space<hbm>> -> memref<1x1x79x128xi32, #tpu.memory_space<hbm>>
      %dma_start3A_26 = tpu.memref_squeeze %dma_start3A_25 : memref<1x1x79x128xi32, #tpu.memory_space<hbm>> -> memref<79x128xi32, #tpu.memory_space<hbm>>
      %dma_start3A_27 = arith.constant 0 : i32
      %dma_start3A_28 = arith.constant 0 : i32
      %dma_start3A_29 = tpu.memref_slice %arg3[%arg0, %arg1, %dma_start3A_27, %dma_start3A_28] : memref<2x16x79x128xi32, #tpu.memory_space<hbm>> -> memref<1x1x79x128xi32, #tpu.memory_space<hbm>>
      %dma_start3A_30 = tpu.memref_squeeze %dma_start3A_29 : memref<1x1x79x128xi32, #tpu.memory_space<hbm>> -> memref<79x128xi32, #tpu.memory_space<hbm>>
      tpu.enqueue_dma source(%dma_start3A_30 : memref<79x128xi32, #tpu.memory_space<hbm>>) target(%arg6 : memref<79x128xi32, #tpu.memory_space<vmem>>) target_semaphore(%run_scoped3A : memref<!tpu.dma_semaphore, #tpu.memory_space<semaphore_mem>>)
      %dma_wait3A = arith.constant 0 : i32
      %dma_wait3A_31 = arith.constant 0 : i32
      %dma_wait3A_32 = tpu.memref_slice %arg3[%arg0, %arg1, %dma_wait3A, %dma_wait3A_31] : memref<2x16x79x128xi32, #tpu.memory_space<hbm>> -> memref<1x1x79x128xi32, #tpu.memory_space<hbm>>
      %dma_wait3A_33 = tpu.memref_squeeze %dma_wait3A_32 : memref<1x1x79x128xi32, #tpu.memory_space<hbm>> -> memref<79x128xi32, #tpu.memory_space<hbm>>
      %dma_wait3A_34 = arith.constant 0 : i32
      %dma_wait3A_35 = arith.constant 0 : i32
      %dma_wait3A_36 = tpu.memref_slice %arg3[%arg0, %arg1, %dma_wait3A_34, %dma_wait3A_35] : memref<2x16x79x128xi32, #tpu.memory_space<hbm>> -> memref<1x1x79x128xi32, #tpu.memory_space<hbm>>
      %dma_wait3A_37 = tpu.memref_squeeze %dma_wait3A_36 : memref<1x1x79x128xi32, #tpu.memory_space<hbm>> -> memref<79x128xi32, #tpu.memory_space<hbm>>
      tpu.wait_dma2 semaphore(%run_scoped3A : memref<!tpu.dma_semaphore, #tpu.memory_space<semaphore_mem>>) src(%dma_wait3A_37 : memref<79x128xi32, #tpu.memory_space<hbm>>) dst(%arg6 : memref<79x128xi32, #tpu.memory_space<vmem>>)
      tpu.yield
    }) : () -> ()
    "tpu.region"() ({
      %run_scoped3A = tpu.sem_alloc : memref<!tpu.dma_semaphore, #tpu.memory_space<semaphore_mem>>
      %dma_start3A = arith.constant 0 : i32
      %dma_start3A_24 = arith.constant 0 : i32
      %dma_start3A_25 = tpu.memref_slice %arg4[%arg1, %dma_start3A, %dma_start3A_24] : memref<16x79x128xi32, #tpu.memory_space<hbm>> -> memref<1x79x128xi32, #tpu.memory_space<hbm>>
      %dma_start3A_26 = tpu.memref_squeeze %dma_start3A_25 : memref<1x79x128xi32, #tpu.memory_space<hbm>> -> memref<79x128xi32, #tpu.memory_space<hbm>>
      %dma_start3A_27 = arith.constant 0 : i32
      %dma_start3A_28 = arith.constant 0 : i32
      %dma_start3A_29 = tpu.memref_slice %arg4[%arg1, %dma_start3A_27, %dma_start3A_28] : memref<16x79x128xi32, #tpu.memory_space<hbm>> -> memref<1x79x128xi32, #tpu.memory_space<hbm>>
      %dma_start3A_30 = tpu.memref_squeeze %dma_start3A_29 : memref<1x79x128xi32, #tpu.memory_space<hbm>> -> memref<79x128xi32, #tpu.memory_space<hbm>>
      tpu.enqueue_dma source(%dma_start3A_30 : memref<79x128xi32, #tpu.memory_space<hbm>>) target(%arg7 : memref<79x128xi32, #tpu.memory_space<vmem>>) target_semaphore(%run_scoped3A : memref<!tpu.dma_semaphore, #tpu.memory_space<semaphore_mem>>)
      %dma_wait3A = arith.constant 0 : i32
      %dma_wait3A_31 = arith.constant 0 : i32
      %dma_wait3A_32 = tpu.memref_slice %arg4[%arg1, %dma_wait3A, %dma_wait3A_31] : memref<16x79x128xi32, #tpu.memory_space<hbm>> -> memref<1x79x128xi32, #tpu.memory_space<hbm>>
      %dma_wait3A_33 = tpu.memref_squeeze %dma_wait3A_32 : memref<1x79x128xi32, #tpu.memory_space<hbm>> -> memref<79x128xi32, #tpu.memory_space<hbm>>
      %dma_wait3A_34 = arith.constant 0 : i32
      %dma_wait3A_35 = arith.constant 0 : i32
      %dma_wait3A_36 = tpu.memref_slice %arg4[%arg1, %dma_wait3A_34, %dma_wait3A_35] : memref<16x79x128xi32, #tpu.memory_space<hbm>> -> memref<1x79x128xi32, #tpu.memory_space<hbm>>
      %dma_wait3A_37 = tpu.memref_squeeze %dma_wait3A_36 : memref<1x79x128xi32, #tpu.memory_space<hbm>> -> memref<79x128xi32, #tpu.memory_space<hbm>>
      tpu.wait_dma2 semaphore(%run_scoped3A : memref<!tpu.dma_semaphore, #tpu.memory_space<semaphore_mem>>) src(%dma_wait3A_37 : memref<79x128xi32, #tpu.memory_space<hbm>>) dst(%arg7 : memref<79x128xi32, #tpu.memory_space<vmem>>)
      tpu.yield
    }) : () -> ()
    %scan3A_16 = arith.constant 0 : i32
    %scan3A_17 = arith.constant 0 : i32
    %scan3A_18 = arith.constant 79 : i32
    %scan3A_19 = arith.addi %scan3A_17, %scan3A_18 : i32
    %scan3A_20 = arith.constant 1 : i32
    %scan3A_21 = scf.for %scan3A_24 = %scan3A_17 to %scan3A_19 step %scan3A_20 iter_args(%scan3A_25 = %scan3A_16) -> (i32)  : i32 {
      %dma_start3A = arith.constant 0 : i32
      %dma_start3A_26 = tpu.memref_slice %arg6[%scan3A_24, %dma_start3A] : memref<79x128xi32, #tpu.memory_space<vmem>> -> memref<1x128xi32, #tpu.memory_space<vmem>>
      %dma_start3A_27 = tpu.memref_squeeze %dma_start3A_26 : memref<1x128xi32, #tpu.memory_space<vmem>> -> memref<128xi32, #tpu.memory_space<vmem>>
      %dma_start3A_28 = arith.constant 0 : i32
      %dma_start3A_29 = arith.constant 0 : i32
      %dma_start3A_30 = tpu.memref_slice %arg2[%dma_start3A_28, %dma_start3A_29] : memref<20000x128xf32, #tpu.memory_space<hbm>> -> memref<20000x128xf32, #tpu.memory_space<hbm>>
      tpu.enqueue_indirect_dma source(%dma_start3A_30 : memref<20000x128xf32, #tpu.memory_space<hbm>>) target(%arg8 : memref<128x128xf32, #tpu.memory_space<vmem>>) offsets(%dma_start3A_27 : memref<128xi32, #tpu.memory_space<vmem>>) semaphore(%arg10 : memref<!tpu.dma_semaphore, #tpu.memory_space<semaphore_mem>>)
      %dma_wait3A = arith.constant 0 : i32
      %dma_wait3A_31 = tpu.memref_slice %arg6[%scan3A_24, %dma_wait3A] : memref<79x128xi32, #tpu.memory_space<vmem>> -> memref<1x128xi32, #tpu.memory_space<vmem>>
      %dma_wait3A_32 = tpu.memref_squeeze %dma_wait3A_31 : memref<1x128xi32, #tpu.memory_space<vmem>> -> memref<128xi32, #tpu.memory_space<vmem>>
      %dma_wait3A_33 = arith.constant 0 : i32
      %dma_wait3A_34 = arith.constant 0 : i32
      %dma_wait3A_35 = tpu.memref_slice %arg2[%dma_wait3A_33, %dma_wait3A_34] : memref<20000x128xf32, #tpu.memory_space<hbm>> -> memref<20000x128xf32, #tpu.memory_space<hbm>>
      tpu.wait_indirect_dma semaphore(%arg10 : memref<!tpu.dma_semaphore, #tpu.memory_space<semaphore_mem>>) src(%dma_wait3A_35 : memref<20000x128xf32, #tpu.memory_space<hbm>>) dst(%arg8 : memref<128x128xf32, #tpu.memory_space<vmem>>)
      "tpu.region"() ({
        %run_scoped3A = tpu.sem_alloc : memref<!tpu.dma_semaphore, #tpu.memory_space<semaphore_mem>>
        %dma_start3A_37 = arith.constant 0 : i32
        %dma_start3A_38 = tpu.memref_slice %arg7[%scan3A_24, %dma_start3A_37] : memref<79x128xi32, #tpu.memory_space<vmem>> -> memref<1x128xi32, #tpu.memory_space<vmem>>
        %dma_start3A_39 = tpu.memref_squeeze %dma_start3A_38 : memref<1x128xi32, #tpu.memory_space<vmem>> -> memref<128xi32, #tpu.memory_space<vmem>>
        %dma_start3A_40 = arith.constant 0 : i32
        %dma_start3A_41 = arith.constant 0 : i32
        %dma_start3A_42 = tpu.memref_slice %arg9[%dma_start3A_40, %dma_start3A_41] : memref<10240x128xf32, #tpu.memory_space<vmem_shared>> -> memref<10240x128xf32, #tpu.memory_space<vmem_shared>>
        tpu.enqueue_indirect_dma source(%arg8 : memref<128x128xf32, #tpu.memory_space<vmem>>) target(%dma_start3A_42 : memref<10240x128xf32, #tpu.memory_space<vmem_shared>>) offsets(%dma_start3A_39 : memref<128xi32, #tpu.memory_space<vmem>>) semaphore(%run_scoped3A : memref<!tpu.dma_semaphore, #tpu.memory_space<semaphore_mem>>) {add = true}
        %dma_wait3A_43 = arith.constant 0 : i32
        %dma_wait3A_44 = tpu.memref_slice %arg7[%scan3A_24, %dma_wait3A_43] : memref<79x128xi32, #tpu.memory_space<vmem>> -> memref<1x128xi32, #tpu.memory_space<vmem>>
        %dma_wait3A_45 = tpu.memref_squeeze %dma_wait3A_44 : memref<1x128xi32, #tpu.memory_space<vmem>> -> memref<128xi32, #tpu.memory_space<vmem>>
        %dma_wait3A_46 = arith.constant 0 : i32
        %dma_wait3A_47 = arith.constant 0 : i32
        %dma_wait3A_48 = tpu.memref_slice %arg9[%dma_wait3A_46, %dma_wait3A_47] : memref<10240x128xf32, #tpu.memory_space<vmem_shared>> -> memref<10240x128xf32, #tpu.memory_space<vmem_shared>>
        tpu.wait_indirect_dma semaphore(%run_scoped3A : memref<!tpu.dma_semaphore, #tpu.memory_space<semaphore_mem>>) src(%arg8 : memref<128x128xf32, #tpu.memory_space<vmem>>) dst(%dma_wait3A_48 : memref<10240x128xf32, #tpu.memory_space<vmem_shared>>)
        tpu.yield
      }) : () -> ()
      %scan3A_36 = arith.constant 0 : i32
      scf.yield %scan3A_36 : i32
    }
    %scan3A_22 = arith.constant 79 : i32
    %barrier3A_23 = arith.constant 0 : index
    tpu.barrier barrier_id(%barrier3A_23)
    "tpu.region"() ({
      %run_scoped3A = tpu.sem_alloc : memref<!tpu.dma_semaphore, #tpu.memory_space<semaphore_mem>>
      %dma_start3A = arith.constant 0 : i32
      %dma_start3A_24 = tpu.memref_slice %arg5[%arg0, %mul3A_0, %dma_start3A] : memref<2x10240x128xf32, #tpu.memory_space<hbm>> -> memref<1x640x128xf32, #tpu.memory_space<hbm>>
      %dma_start3A_25 = tpu.memref_squeeze %dma_start3A_24 : memref<1x640x128xf32, #tpu.memory_space<hbm>> -> memref<640x128xf32, #tpu.memory_space<hbm>>
      %dma_start3A_26 = arith.constant 0 : i32
      %dma_start3A_27 = tpu.memref_slice %arg9[%mul3A_0, %dma_start3A_26] : memref<10240x128xf32, #tpu.memory_space<vmem_shared>> -> memref<640x128xf32, #tpu.memory_space<vmem_shared>>
      tpu.enqueue_dma source(%dma_start3A_27 : memref<640x128xf32, #tpu.memory_space<vmem_shared>>) target(%dma_start3A_25 : memref<640x128xf32, #tpu.memory_space<hbm>>) target_semaphore(%run_scoped3A : memref<!tpu.dma_semaphore, #tpu.memory_space<semaphore_mem>>)
      %dma_wait3A = arith.constant 0 : i32
      %dma_wait3A_28 = tpu.memref_slice %arg5[%arg0, %mul3A_0, %dma_wait3A] : memref<2x10240x128xf32, #tpu.memory_space<hbm>> -> memref<1x640x128xf32, #tpu.memory_space<hbm>>
      %dma_wait3A_29 = tpu.memref_squeeze %dma_wait3A_28 : memref<1x640x128xf32, #tpu.memory_space<hbm>> -> memref<640x128xf32, #tpu.memory_space<hbm>>
      %dma_wait3A_30 = arith.constant 0 : i32
      %dma_wait3A_31 = tpu.memref_slice %arg9[%mul3A_0, %dma_wait3A_30] : memref<10240x128xf32, #tpu.memory_space<vmem_shared>> -> memref<640x128xf32, #tpu.memory_space<vmem_shared>>
      tpu.wait_dma2 semaphore(%run_scoped3A : memref<!tpu.dma_semaphore, #tpu.memory_space<semaphore_mem>>) src(%dma_wait3A_31 : memref<640x128xf32, #tpu.memory_space<vmem_shared>>) dst(%dma_wait3A_29 : memref<640x128xf32, #tpu.memory_space<hbm>>)
      tpu.yield
    }) : () -> ()
    return
  }
}

#map = affine_map<(d0, d1) -> (0, 0)>
#map1 = affine_map<(d0, d1) -> (0, 0, 0, 0)>
#map2 = affine_map<(d0, d1) -> (0, 0, 0)>
module attributes {stable_mosaic.version = 14 : i64} {
  func.func @segsum(%arg0: i32, %arg1: i32, %arg2: memref<20000x128xf32, #tpu.memory_space<hbm>>, %arg3: memref<2x16x79x128xi32, #tpu.memory_space<hbm>>, %arg4: memref<16x79x128xi32, #tpu.memory_space<hbm>>, %arg5: memref<2x10240x128xf32, #tpu.memory_space<hbm>>, %arg6: memref<79x128xi32, #tpu.memory_space<vmem>>, %arg7: memref<79x128xi32, #tpu.memory_space<vmem>>, %arg8: memref<128x128xf32, #tpu.memory_space<vmem>>, %arg9: memref<10240x128xf32, #tpu.memory_space<vmem_shared>>, %arg10: memref<!tpu.dma_semaphore, #tpu.memory_space<semaphore_mem>>) attributes {dimension_semantics = [#tpu.dimension_semantics<core_parallel>, #tpu.dimension_semantics<subcore_parallel>], iteration_bounds = array<i64: 2, 16>, scalar_prefetch = 0 : i64, scratch_operands = 5 : i64, tpu.core_type = #tpu.core_type<sc_vector_subcore>, window_params = [{transform_indices = #map}, {transform_indices = #map1}, {transform_indices = #map2}, {transform_indices = #map2}]} {
    %mul3A = arith.constant 640 : i32
    %mul3A_0 = arith.muli %arg1, %mul3A : i32
    %scan3A = arith.constant 0 : i32
    %scan3A_1 = arith.constant 0 : i32
    %scan3A_2 = arith.constant 1024 : i32
    %scan3A_3 = arith.addi %scan3A_1, %scan3A_2 : i32
    %scan3A_4 = arith.constant 1 : i32
    %scan3A_5 = scf.for %scan3A_24 = %scan3A_1 to %scan3A_3 step %scan3A_4 iter_args(%scan3A_25 = %scan3A) -> (i32)  : i32 {
      %jit3A = arith.constant 8 : i32
      %div3A = arith.divsi %scan3A_24, %jit3A : i32
      %sign3A = arith.constant 0 : i32
      %sign3A_26 = arith.cmpi sgt, %scan3A_24, %sign3A : i32
      %sign3A_27 = arith.extui %sign3A_26 : i1 to i32
      %sign3A_28 = arith.constant 0 : i32
      %sign3A_29 = arith.cmpi slt, %scan3A_24, %sign3A_28 : i32
      %sign3A_30 = arith.extui %sign3A_29 : i1 to i32
      %sign3A_31 = arith.subi %sign3A_27, %sign3A_30 : i32
      %sign3A_32 = arith.constant 0 : i32
      %sign3A_33 = arith.cmpi sgt, %jit3A, %sign3A_32 : i32
      %sign3A_34 = arith.extui %sign3A_33 : i1 to i32
      %sign3A_35 = arith.constant 0 : i32
      %sign3A_36 = arith.cmpi slt, %jit3A, %sign3A_35 : i32
      %sign3A_37 = arith.extui %sign3A_36 : i1 to i32
      %sign3A_38 = arith.subi %sign3A_34, %sign3A_37 : i32
      %ne3A = arith.cmpi ne, %sign3A_31, %sign3A_38 : i32
      %rem3A = arith.remsi %scan3A_24, %jit3A : i32
      %ne3A_39 = arith.constant 0 : i32
      %ne3A_40 = arith.cmpi ne, %rem3A, %ne3A_39 : i32
      %and3A = arith.andi %ne3A, %ne3A_40 : i1
      %sub3A = arith.constant 1 : i32
      %sub3A_41 = arith.subi %div3A, %sub3A : i32
      %select_n3A = arith.select %and3A, %sub3A_41, %div3A : i32
      %jit3A_42 = arith.constant 8 : i32
      %eq3A = arith.constant 0 : i32
      %eq3A_43 = arith.cmpi eq, %jit3A_42, %eq3A : i32
      %jit3A_44 = arith.constant 1 : i32
      %select_n3A_45 = arith.select %eq3A_43, %jit3A_44, %jit3A_42 : i32
      %rem3A_46 = arith.remsi %scan3A_24, %select_n3A_45 : i32
      %ne3A_47 = arith.constant 0 : i32
      %ne3A_48 = arith.cmpi ne, %rem3A_46, %ne3A_47 : i32
      %lt3A = arith.constant 0 : i32
      %lt3A_49 = arith.cmpi slt, %rem3A_46, %lt3A : i32
      %lt3A_50 = arith.constant 0 : i32
      %lt3A_51 = arith.cmpi slt, %select_n3A_45, %lt3A_50 : i32
      %ne3A_52 = arith.xori %lt3A_49, %lt3A_51 : i1
      %and3A_53 = arith.andi %ne3A_52, %ne3A_48 : i1
      %add3A_54 = arith.addi %rem3A_46, %select_n3A_45 : i32
      %select_n3A_55 = arith.select %and3A_53, %add3A_54, %rem3A_46 : i32
      %broadcast_in_dim3A = arith.constant 0.000000e+00 : f32
      %broadcast_in_dim3A_56 = vector.broadcast %broadcast_in_dim3A : f32 to vector<16xf32>
      %mul3A_57 = arith.constant 16 : i32
      %mul3A_58 = arith.muli %select_n3A_55, %mul3A_57 : i32
      %swap3A = arith.index_cast %select_n3A : i32 to index
      %swap3A_59 = arith.index_cast %mul3A_58 : i32 to index
      %swap3A_60 = tpu.vector_load %arg8[%swap3A, %swap3A_59] {strides = array<i32>} : memref<128x128xf32, #tpu.memory_space<vmem>>, vector<1x16xf32>,
      %swap3A_61 = vector.shape_cast %swap3A_60 : vector<1x16xf32> to vector<16xf32>
      %swap3A_62 = vector.shape_cast %broadcast_in_dim3A_56 : vector<16xf32> to vector<1x16xf32>
      tpu.vector_store %arg8[%swap3A, %swap3A_59], %swap3A_62 {strides = array<i32>} : memref<128x128xf32, #tpu.memory_space<vmem>>, vector<1x16xf32>,
      %scan3A_63 = arith.constant 0 : i32
      scf.yield %scan3A_63 : i32
    }
    %scan3A_6 = arith.constant 1024 : i32
    %add3A = arith.constant 0 : i32
    %add3A_7 = arith.addi %mul3A_0, %add3A : i32
    "tpu.region"() ({
      %run_scoped3A = tpu.sem_alloc : memref<!tpu.dma_semaphore, #tpu.memory_space<semaphore_mem>>
      %dma_start3A = arith.constant 0 : i32
      %dma_start3A_24 = tpu.memref_slice %arg9[%add3A_7, %dma_start3A] : memref<10240x128xf32, #tpu.memory_space<vmem_shared>> -> memref<128x128xf32, #tpu.memory_space<vmem_shared>>
      %dma_start3A_25 = arith.constant 0 : i32
      %dma_start3A_26 = tpu.memref_slice %arg9[%add3A_7, %dma_start3A_25] : memref<10240x128xf32, #tpu.memory_space<vmem_shared>> -> memref<128x128xf32, #tpu.memory_space<vmem_shared>>
      tpu.enqueue_dma source(%arg8 : memref<128x128xf32, #tpu.memory_space<vmem>>) target(%dma_start3A_26 : memref<128x128xf32, #tpu.memory_space<vmem_shared>>) target_semaphore(%run_scoped3A : memref<!tpu.dma_semaphore, #tpu.memory_space<semaphore_mem>>)
      %dma_wait3A = arith.constant 0 : i32
      %dma_wait3A_27 = tpu.memref_slice %arg9[%add3A_7, %dma_wait3A] : memref<10240x128xf32, #tpu.memory_space<vmem_shared>> -> memref<128x128xf32, #tpu.memory_space<vmem_shared>>
      %dma_wait3A_28 = arith.constant 0 : i32
      %dma_wait3A_29 = tpu.memref_slice %arg9[%add3A_7, %dma_wait3A_28] : memref<10240x128xf32, #tpu.memory_space<vmem_shared>> -> memref<128x128xf32, #tpu.memory_space<vmem_shared>>
      tpu.wait_dma2 semaphore(%run_scoped3A : memref<!tpu.dma_semaphore, #tpu.memory_space<semaphore_mem>>) src(%arg8 : memref<128x128xf32, #tpu.memory_space<vmem>>) dst(%dma_wait3A_29 : memref<128x128xf32, #tpu.memory_space<vmem_shared>>)
      tpu.yield
    }) : () -> ()
    %add3A_8 = arith.constant 128 : i32
    %add3A_9 = arith.addi %mul3A_0, %add3A_8 : i32
    "tpu.region"() ({
      %run_scoped3A = tpu.sem_alloc : memref<!tpu.dma_semaphore, #tpu.memory_space<semaphore_mem>>
      %dma_start3A = arith.constant 0 : i32
      %dma_start3A_24 = tpu.memref_slice %arg9[%add3A_9, %dma_start3A] : memref<10240x128xf32, #tpu.memory_space<vmem_shared>> -> memref<128x128xf32, #tpu.memory_space<vmem_shared>>
      %dma_start3A_25 = arith.constant 0 : i32
      %dma_start3A_26 = tpu.memref_slice %arg9[%add3A_9, %dma_start3A_25] : memref<10240x128xf32, #tpu.memory_space<vmem_shared>> -> memref<128x128xf32, #tpu.memory_space<vmem_shared>>
      tpu.enqueue_dma source(%arg8 : memref<128x128xf32, #tpu.memory_space<vmem>>) target(%dma_start3A_26 : memref<128x128xf32, #tpu.memory_space<vmem_shared>>) target_semaphore(%run_scoped3A : memref<!tpu.dma_semaphore, #tpu.memory_space<semaphore_mem>>)
      %dma_wait3A = arith.constant 0 : i32
      %dma_wait3A_27 = tpu.memref_slice %arg9[%add3A_9, %dma_wait3A] : memref<10240x128xf32, #tpu.memory_space<vmem_shared>> -> memref<128x128xf32, #tpu.memory_space<vmem_shared>>
      %dma_wait3A_28 = arith.constant 0 : i32
      %dma_wait3A_29 = tpu.memref_slice %arg9[%add3A_9, %dma_wait3A_28] : memref<10240x128xf32, #tpu.memory_space<vmem_shared>> -> memref<128x128xf32, #tpu.memory_space<vmem_shared>>
      tpu.wait_dma2 semaphore(%run_scoped3A : memref<!tpu.dma_semaphore, #tpu.memory_space<semaphore_mem>>) src(%arg8 : memref<128x128xf32, #tpu.memory_space<vmem>>) dst(%dma_wait3A_29 : memref<128x128xf32, #tpu.memory_space<vmem_shared>>)
      tpu.yield
    }) : () -> ()
    %add3A_10 = arith.constant 256 : i32
    %add3A_11 = arith.addi %mul3A_0, %add3A_10 : i32
    "tpu.region"() ({
      %run_scoped3A = tpu.sem_alloc : memref<!tpu.dma_semaphore, #tpu.memory_space<semaphore_mem>>
      %dma_start3A = arith.constant 0 : i32
      %dma_start3A_24 = tpu.memref_slice %arg9[%add3A_11, %dma_start3A] : memref<10240x128xf32, #tpu.memory_space<vmem_shared>> -> memref<128x128xf32, #tpu.memory_space<vmem_shared>>
      %dma_start3A_25 = arith.constant 0 : i32
      %dma_start3A_26 = tpu.memref_slice %arg9[%add3A_11, %dma_start3A_25] : memref<10240x128xf32, #tpu.memory_space<vmem_shared>> -> memref<128x128xf32, #tpu.memory_space<vmem_shared>>
      tpu.enqueue_dma source(%arg8 : memref<128x128xf32, #tpu.memory_space<vmem>>) target(%dma_start3A_26 : memref<128x128xf32, #tpu.memory_space<vmem_shared>>) target_semaphore(%run_scoped3A : memref<!tpu.dma_semaphore, #tpu.memory_space<semaphore_mem>>)
      %dma_wait3A = arith.constant 0 : i32
      %dma_wait3A_27 = tpu.memref_slice %arg9[%add3A_11, %dma_wait3A] : memref<10240x128xf32, #tpu.memory_space<vmem_shared>> -> memref<128x128xf32, #tpu.memory_space<vmem_shared>>
      %dma_wait3A_28 = arith.constant 0 : i32
      %dma_wait3A_29 = tpu.memref_slice %arg9[%add3A_11, %dma_wait3A_28] : memref<10240x128xf32, #tpu.memory_space<vmem_shared>> -> memref<128x128xf32, #tpu.memory_space<vmem_shared>>
      tpu.wait_dma2 semaphore(%run_scoped3A : memref<!tpu.dma_semaphore, #tpu.memory_space<semaphore_mem>>) src(%arg8 : memref<128x128xf32, #tpu.memory_space<vmem>>) dst(%dma_wait3A_29 : memref<128x128xf32, #tpu.memory_space<vmem_shared>>)
      tpu.yield
    }) : () -> ()
    %add3A_12 = arith.constant 384 : i32
    %add3A_13 = arith.addi %mul3A_0, %add3A_12 : i32
    "tpu.region"() ({
      %run_scoped3A = tpu.sem_alloc : memref<!tpu.dma_semaphore, #tpu.memory_space<semaphore_mem>>
      %dma_start3A = arith.constant 0 : i32
      %dma_start3A_24 = tpu.memref_slice %arg9[%add3A_13, %dma_start3A] : memref<10240x128xf32, #tpu.memory_space<vmem_shared>> -> memref<128x128xf32, #tpu.memory_space<vmem_shared>>
      %dma_start3A_25 = arith.constant 0 : i32
      %dma_start3A_26 = tpu.memref_slice %arg9[%add3A_13, %dma_start3A_25] : memref<10240x128xf32, #tpu.memory_space<vmem_shared>> -> memref<128x128xf32, #tpu.memory_space<vmem_shared>>
      tpu.enqueue_dma source(%arg8 : memref<128x128xf32, #tpu.memory_space<vmem>>) target(%dma_start3A_26 : memref<128x128xf32, #tpu.memory_space<vmem_shared>>) target_semaphore(%run_scoped3A : memref<!tpu.dma_semaphore, #tpu.memory_space<semaphore_mem>>)
      %dma_wait3A = arith.constant 0 : i32
      %dma_wait3A_27 = tpu.memref_slice %arg9[%add3A_13, %dma_wait3A] : memref<10240x128xf32, #tpu.memory_space<vmem_shared>> -> memref<128x128xf32, #tpu.memory_space<vmem_shared>>
      %dma_wait3A_28 = arith.constant 0 : i32
      %dma_wait3A_29 = tpu.memref_slice %arg9[%add3A_13, %dma_wait3A_28] : memref<10240x128xf32, #tpu.memory_space<vmem_shared>> -> memref<128x128xf32, #tpu.memory_space<vmem_shared>>
      tpu.wait_dma2 semaphore(%run_scoped3A : memref<!tpu.dma_semaphore, #tpu.memory_space<semaphore_mem>>) src(%arg8 : memref<128x128xf32, #tpu.memory_space<vmem>>) dst(%dma_wait3A_29 : memref<128x128xf32, #tpu.memory_space<vmem_shared>>)
      tpu.yield
    }) : () -> ()
    %add3A_14 = arith.constant 512 : i32
    %add3A_15 = arith.addi %mul3A_0, %add3A_14 : i32
    "tpu.region"() ({
      %run_scoped3A = tpu.sem_alloc : memref<!tpu.dma_semaphore, #tpu.memory_space<semaphore_mem>>
      %dma_start3A = arith.constant 0 : i32
      %dma_start3A_24 = tpu.memref_slice %arg9[%add3A_15, %dma_start3A] : memref<10240x128xf32, #tpu.memory_space<vmem_shared>> -> memref<128x128xf32, #tpu.memory_space<vmem_shared>>
      %dma_start3A_25 = arith.constant 0 : i32
      %dma_start3A_26 = tpu.memref_slice %arg9[%add3A_15, %dma_start3A_25] : memref<10240x128xf32, #tpu.memory_space<vmem_shared>> -> memref<128x128xf32, #tpu.memory_space<vmem_shared>>
      tpu.enqueue_dma source(%arg8 : memref<128x128xf32, #tpu.memory_space<vmem>>) target(%dma_start3A_26 : memref<128x128xf32, #tpu.memory_space<vmem_shared>>) target_semaphore(%run_scoped3A : memref<!tpu.dma_semaphore, #tpu.memory_space<semaphore_mem>>)
      %dma_wait3A = arith.constant 0 : i32
      %dma_wait3A_27 = tpu.memref_slice %arg9[%add3A_15, %dma_wait3A] : memref<10240x128xf32, #tpu.memory_space<vmem_shared>> -> memref<128x128xf32, #tpu.memory_space<vmem_shared>>
      %dma_wait3A_28 = arith.constant 0 : i32
      %dma_wait3A_29 = tpu.memref_slice %arg9[%add3A_15, %dma_wait3A_28] : memref<10240x128xf32, #tpu.memory_space<vmem_shared>> -> memref<128x128xf32, #tpu.memory_space<vmem_shared>>
      tpu.wait_dma2 semaphore(%run_scoped3A : memref<!tpu.dma_semaphore, #tpu.memory_space<semaphore_mem>>) src(%arg8 : memref<128x128xf32, #tpu.memory_space<vmem>>) dst(%dma_wait3A_29 : memref<128x128xf32, #tpu.memory_space<vmem_shared>>)
      tpu.yield
    }) : () -> ()
    %barrier3A = arith.constant 0 : index
    tpu.barrier barrier_id(%barrier3A)
    "tpu.region"() ({
      %run_scoped3A = tpu.sem_alloc : memref<!tpu.dma_semaphore, #tpu.memory_space<semaphore_mem>>
      %dma_start3A = arith.constant 0 : i32
      %dma_start3A_24 = arith.constant 0 : i32
      %dma_start3A_25 = tpu.memref_slice %arg3[%arg0, %arg1, %dma_start3A, %dma_start3A_24] : memref<2x16x79x128xi32, #tpu.memory_space<hbm>> -> memref<1x1x79x128xi32, #tpu.memory_space<hbm>>
      %dma_start3A_26 = tpu.memref_squeeze %dma_start3A_25 : memref<1x1x79x128xi32, #tpu.memory_space<hbm>> -> memref<79x128xi32, #tpu.memory_space<hbm>>
      %dma_start3A_27 = arith.constant 0 : i32
      %dma_start3A_28 = arith.constant 0 : i32
      %dma_start3A_29 = tpu.memref_slice %arg3[%arg0, %arg1, %dma_start3A_27, %dma_start3A_28] : memref<2x16x79x128xi32, #tpu.memory_space<hbm>> -> memref<1x1x79x128xi32, #tpu.memory_space<hbm>>
      %dma_start3A_30 = tpu.memref_squeeze %dma_start3A_29 : memref<1x1x79x128xi32, #tpu.memory_space<hbm>> -> memref<79x128xi32, #tpu.memory_space<hbm>>
      tpu.enqueue_dma source(%dma_start3A_30 : memref<79x128xi32, #tpu.memory_space<hbm>>) target(%arg6 : memref<79x128xi32, #tpu.memory_space<vmem>>) target_semaphore(%run_scoped3A : memref<!tpu.dma_semaphore, #tpu.memory_space<semaphore_mem>>)
      %dma_wait3A = arith.constant 0 : i32
      %dma_wait3A_31 = arith.constant 0 : i32
      %dma_wait3A_32 = tpu.memref_slice %arg3[%arg0, %arg1, %dma_wait3A, %dma_wait3A_31] : memref<2x16x79x128xi32, #tpu.memory_space<hbm>> -> memref<1x1x79x128xi32, #tpu.memory_space<hbm>>
      %dma_wait3A_33 = tpu.memref_squeeze %dma_wait3A_32 : memref<1x1x79x128xi32, #tpu.memory_space<hbm>> -> memref<79x128xi32, #tpu.memory_space<hbm>>
      %dma_wait3A_34 = arith.constant 0 : i32
      %dma_wait3A_35 = arith.constant 0 : i32
      %dma_wait3A_36 = tpu.memref_slice %arg3[%arg0, %arg1, %dma_wait3A_34, %dma_wait3A_35] : memref<2x16x79x128xi32, #tpu.memory_space<hbm>> -> memref<1x1x79x128xi32, #tpu.memory_space<hbm>>
      %dma_wait3A_37 = tpu.memref_squeeze %dma_wait3A_36 : memref<1x1x79x128xi32, #tpu.memory_space<hbm>> -> memref<79x128xi32, #tpu.memory_space<hbm>>
      tpu.wait_dma2 semaphore(%run_scoped3A : memref<!tpu.dma_semaphore, #tpu.memory_space<semaphore_mem>>) src(%dma_wait3A_37 : memref<79x128xi32, #tpu.memory_space<hbm>>) dst(%arg6 : memref<79x128xi32, #tpu.memory_space<vmem>>)
      tpu.yield
    }) : () -> ()
    "tpu.region"() ({
      %run_scoped3A = tpu.sem_alloc : memref<!tpu.dma_semaphore, #tpu.memory_space<semaphore_mem>>
      %dma_start3A = arith.constant 0 : i32
      %dma_start3A_24 = arith.constant 0 : i32
      %dma_start3A_25 = tpu.memref_slice %arg4[%arg1, %dma_start3A, %dma_start3A_24] : memref<16x79x128xi32, #tpu.memory_space<hbm>> -> memref<1x79x128xi32, #tpu.memory_space<hbm>>
      %dma_start3A_26 = tpu.memref_squeeze %dma_start3A_25 : memref<1x79x128xi32, #tpu.memory_space<hbm>> -> memref<79x128xi32, #tpu.memory_space<hbm>>
      %dma_start3A_27 = arith.constant 0 : i32
      %dma_start3A_28 = arith.constant 0 : i32
      %dma_start3A_29 = tpu.memref_slice %arg4[%arg1, %dma_start3A_27, %dma_start3A_28] : memref<16x79x128xi32, #tpu.memory_space<hbm>> -> memref<1x79x128xi32, #tpu.memory_space<hbm>>
      %dma_start3A_30 = tpu.memref_squeeze %dma_start3A_29 : memref<1x79x128xi32, #tpu.memory_space<hbm>> -> memref<79x128xi32, #tpu.memory_space<hbm>>
      tpu.enqueue_dma source(%dma_start3A_30 : memref<79x128xi32, #tpu.memory_space<hbm>>) target(%arg7 : memref<79x128xi32, #tpu.memory_space<vmem>>) target_semaphore(%run_scoped3A : memref<!tpu.dma_semaphore, #tpu.memory_space<semaphore_mem>>)
      %dma_wait3A = arith.constant 0 : i32
      %dma_wait3A_31 = arith.constant 0 : i32
      %dma_wait3A_32 = tpu.memref_slice %arg4[%arg1, %dma_wait3A, %dma_wait3A_31] : memref<16x79x128xi32, #tpu.memory_space<hbm>> -> memref<1x79x128xi32, #tpu.memory_space<hbm>>
      %dma_wait3A_33 = tpu.memref_squeeze %dma_wait3A_32 : memref<1x79x128xi32, #tpu.memory_space<hbm>> -> memref<79x128xi32, #tpu.memory_space<hbm>>
      %dma_wait3A_34 = arith.constant 0 : i32
      %dma_wait3A_35 = arith.constant 0 : i32
      %dma_wait3A_36 = tpu.memref_slice %arg4[%arg1, %dma_wait3A_34, %dma_wait3A_35] : memref<16x79x128xi32, #tpu.memory_space<hbm>> -> memref<1x79x128xi32, #tpu.memory_space<hbm>>
      %dma_wait3A_37 = tpu.memref_squeeze %dma_wait3A_36 : memref<1x79x128xi32, #tpu.memory_space<hbm>> -> memref<79x128xi32, #tpu.memory_space<hbm>>
      tpu.wait_dma2 semaphore(%run_scoped3A : memref<!tpu.dma_semaphore, #tpu.memory_space<semaphore_mem>>) src(%dma_wait3A_37 : memref<79x128xi32, #tpu.memory_space<hbm>>) dst(%arg7 : memref<79x128xi32, #tpu.memory_space<vmem>>)
      tpu.yield
    }) : () -> ()
    %scan3A_16 = arith.constant 0 : i32
    %scan3A_17 = arith.constant 0 : i32
    %scan3A_18 = arith.constant 79 : i32
    %scan3A_19 = arith.addi %scan3A_17, %scan3A_18 : i32
    %scan3A_20 = arith.constant 1 : i32
    %scan3A_21 = scf.for %scan3A_24 = %scan3A_17 to %scan3A_19 step %scan3A_20 iter_args(%scan3A_25 = %scan3A_16) -> (i32)  : i32 {
      %dma_start3A = arith.constant 0 : i32
      %dma_start3A_26 = tpu.memref_slice %arg6[%scan3A_24, %dma_start3A] : memref<79x128xi32, #tpu.memory_space<vmem>> -> memref<1x128xi32, #tpu.memory_space<vmem>>
      %dma_start3A_27 = tpu.memref_squeeze %dma_start3A_26 : memref<1x128xi32, #tpu.memory_space<vmem>> -> memref<128xi32, #tpu.memory_space<vmem>>
      %dma_start3A_28 = arith.constant 0 : i32
      %dma_start3A_29 = arith.constant 0 : i32
      %dma_start3A_30 = tpu.memref_slice %arg2[%dma_start3A_28, %dma_start3A_29] : memref<20000x128xf32, #tpu.memory_space<hbm>> -> memref<20000x128xf32, #tpu.memory_space<hbm>>
      tpu.enqueue_indirect_dma source(%dma_start3A_30 : memref<20000x128xf32, #tpu.memory_space<hbm>>) target(%arg8 : memref<128x128xf32, #tpu.memory_space<vmem>>) offsets(%dma_start3A_27 : memref<128xi32, #tpu.memory_space<vmem>>) semaphore(%arg10 : memref<!tpu.dma_semaphore, #tpu.memory_space<semaphore_mem>>)
      %dma_wait3A = arith.constant 0 : i32
      %dma_wait3A_31 = tpu.memref_slice %arg6[%scan3A_24, %dma_wait3A] : memref<79x128xi32, #tpu.memory_space<vmem>> -> memref<1x128xi32, #tpu.memory_space<vmem>>
      %dma_wait3A_32 = tpu.memref_squeeze %dma_wait3A_31 : memref<1x128xi32, #tpu.memory_space<vmem>> -> memref<128xi32, #tpu.memory_space<vmem>>
      %dma_wait3A_33 = arith.constant 0 : i32
      %dma_wait3A_34 = arith.constant 0 : i32
      %dma_wait3A_35 = tpu.memref_slice %arg2[%dma_wait3A_33, %dma_wait3A_34] : memref<20000x128xf32, #tpu.memory_space<hbm>> -> memref<20000x128xf32, #tpu.memory_space<hbm>>
      tpu.wait_indirect_dma semaphore(%arg10 : memref<!tpu.dma_semaphore, #tpu.memory_space<semaphore_mem>>) src(%dma_wait3A_35 : memref<20000x128xf32, #tpu.memory_space<hbm>>) dst(%arg8 : memref<128x128xf32, #tpu.memory_space<vmem>>)
      "tpu.region"() ({
        %run_scoped3A = tpu.sem_alloc : memref<!tpu.dma_semaphore, #tpu.memory_space<semaphore_mem>>
        %dma_start3A_37 = arith.constant 0 : i32
        %dma_start3A_38 = tpu.memref_slice %arg7[%scan3A_24, %dma_start3A_37] : memref<79x128xi32, #tpu.memory_space<vmem>> -> memref<1x128xi32, #tpu.memory_space<vmem>>
        %dma_start3A_39 = tpu.memref_squeeze %dma_start3A_38 : memref<1x128xi32, #tpu.memory_space<vmem>> -> memref<128xi32, #tpu.memory_space<vmem>>
        %dma_start3A_40 = arith.constant 0 : i32
        %dma_start3A_41 = arith.constant 0 : i32
        %dma_start3A_42 = tpu.memref_slice %arg9[%dma_start3A_40, %dma_start3A_41] : memref<10240x128xf32, #tpu.memory_space<vmem_shared>> -> memref<10240x128xf32, #tpu.memory_space<vmem_shared>>
        tpu.enqueue_indirect_dma source(%arg8 : memref<128x128xf32, #tpu.memory_space<vmem>>) target(%dma_start3A_42 : memref<10240x128xf32, #tpu.memory_space<vmem_shared>>) offsets(%dma_start3A_39 : memref<128xi32, #tpu.memory_space<vmem>>) semaphore(%run_scoped3A : memref<!tpu.dma_semaphore, #tpu.memory_space<semaphore_mem>>) {add = true}
        %dma_wait3A_43 = arith.constant 0 : i32
        %dma_wait3A_44 = tpu.memref_slice %arg7[%scan3A_24, %dma_wait3A_43] : memref<79x128xi32, #tpu.memory_space<vmem>> -> memref<1x128xi32, #tpu.memory_space<vmem>>
        %dma_wait3A_45 = tpu.memref_squeeze %dma_wait3A_44 : memref<1x128xi32, #tpu.memory_space<vmem>> -> memref<128xi32, #tpu.memory_space<vmem>>
        %dma_wait3A_46 = arith.constant 0 : i32
        %dma_wait3A_47 = arith.constant 0 : i32
        %dma_wait3A_48 = tpu.memref_slice %arg9[%dma_wait3A_46, %dma_wait3A_47] : memref<10240x128xf32, #tpu.memory_space<vmem_shared>> -> memref<10240x128xf32, #tpu.memory_space<vmem_shared>>
        tpu.wait_indirect_dma semaphore(%run_scoped3A : memref<!tpu.dma_semaphore, #tpu.memory_space<semaphore_mem>>) src(%arg8 : memref<128x128xf32, #tpu.memory_space<vmem>>) dst(%dma_wait3A_48 : memref<10240x128xf32, #tpu.memory_space<vmem_shared>>)
        tpu.yield
      }) : () -> ()
      %scan3A_36 = arith.constant 0 : i32
      scf.yield %scan3A_36 : i32
    }
    %scan3A_22 = arith.constant 79 : i32
    %barrier3A_23 = arith.constant 0 : index
    tpu.barrier barrier_id(%barrier3A_23)
    "tpu.region"() ({
      %run_scoped3A = tpu.sem_alloc : memref<!tpu.dma_semaphore, #tpu.memory_space<semaphore_mem>>
      %dma_start3A = arith.constant 0 : i32
      %dma_start3A_24 = tpu.memref_slice %arg5[%arg0, %mul3A_0, %dma_start3A] : memref<2x10240x128xf32, #tpu.memory_space<hbm>> -> memref<1x640x128xf32, #tpu.memory_space<hbm>>
      %dma_start3A_25 = tpu.memref_squeeze %dma_start3A_24 : memref<1x640x128xf32, #tpu.memory_space<hbm>> -> memref<640x128xf32, #tpu.memory_space<hbm>>
      %dma_start3A_26 = arith.constant 0 : i32
      %dma_start3A_27 = tpu.memref_slice %arg9[%mul3A_0, %dma_start3A_26] : memref<10240x128xf32, #tpu.memory_space<vmem_shared>> -> memref<640x128xf32, #tpu.memory_space<vmem_shared>>
      tpu.enqueue_dma source(%dma_start3A_27 : memref<640x128xf32, #tpu.memory_space<vmem_shared>>) target(%dma_start3A_25 : memref<640x128xf32, #tpu.memory_space<hbm>>) target_semaphore(%run_scoped3A : memref<!tpu.dma_semaphore, #tpu.memory_space<semaphore_mem>>)
      %dma_wait3A = arith.constant 0 : i32
      %dma_wait3A_28 = tpu.memref_slice %arg5[%arg0, %mul3A_0, %dma_wait3A] : memref<2x10240x128xf32, #tpu.memory_space<hbm>> -> memref<1x640x128xf32, #tpu.memory_space<hbm>>
      %dma_wait3A_29 = tpu.memref_squeeze %dma_wait3A_28 : memref<1x640x128xf32, #tpu.memory_space<hbm>> -> memref<640x128xf32, #tpu.memory_space<hbm>>
      %dma_wait3A_30 = arith.constant 0 : i32
      %dma_wait3A_31 = tpu.memref_slice %arg9[%mul3A_0, %dma_wait3A_30] : memref<10240x128xf32, #tpu.memory_space<vmem_shared>> -> memref<640x128xf32, #tpu.memory_space<vmem_shared>>
      tpu.wait_dma2 semaphore(%run_scoped3A : memref<!tpu.dma_semaphore, #tpu.memory_space<semaphore_mem>>) src(%dma_wait3A_31 : memref<640x128xf32, #tpu.memory_space<vmem_shared>>) dst(%dma_wait3A_29 : memref<640x128xf32, #tpu.memory_space<hbm>>)
      tpu.yield
    }) : () -> ()
    return
  }
}

#map = affine_map<(d0, d1) -> (0, 0)>
#map1 = affine_map<(d0, d1) -> (0, 0, 0, 0)>
#map2 = affine_map<(d0, d1) -> (0, 0, 0)>
module attributes {stable_mosaic.version = 14 : i64} {
  func.func @segsum(%arg0: i32, %arg1: i32, %arg2: memref<20000x128xf32, #tpu.memory_space<hbm>>, %arg3: memref<2x16x79x128xi32, #tpu.memory_space<hbm>>, %arg4: memref<16x79x128xi32, #tpu.memory_space<hbm>>, %arg5: memref<2x10240x128xf32, #tpu.memory_space<hbm>>, %arg6: memref<79x128xi32, #tpu.memory_space<vmem>>, %arg7: memref<79x128xi32, #tpu.memory_space<vmem>>, %arg8: memref<128x128xf32, #tpu.memory_space<vmem>>, %arg9: memref<10240x128xf32, #tpu.memory_space<vmem_shared>>, %arg10: memref<!tpu.dma_semaphore, #tpu.memory_space<semaphore_mem>>) attributes {dimension_semantics = [#tpu.dimension_semantics<core_parallel>, #tpu.dimension_semantics<subcore_parallel>], iteration_bounds = array<i64: 2, 16>, scalar_prefetch = 0 : i64, scratch_operands = 5 : i64, tpu.core_type = #tpu.core_type<sc_vector_subcore>, window_params = [{transform_indices = #map}, {transform_indices = #map1}, {transform_indices = #map2}, {transform_indices = #map2}]} {
    %mul3A = arith.constant 640 : i32
    %mul3A_0 = arith.muli %arg1, %mul3A : i32
    %scan3A = arith.constant 0 : i32
    %scan3A_1 = arith.constant 0 : i32
    %scan3A_2 = arith.constant 1024 : i32
    %scan3A_3 = arith.addi %scan3A_1, %scan3A_2 : i32
    %scan3A_4 = arith.constant 1 : i32
    %scan3A_5 = scf.for %scan3A_24 = %scan3A_1 to %scan3A_3 step %scan3A_4 iter_args(%scan3A_25 = %scan3A) -> (i32)  : i32 {
      %jit3A = arith.constant 8 : i32
      %div3A = arith.divsi %scan3A_24, %jit3A : i32
      %sign3A = arith.constant 0 : i32
      %sign3A_26 = arith.cmpi sgt, %scan3A_24, %sign3A : i32
      %sign3A_27 = arith.extui %sign3A_26 : i1 to i32
      %sign3A_28 = arith.constant 0 : i32
      %sign3A_29 = arith.cmpi slt, %scan3A_24, %sign3A_28 : i32
      %sign3A_30 = arith.extui %sign3A_29 : i1 to i32
      %sign3A_31 = arith.subi %sign3A_27, %sign3A_30 : i32
      %sign3A_32 = arith.constant 0 : i32
      %sign3A_33 = arith.cmpi sgt, %jit3A, %sign3A_32 : i32
      %sign3A_34 = arith.extui %sign3A_33 : i1 to i32
      %sign3A_35 = arith.constant 0 : i32
      %sign3A_36 = arith.cmpi slt, %jit3A, %sign3A_35 : i32
      %sign3A_37 = arith.extui %sign3A_36 : i1 to i32
      %sign3A_38 = arith.subi %sign3A_34, %sign3A_37 : i32
      %ne3A = arith.cmpi ne, %sign3A_31, %sign3A_38 : i32
      %rem3A = arith.remsi %scan3A_24, %jit3A : i32
      %ne3A_39 = arith.constant 0 : i32
      %ne3A_40 = arith.cmpi ne, %rem3A, %ne3A_39 : i32
      %and3A = arith.andi %ne3A, %ne3A_40 : i1
      %sub3A = arith.constant 1 : i32
      %sub3A_41 = arith.subi %div3A, %sub3A : i32
      %select_n3A = arith.select %and3A, %sub3A_41, %div3A : i32
      %jit3A_42 = arith.constant 8 : i32
      %eq3A = arith.constant 0 : i32
      %eq3A_43 = arith.cmpi eq, %jit3A_42, %eq3A : i32
      %jit3A_44 = arith.constant 1 : i32
      %select_n3A_45 = arith.select %eq3A_43, %jit3A_44, %jit3A_42 : i32
      %rem3A_46 = arith.remsi %scan3A_24, %select_n3A_45 : i32
      %ne3A_47 = arith.constant 0 : i32
      %ne3A_48 = arith.cmpi ne, %rem3A_46, %ne3A_47 : i32
      %lt3A = arith.constant 0 : i32
      %lt3A_49 = arith.cmpi slt, %rem3A_46, %lt3A : i32
      %lt3A_50 = arith.constant 0 : i32
      %lt3A_51 = arith.cmpi slt, %select_n3A_45, %lt3A_50 : i32
      %ne3A_52 = arith.xori %lt3A_49, %lt3A_51 : i1
      %and3A_53 = arith.andi %ne3A_52, %ne3A_48 : i1
      %add3A_54 = arith.addi %rem3A_46, %select_n3A_45 : i32
      %select_n3A_55 = arith.select %and3A_53, %add3A_54, %rem3A_46 : i32
      %broadcast_in_dim3A = arith.constant 0.000000e+00 : f32
      %broadcast_in_dim3A_56 = vector.broadcast %broadcast_in_dim3A : f32 to vector<16xf32>
      %mul3A_57 = arith.constant 16 : i32
      %mul3A_58 = arith.muli %select_n3A_55, %mul3A_57 : i32
      %swap3A = arith.index_cast %select_n3A : i32 to index
      %swap3A_59 = arith.index_cast %mul3A_58 : i32 to index
      %swap3A_60 = tpu.vector_load %arg8[%swap3A, %swap3A_59] {strides = array<i32>} : memref<128x128xf32, #tpu.memory_space<vmem>>, vector<1x16xf32>,
      %swap3A_61 = vector.shape_cast %swap3A_60 : vector<1x16xf32> to vector<16xf32>
      %swap3A_62 = vector.shape_cast %broadcast_in_dim3A_56 : vector<16xf32> to vector<1x16xf32>
      tpu.vector_store %arg8[%swap3A, %swap3A_59], %swap3A_62 {strides = array<i32>} : memref<128x128xf32, #tpu.memory_space<vmem>>, vector<1x16xf32>,
      %scan3A_63 = arith.constant 0 : i32
      scf.yield %scan3A_63 : i32
    }
    %scan3A_6 = arith.constant 1024 : i32
    %add3A = arith.constant 0 : i32
    %add3A_7 = arith.addi %mul3A_0, %add3A : i32
    "tpu.region"() ({
      %run_scoped3A = tpu.sem_alloc : memref<!tpu.dma_semaphore, #tpu.memory_space<semaphore_mem>>
      %dma_start3A = arith.constant 0 : i32
      %dma_start3A_24 = tpu.memref_slice %arg9[%add3A_7, %dma_start3A] : memref<10240x128xf32, #tpu.memory_space<vmem_shared>> -> memref<128x128xf32, #tpu.memory_space<vmem_shared>>
      %dma_start3A_25 = arith.constant 0 : i32
      %dma_start3A_26 = tpu.memref_slice %arg9[%add3A_7, %dma_start3A_25] : memref<10240x128xf32, #tpu.memory_space<vmem_shared>> -> memref<128x128xf32, #tpu.memory_space<vmem_shared>>
      tpu.enqueue_dma source(%arg8 : memref<128x128xf32, #tpu.memory_space<vmem>>) target(%dma_start3A_26 : memref<128x128xf32, #tpu.memory_space<vmem_shared>>) target_semaphore(%run_scoped3A : memref<!tpu.dma_semaphore, #tpu.memory_space<semaphore_mem>>)
      %dma_wait3A = arith.constant 0 : i32
      %dma_wait3A_27 = tpu.memref_slice %arg9[%add3A_7, %dma_wait3A] : memref<10240x128xf32, #tpu.memory_space<vmem_shared>> -> memref<128x128xf32, #tpu.memory_space<vmem_shared>>
      %dma_wait3A_28 = arith.constant 0 : i32
      %dma_wait3A_29 = tpu.memref_slice %arg9[%add3A_7, %dma_wait3A_28] : memref<10240x128xf32, #tpu.memory_space<vmem_shared>> -> memref<128x128xf32, #tpu.memory_space<vmem_shared>>
      tpu.wait_dma2 semaphore(%run_scoped3A : memref<!tpu.dma_semaphore, #tpu.memory_space<semaphore_mem>>) src(%arg8 : memref<128x128xf32, #tpu.memory_space<vmem>>) dst(%dma_wait3A_29 : memref<128x128xf32, #tpu.memory_space<vmem_shared>>)
      tpu.yield
    }) : () -> ()
    %add3A_8 = arith.constant 128 : i32
    %add3A_9 = arith.addi %mul3A_0, %add3A_8 : i32
    "tpu.region"() ({
      %run_scoped3A = tpu.sem_alloc : memref<!tpu.dma_semaphore, #tpu.memory_space<semaphore_mem>>
      %dma_start3A = arith.constant 0 : i32
      %dma_start3A_24 = tpu.memref_slice %arg9[%add3A_9, %dma_start3A] : memref<10240x128xf32, #tpu.memory_space<vmem_shared>> -> memref<128x128xf32, #tpu.memory_space<vmem_shared>>
      %dma_start3A_25 = arith.constant 0 : i32
      %dma_start3A_26 = tpu.memref_slice %arg9[%add3A_9, %dma_start3A_25] : memref<10240x128xf32, #tpu.memory_space<vmem_shared>> -> memref<128x128xf32, #tpu.memory_space<vmem_shared>>
      tpu.enqueue_dma source(%arg8 : memref<128x128xf32, #tpu.memory_space<vmem>>) target(%dma_start3A_26 : memref<128x128xf32, #tpu.memory_space<vmem_shared>>) target_semaphore(%run_scoped3A : memref<!tpu.dma_semaphore, #tpu.memory_space<semaphore_mem>>)
      %dma_wait3A = arith.constant 0 : i32
      %dma_wait3A_27 = tpu.memref_slice %arg9[%add3A_9, %dma_wait3A] : memref<10240x128xf32, #tpu.memory_space<vmem_shared>> -> memref<128x128xf32, #tpu.memory_space<vmem_shared>>
      %dma_wait3A_28 = arith.constant 0 : i32
      %dma_wait3A_29 = tpu.memref_slice %arg9[%add3A_9, %dma_wait3A_28] : memref<10240x128xf32, #tpu.memory_space<vmem_shared>> -> memref<128x128xf32, #tpu.memory_space<vmem_shared>>
      tpu.wait_dma2 semaphore(%run_scoped3A : memref<!tpu.dma_semaphore, #tpu.memory_space<semaphore_mem>>) src(%arg8 : memref<128x128xf32, #tpu.memory_space<vmem>>) dst(%dma_wait3A_29 : memref<128x128xf32, #tpu.memory_space<vmem_shared>>)
      tpu.yield
    }) : () -> ()
    %add3A_10 = arith.constant 256 : i32
    %add3A_11 = arith.addi %mul3A_0, %add3A_10 : i32
    "tpu.region"() ({
      %run_scoped3A = tpu.sem_alloc : memref<!tpu.dma_semaphore, #tpu.memory_space<semaphore_mem>>
      %dma_start3A = arith.constant 0 : i32
      %dma_start3A_24 = tpu.memref_slice %arg9[%add3A_11, %dma_start3A] : memref<10240x128xf32, #tpu.memory_space<vmem_shared>> -> memref<128x128xf32, #tpu.memory_space<vmem_shared>>
      %dma_start3A_25 = arith.constant 0 : i32
      %dma_start3A_26 = tpu.memref_slice %arg9[%add3A_11, %dma_start3A_25] : memref<10240x128xf32, #tpu.memory_space<vmem_shared>> -> memref<128x128xf32, #tpu.memory_space<vmem_shared>>
      tpu.enqueue_dma source(%arg8 : memref<128x128xf32, #tpu.memory_space<vmem>>) target(%dma_start3A_26 : memref<128x128xf32, #tpu.memory_space<vmem_shared>>) target_semaphore(%run_scoped3A : memref<!tpu.dma_semaphore, #tpu.memory_space<semaphore_mem>>)
      %dma_wait3A = arith.constant 0 : i32
      %dma_wait3A_27 = tpu.memref_slice %arg9[%add3A_11, %dma_wait3A] : memref<10240x128xf32, #tpu.memory_space<vmem_shared>> -> memref<128x128xf32, #tpu.memory_space<vmem_shared>>
      %dma_wait3A_28 = arith.constant 0 : i32
      %dma_wait3A_29 = tpu.memref_slice %arg9[%add3A_11, %dma_wait3A_28] : memref<10240x128xf32, #tpu.memory_space<vmem_shared>> -> memref<128x128xf32, #tpu.memory_space<vmem_shared>>
      tpu.wait_dma2 semaphore(%run_scoped3A : memref<!tpu.dma_semaphore, #tpu.memory_space<semaphore_mem>>) src(%arg8 : memref<128x128xf32, #tpu.memory_space<vmem>>) dst(%dma_wait3A_29 : memref<128x128xf32, #tpu.memory_space<vmem_shared>>)
      tpu.yield
    }) : () -> ()
    %add3A_12 = arith.constant 384 : i32
    %add3A_13 = arith.addi %mul3A_0, %add3A_12 : i32
    "tpu.region"() ({
      %run_scoped3A = tpu.sem_alloc : memref<!tpu.dma_semaphore, #tpu.memory_space<semaphore_mem>>
      %dma_start3A = arith.constant 0 : i32
      %dma_start3A_24 = tpu.memref_slice %arg9[%add3A_13, %dma_start3A] : memref<10240x128xf32, #tpu.memory_space<vmem_shared>> -> memref<128x128xf32, #tpu.memory_space<vmem_shared>>
      %dma_start3A_25 = arith.constant 0 : i32
      %dma_start3A_26 = tpu.memref_slice %arg9[%add3A_13, %dma_start3A_25] : memref<10240x128xf32, #tpu.memory_space<vmem_shared>> -> memref<128x128xf32, #tpu.memory_space<vmem_shared>>
      tpu.enqueue_dma source(%arg8 : memref<128x128xf32, #tpu.memory_space<vmem>>) target(%dma_start3A_26 : memref<128x128xf32, #tpu.memory_space<vmem_shared>>) target_semaphore(%run_scoped3A : memref<!tpu.dma_semaphore, #tpu.memory_space<semaphore_mem>>)
      %dma_wait3A = arith.constant 0 : i32
      %dma_wait3A_27 = tpu.memref_slice %arg9[%add3A_13, %dma_wait3A] : memref<10240x128xf32, #tpu.memory_space<vmem_shared>> -> memref<128x128xf32, #tpu.memory_space<vmem_shared>>
      %dma_wait3A_28 = arith.constant 0 : i32
      %dma_wait3A_29 = tpu.memref_slice %arg9[%add3A_13, %dma_wait3A_28] : memref<10240x128xf32, #tpu.memory_space<vmem_shared>> -> memref<128x128xf32, #tpu.memory_space<vmem_shared>>
      tpu.wait_dma2 semaphore(%run_scoped3A : memref<!tpu.dma_semaphore, #tpu.memory_space<semaphore_mem>>) src(%arg8 : memref<128x128xf32, #tpu.memory_space<vmem>>) dst(%dma_wait3A_29 : memref<128x128xf32, #tpu.memory_space<vmem_shared>>)
      tpu.yield
    }) : () -> ()
    %add3A_14 = arith.constant 512 : i32
    %add3A_15 = arith.addi %mul3A_0, %add3A_14 : i32
    "tpu.region"() ({
      %run_scoped3A = tpu.sem_alloc : memref<!tpu.dma_semaphore, #tpu.memory_space<semaphore_mem>>
      %dma_start3A = arith.constant 0 : i32
      %dma_start3A_24 = tpu.memref_slice %arg9[%add3A_15, %dma_start3A] : memref<10240x128xf32, #tpu.memory_space<vmem_shared>> -> memref<128x128xf32, #tpu.memory_space<vmem_shared>>
      %dma_start3A_25 = arith.constant 0 : i32
      %dma_start3A_26 = tpu.memref_slice %arg9[%add3A_15, %dma_start3A_25] : memref<10240x128xf32, #tpu.memory_space<vmem_shared>> -> memref<128x128xf32, #tpu.memory_space<vmem_shared>>
      tpu.enqueue_dma source(%arg8 : memref<128x128xf32, #tpu.memory_space<vmem>>) target(%dma_start3A_26 : memref<128x128xf32, #tpu.memory_space<vmem_shared>>) target_semaphore(%run_scoped3A : memref<!tpu.dma_semaphore, #tpu.memory_space<semaphore_mem>>)
      %dma_wait3A = arith.constant 0 : i32
      %dma_wait3A_27 = tpu.memref_slice %arg9[%add3A_15, %dma_wait3A] : memref<10240x128xf32, #tpu.memory_space<vmem_shared>> -> memref<128x128xf32, #tpu.memory_space<vmem_shared>>
      %dma_wait3A_28 = arith.constant 0 : i32
      %dma_wait3A_29 = tpu.memref_slice %arg9[%add3A_15, %dma_wait3A_28] : memref<10240x128xf32, #tpu.memory_space<vmem_shared>> -> memref<128x128xf32, #tpu.memory_space<vmem_shared>>
      tpu.wait_dma2 semaphore(%run_scoped3A : memref<!tpu.dma_semaphore, #tpu.memory_space<semaphore_mem>>) src(%arg8 : memref<128x128xf32, #tpu.memory_space<vmem>>) dst(%dma_wait3A_29 : memref<128x128xf32, #tpu.memory_space<vmem_shared>>)
      tpu.yield
    }) : () -> ()
    %barrier3A = arith.constant 0 : index
    tpu.barrier barrier_id(%barrier3A)
    "tpu.region"() ({
      %run_scoped3A = tpu.sem_alloc : memref<!tpu.dma_semaphore, #tpu.memory_space<semaphore_mem>>
      %dma_start3A = arith.constant 0 : i32
      %dma_start3A_24 = arith.constant 0 : i32
      %dma_start3A_25 = tpu.memref_slice %arg3[%arg0, %arg1, %dma_start3A, %dma_start3A_24] : memref<2x16x79x128xi32, #tpu.memory_space<hbm>> -> memref<1x1x79x128xi32, #tpu.memory_space<hbm>>
      %dma_start3A_26 = tpu.memref_squeeze %dma_start3A_25 : memref<1x1x79x128xi32, #tpu.memory_space<hbm>> -> memref<79x128xi32, #tpu.memory_space<hbm>>
      %dma_start3A_27 = arith.constant 0 : i32
      %dma_start3A_28 = arith.constant 0 : i32
      %dma_start3A_29 = tpu.memref_slice %arg3[%arg0, %arg1, %dma_start3A_27, %dma_start3A_28] : memref<2x16x79x128xi32, #tpu.memory_space<hbm>> -> memref<1x1x79x128xi32, #tpu.memory_space<hbm>>
      %dma_start3A_30 = tpu.memref_squeeze %dma_start3A_29 : memref<1x1x79x128xi32, #tpu.memory_space<hbm>> -> memref<79x128xi32, #tpu.memory_space<hbm>>
      tpu.enqueue_dma source(%dma_start3A_30 : memref<79x128xi32, #tpu.memory_space<hbm>>) target(%arg6 : memref<79x128xi32, #tpu.memory_space<vmem>>) target_semaphore(%run_scoped3A : memref<!tpu.dma_semaphore, #tpu.memory_space<semaphore_mem>>)
      %dma_wait3A = arith.constant 0 : i32
      %dma_wait3A_31 = arith.constant 0 : i32
      %dma_wait3A_32 = tpu.memref_slice %arg3[%arg0, %arg1, %dma_wait3A, %dma_wait3A_31] : memref<2x16x79x128xi32, #tpu.memory_space<hbm>> -> memref<1x1x79x128xi32, #tpu.memory_space<hbm>>
      %dma_wait3A_33 = tpu.memref_squeeze %dma_wait3A_32 : memref<1x1x79x128xi32, #tpu.memory_space<hbm>> -> memref<79x128xi32, #tpu.memory_space<hbm>>
      %dma_wait3A_34 = arith.constant 0 : i32
      %dma_wait3A_35 = arith.constant 0 : i32
      %dma_wait3A_36 = tpu.memref_slice %arg3[%arg0, %arg1, %dma_wait3A_34, %dma_wait3A_35] : memref<2x16x79x128xi32, #tpu.memory_space<hbm>> -> memref<1x1x79x128xi32, #tpu.memory_space<hbm>>
      %dma_wait3A_37 = tpu.memref_squeeze %dma_wait3A_36 : memref<1x1x79x128xi32, #tpu.memory_space<hbm>> -> memref<79x128xi32, #tpu.memory_space<hbm>>
      tpu.wait_dma2 semaphore(%run_scoped3A : memref<!tpu.dma_semaphore, #tpu.memory_space<semaphore_mem>>) src(%dma_wait3A_37 : memref<79x128xi32, #tpu.memory_space<hbm>>) dst(%arg6 : memref<79x128xi32, #tpu.memory_space<vmem>>)
      tpu.yield
    }) : () -> ()
    "tpu.region"() ({
      %run_scoped3A = tpu.sem_alloc : memref<!tpu.dma_semaphore, #tpu.memory_space<semaphore_mem>>
      %dma_start3A = arith.constant 0 : i32
      %dma_start3A_24 = arith.constant 0 : i32
      %dma_start3A_25 = tpu.memref_slice %arg4[%arg1, %dma_start3A, %dma_start3A_24] : memref<16x79x128xi32, #tpu.memory_space<hbm>> -> memref<1x79x128xi32, #tpu.memory_space<hbm>>
      %dma_start3A_26 = tpu.memref_squeeze %dma_start3A_25 : memref<1x79x128xi32, #tpu.memory_space<hbm>> -> memref<79x128xi32, #tpu.memory_space<hbm>>
      %dma_start3A_27 = arith.constant 0 : i32
      %dma_start3A_28 = arith.constant 0 : i32
      %dma_start3A_29 = tpu.memref_slice %arg4[%arg1, %dma_start3A_27, %dma_start3A_28] : memref<16x79x128xi32, #tpu.memory_space<hbm>> -> memref<1x79x128xi32, #tpu.memory_space<hbm>>
      %dma_start3A_30 = tpu.memref_squeeze %dma_start3A_29 : memref<1x79x128xi32, #tpu.memory_space<hbm>> -> memref<79x128xi32, #tpu.memory_space<hbm>>
      tpu.enqueue_dma source(%dma_start3A_30 : memref<79x128xi32, #tpu.memory_space<hbm>>) target(%arg7 : memref<79x128xi32, #tpu.memory_space<vmem>>) target_semaphore(%run_scoped3A : memref<!tpu.dma_semaphore, #tpu.memory_space<semaphore_mem>>)
      %dma_wait3A = arith.constant 0 : i32
      %dma_wait3A_31 = arith.constant 0 : i32
      %dma_wait3A_32 = tpu.memref_slice %arg4[%arg1, %dma_wait3A, %dma_wait3A_31] : memref<16x79x128xi32, #tpu.memory_space<hbm>> -> memref<1x79x128xi32, #tpu.memory_space<hbm>>
      %dma_wait3A_33 = tpu.memref_squeeze %dma_wait3A_32 : memref<1x79x128xi32, #tpu.memory_space<hbm>> -> memref<79x128xi32, #tpu.memory_space<hbm>>
      %dma_wait3A_34 = arith.constant 0 : i32
      %dma_wait3A_35 = arith.constant 0 : i32
      %dma_wait3A_36 = tpu.memref_slice %arg4[%arg1, %dma_wait3A_34, %dma_wait3A_35] : memref<16x79x128xi32, #tpu.memory_space<hbm>> -> memref<1x79x128xi32, #tpu.memory_space<hbm>>
      %dma_wait3A_37 = tpu.memref_squeeze %dma_wait3A_36 : memref<1x79x128xi32, #tpu.memory_space<hbm>> -> memref<79x128xi32, #tpu.memory_space<hbm>>
      tpu.wait_dma2 semaphore(%run_scoped3A : memref<!tpu.dma_semaphore, #tpu.memory_space<semaphore_mem>>) src(%dma_wait3A_37 : memref<79x128xi32, #tpu.memory_space<hbm>>) dst(%arg7 : memref<79x128xi32, #tpu.memory_space<vmem>>)
      tpu.yield
    }) : () -> ()
    %scan3A_16 = arith.constant 0 : i32
    %scan3A_17 = arith.constant 0 : i32
    %scan3A_18 = arith.constant 79 : i32
    %scan3A_19 = arith.addi %scan3A_17, %scan3A_18 : i32
    %scan3A_20 = arith.constant 1 : i32
    %scan3A_21 = scf.for %scan3A_24 = %scan3A_17 to %scan3A_19 step %scan3A_20 iter_args(%scan3A_25 = %scan3A_16) -> (i32)  : i32 {
      %dma_start3A = arith.constant 0 : i32
      %dma_start3A_26 = tpu.memref_slice %arg6[%scan3A_24, %dma_start3A] : memref<79x128xi32, #tpu.memory_space<vmem>> -> memref<1x128xi32, #tpu.memory_space<vmem>>
      %dma_start3A_27 = tpu.memref_squeeze %dma_start3A_26 : memref<1x128xi32, #tpu.memory_space<vmem>> -> memref<128xi32, #tpu.memory_space<vmem>>
      %dma_start3A_28 = arith.constant 0 : i32
      %dma_start3A_29 = arith.constant 0 : i32
      %dma_start3A_30 = tpu.memref_slice %arg2[%dma_start3A_28, %dma_start3A_29] : memref<20000x128xf32, #tpu.memory_space<hbm>> -> memref<20000x128xf32, #tpu.memory_space<hbm>>
      tpu.enqueue_indirect_dma source(%dma_start3A_30 : memref<20000x128xf32, #tpu.memory_space<hbm>>) target(%arg8 : memref<128x128xf32, #tpu.memory_space<vmem>>) offsets(%dma_start3A_27 : memref<128xi32, #tpu.memory_space<vmem>>) semaphore(%arg10 : memref<!tpu.dma_semaphore, #tpu.memory_space<semaphore_mem>>)
      %dma_wait3A = arith.constant 0 : i32
      %dma_wait3A_31 = tpu.memref_slice %arg6[%scan3A_24, %dma_wait3A] : memref<79x128xi32, #tpu.memory_space<vmem>> -> memref<1x128xi32, #tpu.memory_space<vmem>>
      %dma_wait3A_32 = tpu.memref_squeeze %dma_wait3A_31 : memref<1x128xi32, #tpu.memory_space<vmem>> -> memref<128xi32, #tpu.memory_space<vmem>>
      %dma_wait3A_33 = arith.constant 0 : i32
      %dma_wait3A_34 = arith.constant 0 : i32
      %dma_wait3A_35 = tpu.memref_slice %arg2[%dma_wait3A_33, %dma_wait3A_34] : memref<20000x128xf32, #tpu.memory_space<hbm>> -> memref<20000x128xf32, #tpu.memory_space<hbm>>
      tpu.wait_indirect_dma semaphore(%arg10 : memref<!tpu.dma_semaphore, #tpu.memory_space<semaphore_mem>>) src(%dma_wait3A_35 : memref<20000x128xf32, #tpu.memory_space<hbm>>) dst(%arg8 : memref<128x128xf32, #tpu.memory_space<vmem>>)
      "tpu.region"() ({
        %run_scoped3A = tpu.sem_alloc : memref<!tpu.dma_semaphore, #tpu.memory_space<semaphore_mem>>
        %dma_start3A_37 = arith.constant 0 : i32
        %dma_start3A_38 = tpu.memref_slice %arg7[%scan3A_24, %dma_start3A_37] : memref<79x128xi32, #tpu.memory_space<vmem>> -> memref<1x128xi32, #tpu.memory_space<vmem>>
        %dma_start3A_39 = tpu.memref_squeeze %dma_start3A_38 : memref<1x128xi32, #tpu.memory_space<vmem>> -> memref<128xi32, #tpu.memory_space<vmem>>
        %dma_start3A_40 = arith.constant 0 : i32
        %dma_start3A_41 = arith.constant 0 : i32
        %dma_start3A_42 = tpu.memref_slice %arg9[%dma_start3A_40, %dma_start3A_41] : memref<10240x128xf32, #tpu.memory_space<vmem_shared>> -> memref<10240x128xf32, #tpu.memory_space<vmem_shared>>
        tpu.enqueue_indirect_dma source(%arg8 : memref<128x128xf32, #tpu.memory_space<vmem>>) target(%dma_start3A_42 : memref<10240x128xf32, #tpu.memory_space<vmem_shared>>) offsets(%dma_start3A_39 : memref<128xi32, #tpu.memory_space<vmem>>) semaphore(%run_scoped3A : memref<!tpu.dma_semaphore, #tpu.memory_space<semaphore_mem>>) {add = true}
        %dma_wait3A_43 = arith.constant 0 : i32
        %dma_wait3A_44 = tpu.memref_slice %arg7[%scan3A_24, %dma_wait3A_43] : memref<79x128xi32, #tpu.memory_space<vmem>> -> memref<1x128xi32, #tpu.memory_space<vmem>>
        %dma_wait3A_45 = tpu.memref_squeeze %dma_wait3A_44 : memref<1x128xi32, #tpu.memory_space<vmem>> -> memref<128xi32, #tpu.memory_space<vmem>>
        %dma_wait3A_46 = arith.constant 0 : i32
        %dma_wait3A_47 = arith.constant 0 : i32
        %dma_wait3A_48 = tpu.memref_slice %arg9[%dma_wait3A_46, %dma_wait3A_47] : memref<10240x128xf32, #tpu.memory_space<vmem_shared>> -> memref<10240x128xf32, #tpu.memory_space<vmem_shared>>
        tpu.wait_indirect_dma semaphore(%run_scoped3A : memref<!tpu.dma_semaphore, #tpu.memory_space<semaphore_mem>>) src(%arg8 : memref<128x128xf32, #tpu.memory_space<vmem>>) dst(%dma_wait3A_48 : memref<10240x128xf32, #tpu.memory_space<vmem_shared>>)
        tpu.yield
      }) : () -> ()
      %scan3A_36 = arith.constant 0 : i32
      scf.yield %scan3A_36 : i32
    }
    %scan3A_22 = arith.constant 79 : i32
    %barrier3A_23 = arith.constant 0 : index
    tpu.barrier barrier_id(%barrier3A_23)
    "tpu.region"() ({
      %run_scoped3A = tpu.sem_alloc : memref<!tpu.dma_semaphore, #tpu.memory_space<semaphore_mem>>
      %dma_start3A = arith.constant 0 : i32
      %dma_start3A_24 = tpu.memref_slice %arg5[%arg0, %mul3A_0, %dma_start3A] : memref<2x10240x128xf32, #tpu.memory_space<hbm>> -> memref<1x640x128xf32, #tpu.memory_space<hbm>>
      %dma_start3A_25 = tpu.memref_squeeze %dma_start3A_24 : memref<1x640x128xf32, #tpu.memory_space<hbm>> -> memref<640x128xf32, #tpu.memory_space<hbm>>
      %dma_start3A_26 = arith.constant 0 : i32
      %dma_start3A_27 = tpu.memref_slice %arg9[%mul3A_0, %dma_start3A_26] : memref<10240x128xf32, #tpu.memory_space<vmem_shared>> -> memref<640x128xf32, #tpu.memory_space<vmem_shared>>
      tpu.enqueue_dma source(%dma_start3A_27 : memref<640x128xf32, #tpu.memory_space<vmem_shared>>) target(%dma_start3A_25 : memref<640x128xf32, #tpu.memory_space<hbm>>) target_semaphore(%run_scoped3A : memref<!tpu.dma_semaphore, #tpu.memory_space<semaphore_mem>>)
      %dma_wait3A = arith.constant 0 : i32
      %dma_wait3A_28 = tpu.memref_slice %arg5[%arg0, %mul3A_0, %dma_wait3A] : memref<2x10240x128xf32, #tpu.memory_space<hbm>> -> memref<1x640x128xf32, #tpu.memory_space<hbm>>
      %dma_wait3A_29 = tpu.memref_squeeze %dma_wait3A_28 : memref<1x640x128xf32, #tpu.memory_space<hbm>> -> memref<640x128xf32, #tpu.memory_space<hbm>>
      %dma_wait3A_30 = arith.constant 0 : i32
      %dma_wait3A_31 = tpu.memref_slice %arg9[%mul3A_0, %dma_wait3A_30] : memref<10240x128xf32, #tpu.memory_space<vmem_shared>> -> memref<640x128xf32, #tpu.memory_space<vmem_shared>>
      tpu.wait_dma2 semaphore(%run_scoped3A : memref<!tpu.dma_semaphore, #tpu.memory_space<semaphore_mem>>) src(%dma_wait3A_31 : memref<640x128xf32, #tpu.memory_space<vmem_shared>>) dst(%dma_wait3A_29 : memref<640x128xf32, #tpu.memory_space<hbm>>)
      tpu.yield
    }) : () -> ()
    return
  }
}

#map = affine_map<(d0, d1) -> (0, 0)>
#map1 = affine_map<(d0, d1) -> (0, 0, 0, 0)>
#map2 = affine_map<(d0, d1) -> (0, 0, 0)>
module attributes {stable_mosaic.version = 14 : i64} {
  func.func @segsum(%arg0: i32, %arg1: i32, %arg2: memref<20000x128xf32, #tpu.memory_space<hbm>>, %arg3: memref<2x16x79x128xi32, #tpu.memory_space<hbm>>, %arg4: memref<16x79x128xi32, #tpu.memory_space<hbm>>, %arg5: memref<2x10240x128xf32, #tpu.memory_space<hbm>>, %arg6: memref<79x128xi32, #tpu.memory_space<vmem>>, %arg7: memref<79x128xi32, #tpu.memory_space<vmem>>, %arg8: memref<128x128xf32, #tpu.memory_space<vmem>>, %arg9: memref<10240x128xf32, #tpu.memory_space<vmem_shared>>, %arg10: memref<!tpu.dma_semaphore, #tpu.memory_space<semaphore_mem>>) attributes {dimension_semantics = [#tpu.dimension_semantics<core_parallel>, #tpu.dimension_semantics<subcore_parallel>], iteration_bounds = array<i64: 2, 16>, scalar_prefetch = 0 : i64, scratch_operands = 5 : i64, tpu.core_type = #tpu.core_type<sc_vector_subcore>, window_params = [{transform_indices = #map}, {transform_indices = #map1}, {transform_indices = #map2}, {transform_indices = #map2}]} {
    %mul3A = arith.constant 640 : i32
    %mul3A_0 = arith.muli %arg1, %mul3A : i32
    %scan3A = arith.constant 0 : i32
    %scan3A_1 = arith.constant 0 : i32
    %scan3A_2 = arith.constant 1024 : i32
    %scan3A_3 = arith.addi %scan3A_1, %scan3A_2 : i32
    %scan3A_4 = arith.constant 1 : i32
    %scan3A_5 = scf.for %scan3A_24 = %scan3A_1 to %scan3A_3 step %scan3A_4 iter_args(%scan3A_25 = %scan3A) -> (i32)  : i32 {
      %jit3A = arith.constant 8 : i32
      %div3A = arith.divsi %scan3A_24, %jit3A : i32
      %sign3A = arith.constant 0 : i32
      %sign3A_26 = arith.cmpi sgt, %scan3A_24, %sign3A : i32
      %sign3A_27 = arith.extui %sign3A_26 : i1 to i32
      %sign3A_28 = arith.constant 0 : i32
      %sign3A_29 = arith.cmpi slt, %scan3A_24, %sign3A_28 : i32
      %sign3A_30 = arith.extui %sign3A_29 : i1 to i32
      %sign3A_31 = arith.subi %sign3A_27, %sign3A_30 : i32
      %sign3A_32 = arith.constant 0 : i32
      %sign3A_33 = arith.cmpi sgt, %jit3A, %sign3A_32 : i32
      %sign3A_34 = arith.extui %sign3A_33 : i1 to i32
      %sign3A_35 = arith.constant 0 : i32
      %sign3A_36 = arith.cmpi slt, %jit3A, %sign3A_35 : i32
      %sign3A_37 = arith.extui %sign3A_36 : i1 to i32
      %sign3A_38 = arith.subi %sign3A_34, %sign3A_37 : i32
      %ne3A = arith.cmpi ne, %sign3A_31, %sign3A_38 : i32
      %rem3A = arith.remsi %scan3A_24, %jit3A : i32
      %ne3A_39 = arith.constant 0 : i32
      %ne3A_40 = arith.cmpi ne, %rem3A, %ne3A_39 : i32
      %and3A = arith.andi %ne3A, %ne3A_40 : i1
      %sub3A = arith.constant 1 : i32
      %sub3A_41 = arith.subi %div3A, %sub3A : i32
      %select_n3A = arith.select %and3A, %sub3A_41, %div3A : i32
      %jit3A_42 = arith.constant 8 : i32
      %eq3A = arith.constant 0 : i32
      %eq3A_43 = arith.cmpi eq, %jit3A_42, %eq3A : i32
      %jit3A_44 = arith.constant 1 : i32
      %select_n3A_45 = arith.select %eq3A_43, %jit3A_44, %jit3A_42 : i32
      %rem3A_46 = arith.remsi %scan3A_24, %select_n3A_45 : i32
      %ne3A_47 = arith.constant 0 : i32
      %ne3A_48 = arith.cmpi ne, %rem3A_46, %ne3A_47 : i32
      %lt3A = arith.constant 0 : i32
      %lt3A_49 = arith.cmpi slt, %rem3A_46, %lt3A : i32
      %lt3A_50 = arith.constant 0 : i32
      %lt3A_51 = arith.cmpi slt, %select_n3A_45, %lt3A_50 : i32
      %ne3A_52 = arith.xori %lt3A_49, %lt3A_51 : i1
      %and3A_53 = arith.andi %ne3A_52, %ne3A_48 : i1
      %add3A_54 = arith.addi %rem3A_46, %select_n3A_45 : i32
      %select_n3A_55 = arith.select %and3A_53, %add3A_54, %rem3A_46 : i32
      %broadcast_in_dim3A = arith.constant 0.000000e+00 : f32
      %broadcast_in_dim3A_56 = vector.broadcast %broadcast_in_dim3A : f32 to vector<16xf32>
      %mul3A_57 = arith.constant 16 : i32
      %mul3A_58 = arith.muli %select_n3A_55, %mul3A_57 : i32
      %swap3A = arith.index_cast %select_n3A : i32 to index
      %swap3A_59 = arith.index_cast %mul3A_58 : i32 to index
      %swap3A_60 = tpu.vector_load %arg8[%swap3A, %swap3A_59] {strides = array<i32>} : memref<128x128xf32, #tpu.memory_space<vmem>>, vector<1x16xf32>,
      %swap3A_61 = vector.shape_cast %swap3A_60 : vector<1x16xf32> to vector<16xf32>
      %swap3A_62 = vector.shape_cast %broadcast_in_dim3A_56 : vector<16xf32> to vector<1x16xf32>
      tpu.vector_store %arg8[%swap3A, %swap3A_59], %swap3A_62 {strides = array<i32>} : memref<128x128xf32, #tpu.memory_space<vmem>>, vector<1x16xf32>,
      %scan3A_63 = arith.constant 0 : i32
      scf.yield %scan3A_63 : i32
    }
    %scan3A_6 = arith.constant 1024 : i32
    %add3A = arith.constant 0 : i32
    %add3A_7 = arith.addi %mul3A_0, %add3A : i32
    "tpu.region"() ({
      %run_scoped3A = tpu.sem_alloc : memref<!tpu.dma_semaphore, #tpu.memory_space<semaphore_mem>>
      %dma_start3A = arith.constant 0 : i32
      %dma_start3A_24 = tpu.memref_slice %arg9[%add3A_7, %dma_start3A] : memref<10240x128xf32, #tpu.memory_space<vmem_shared>> -> memref<128x128xf32, #tpu.memory_space<vmem_shared>>
      %dma_start3A_25 = arith.constant 0 : i32
      %dma_start3A_26 = tpu.memref_slice %arg9[%add3A_7, %dma_start3A_25] : memref<10240x128xf32, #tpu.memory_space<vmem_shared>> -> memref<128x128xf32, #tpu.memory_space<vmem_shared>>
      tpu.enqueue_dma source(%arg8 : memref<128x128xf32, #tpu.memory_space<vmem>>) target(%dma_start3A_26 : memref<128x128xf32, #tpu.memory_space<vmem_shared>>) target_semaphore(%run_scoped3A : memref<!tpu.dma_semaphore, #tpu.memory_space<semaphore_mem>>)
      %dma_wait3A = arith.constant 0 : i32
      %dma_wait3A_27 = tpu.memref_slice %arg9[%add3A_7, %dma_wait3A] : memref<10240x128xf32, #tpu.memory_space<vmem_shared>> -> memref<128x128xf32, #tpu.memory_space<vmem_shared>>
      %dma_wait3A_28 = arith.constant 0 : i32
      %dma_wait3A_29 = tpu.memref_slice %arg9[%add3A_7, %dma_wait3A_28] : memref<10240x128xf32, #tpu.memory_space<vmem_shared>> -> memref<128x128xf32, #tpu.memory_space<vmem_shared>>
      tpu.wait_dma2 semaphore(%run_scoped3A : memref<!tpu.dma_semaphore, #tpu.memory_space<semaphore_mem>>) src(%arg8 : memref<128x128xf32, #tpu.memory_space<vmem>>) dst(%dma_wait3A_29 : memref<128x128xf32, #tpu.memory_space<vmem_shared>>)
      tpu.yield
    }) : () -> ()
    %add3A_8 = arith.constant 128 : i32
    %add3A_9 = arith.addi %mul3A_0, %add3A_8 : i32
    "tpu.region"() ({
      %run_scoped3A = tpu.sem_alloc : memref<!tpu.dma_semaphore, #tpu.memory_space<semaphore_mem>>
      %dma_start3A = arith.constant 0 : i32
      %dma_start3A_24 = tpu.memref_slice %arg9[%add3A_9, %dma_start3A] : memref<10240x128xf32, #tpu.memory_space<vmem_shared>> -> memref<128x128xf32, #tpu.memory_space<vmem_shared>>
      %dma_start3A_25 = arith.constant 0 : i32
      %dma_start3A_26 = tpu.memref_slice %arg9[%add3A_9, %dma_start3A_25] : memref<10240x128xf32, #tpu.memory_space<vmem_shared>> -> memref<128x128xf32, #tpu.memory_space<vmem_shared>>
      tpu.enqueue_dma source(%arg8 : memref<128x128xf32, #tpu.memory_space<vmem>>) target(%dma_start3A_26 : memref<128x128xf32, #tpu.memory_space<vmem_shared>>) target_semaphore(%run_scoped3A : memref<!tpu.dma_semaphore, #tpu.memory_space<semaphore_mem>>)
      %dma_wait3A = arith.constant 0 : i32
      %dma_wait3A_27 = tpu.memref_slice %arg9[%add3A_9, %dma_wait3A] : memref<10240x128xf32, #tpu.memory_space<vmem_shared>> -> memref<128x128xf32, #tpu.memory_space<vmem_shared>>
      %dma_wait3A_28 = arith.constant 0 : i32
      %dma_wait3A_29 = tpu.memref_slice %arg9[%add3A_9, %dma_wait3A_28] : memref<10240x128xf32, #tpu.memory_space<vmem_shared>> -> memref<128x128xf32, #tpu.memory_space<vmem_shared>>
      tpu.wait_dma2 semaphore(%run_scoped3A : memref<!tpu.dma_semaphore, #tpu.memory_space<semaphore_mem>>) src(%arg8 : memref<128x128xf32, #tpu.memory_space<vmem>>) dst(%dma_wait3A_29 : memref<128x128xf32, #tpu.memory_space<vmem_shared>>)
      tpu.yield
    }) : () -> ()
    %add3A_10 = arith.constant 256 : i32
    %add3A_11 = arith.addi %mul3A_0, %add3A_10 : i32
    "tpu.region"() ({
      %run_scoped3A = tpu.sem_alloc : memref<!tpu.dma_semaphore, #tpu.memory_space<semaphore_mem>>
      %dma_start3A = arith.constant 0 : i32
      %dma_start3A_24 = tpu.memref_slice %arg9[%add3A_11, %dma_start3A] : memref<10240x128xf32, #tpu.memory_space<vmem_shared>> -> memref<128x128xf32, #tpu.memory_space<vmem_shared>>
      %dma_start3A_25 = arith.constant 0 : i32
      %dma_start3A_26 = tpu.memref_slice %arg9[%add3A_11, %dma_start3A_25] : memref<10240x128xf32, #tpu.memory_space<vmem_shared>> -> memref<128x128xf32, #tpu.memory_space<vmem_shared>>
      tpu.enqueue_dma source(%arg8 : memref<128x128xf32, #tpu.memory_space<vmem>>) target(%dma_start3A_26 : memref<128x128xf32, #tpu.memory_space<vmem_shared>>) target_semaphore(%run_scoped3A : memref<!tpu.dma_semaphore, #tpu.memory_space<semaphore_mem>>)
      %dma_wait3A = arith.constant 0 : i32
      %dma_wait3A_27 = tpu.memref_slice %arg9[%add3A_11, %dma_wait3A] : memref<10240x128xf32, #tpu.memory_space<vmem_shared>> -> memref<128x128xf32, #tpu.memory_space<vmem_shared>>
      %dma_wait3A_28 = arith.constant 0 : i32
      %dma_wait3A_29 = tpu.memref_slice %arg9[%add3A_11, %dma_wait3A_28] : memref<10240x128xf32, #tpu.memory_space<vmem_shared>> -> memref<128x128xf32, #tpu.memory_space<vmem_shared>>
      tpu.wait_dma2 semaphore(%run_scoped3A : memref<!tpu.dma_semaphore, #tpu.memory_space<semaphore_mem>>) src(%arg8 : memref<128x128xf32, #tpu.memory_space<vmem>>) dst(%dma_wait3A_29 : memref<128x128xf32, #tpu.memory_space<vmem_shared>>)
      tpu.yield
    }) : () -> ()
    %add3A_12 = arith.constant 384 : i32
    %add3A_13 = arith.addi %mul3A_0, %add3A_12 : i32
    "tpu.region"() ({
      %run_scoped3A = tpu.sem_alloc : memref<!tpu.dma_semaphore, #tpu.memory_space<semaphore_mem>>
      %dma_start3A = arith.constant 0 : i32
      %dma_start3A_24 = tpu.memref_slice %arg9[%add3A_13, %dma_start3A] : memref<10240x128xf32, #tpu.memory_space<vmem_shared>> -> memref<128x128xf32, #tpu.memory_space<vmem_shared>>
      %dma_start3A_25 = arith.constant 0 : i32
      %dma_start3A_26 = tpu.memref_slice %arg9[%add3A_13, %dma_start3A_25] : memref<10240x128xf32, #tpu.memory_space<vmem_shared>> -> memref<128x128xf32, #tpu.memory_space<vmem_shared>>
      tpu.enqueue_dma source(%arg8 : memref<128x128xf32, #tpu.memory_space<vmem>>) target(%dma_start3A_26 : memref<128x128xf32, #tpu.memory_space<vmem_shared>>) target_semaphore(%run_scoped3A : memref<!tpu.dma_semaphore, #tpu.memory_space<semaphore_mem>>)
      %dma_wait3A = arith.constant 0 : i32
      %dma_wait3A_27 = tpu.memref_slice %arg9[%add3A_13, %dma_wait3A] : memref<10240x128xf32, #tpu.memory_space<vmem_shared>> -> memref<128x128xf32, #tpu.memory_space<vmem_shared>>
      %dma_wait3A_28 = arith.constant 0 : i32
      %dma_wait3A_29 = tpu.memref_slice %arg9[%add3A_13, %dma_wait3A_28] : memref<10240x128xf32, #tpu.memory_space<vmem_shared>> -> memref<128x128xf32, #tpu.memory_space<vmem_shared>>
      tpu.wait_dma2 semaphore(%run_scoped3A : memref<!tpu.dma_semaphore, #tpu.memory_space<semaphore_mem>>) src(%arg8 : memref<128x128xf32, #tpu.memory_space<vmem>>) dst(%dma_wait3A_29 : memref<128x128xf32, #tpu.memory_space<vmem_shared>>)
      tpu.yield
    }) : () -> ()
    %add3A_14 = arith.constant 512 : i32
    %add3A_15 = arith.addi %mul3A_0, %add3A_14 : i32
    "tpu.region"() ({
      %run_scoped3A = tpu.sem_alloc : memref<!tpu.dma_semaphore, #tpu.memory_space<semaphore_mem>>
      %dma_start3A = arith.constant 0 : i32
      %dma_start3A_24 = tpu.memref_slice %arg9[%add3A_15, %dma_start3A] : memref<10240x128xf32, #tpu.memory_space<vmem_shared>> -> memref<128x128xf32, #tpu.memory_space<vmem_shared>>
      %dma_start3A_25 = arith.constant 0 : i32
      %dma_start3A_26 = tpu.memref_slice %arg9[%add3A_15, %dma_start3A_25] : memref<10240x128xf32, #tpu.memory_space<vmem_shared>> -> memref<128x128xf32, #tpu.memory_space<vmem_shared>>
      tpu.enqueue_dma source(%arg8 : memref<128x128xf32, #tpu.memory_space<vmem>>) target(%dma_start3A_26 : memref<128x128xf32, #tpu.memory_space<vmem_shared>>) target_semaphore(%run_scoped3A : memref<!tpu.dma_semaphore, #tpu.memory_space<semaphore_mem>>)
      %dma_wait3A = arith.constant 0 : i32
      %dma_wait3A_27 = tpu.memref_slice %arg9[%add3A_15, %dma_wait3A] : memref<10240x128xf32, #tpu.memory_space<vmem_shared>> -> memref<128x128xf32, #tpu.memory_space<vmem_shared>>
      %dma_wait3A_28 = arith.constant 0 : i32
      %dma_wait3A_29 = tpu.memref_slice %arg9[%add3A_15, %dma_wait3A_28] : memref<10240x128xf32, #tpu.memory_space<vmem_shared>> -> memref<128x128xf32, #tpu.memory_space<vmem_shared>>
      tpu.wait_dma2 semaphore(%run_scoped3A : memref<!tpu.dma_semaphore, #tpu.memory_space<semaphore_mem>>) src(%arg8 : memref<128x128xf32, #tpu.memory_space<vmem>>) dst(%dma_wait3A_29 : memref<128x128xf32, #tpu.memory_space<vmem_shared>>)
      tpu.yield
    }) : () -> ()
    %barrier3A = arith.constant 0 : index
    tpu.barrier barrier_id(%barrier3A)
    "tpu.region"() ({
      %run_scoped3A = tpu.sem_alloc : memref<!tpu.dma_semaphore, #tpu.memory_space<semaphore_mem>>
      %dma_start3A = arith.constant 0 : i32
      %dma_start3A_24 = arith.constant 0 : i32
      %dma_start3A_25 = tpu.memref_slice %arg3[%arg0, %arg1, %dma_start3A, %dma_start3A_24] : memref<2x16x79x128xi32, #tpu.memory_space<hbm>> -> memref<1x1x79x128xi32, #tpu.memory_space<hbm>>
      %dma_start3A_26 = tpu.memref_squeeze %dma_start3A_25 : memref<1x1x79x128xi32, #tpu.memory_space<hbm>> -> memref<79x128xi32, #tpu.memory_space<hbm>>
      %dma_start3A_27 = arith.constant 0 : i32
      %dma_start3A_28 = arith.constant 0 : i32
      %dma_start3A_29 = tpu.memref_slice %arg3[%arg0, %arg1, %dma_start3A_27, %dma_start3A_28] : memref<2x16x79x128xi32, #tpu.memory_space<hbm>> -> memref<1x1x79x128xi32, #tpu.memory_space<hbm>>
      %dma_start3A_30 = tpu.memref_squeeze %dma_start3A_29 : memref<1x1x79x128xi32, #tpu.memory_space<hbm>> -> memref<79x128xi32, #tpu.memory_space<hbm>>
      tpu.enqueue_dma source(%dma_start3A_30 : memref<79x128xi32, #tpu.memory_space<hbm>>) target(%arg6 : memref<79x128xi32, #tpu.memory_space<vmem>>) target_semaphore(%run_scoped3A : memref<!tpu.dma_semaphore, #tpu.memory_space<semaphore_mem>>)
      %dma_wait3A = arith.constant 0 : i32
      %dma_wait3A_31 = arith.constant 0 : i32
      %dma_wait3A_32 = tpu.memref_slice %arg3[%arg0, %arg1, %dma_wait3A, %dma_wait3A_31] : memref<2x16x79x128xi32, #tpu.memory_space<hbm>> -> memref<1x1x79x128xi32, #tpu.memory_space<hbm>>
      %dma_wait3A_33 = tpu.memref_squeeze %dma_wait3A_32 : memref<1x1x79x128xi32, #tpu.memory_space<hbm>> -> memref<79x128xi32, #tpu.memory_space<hbm>>
      %dma_wait3A_34 = arith.constant 0 : i32
      %dma_wait3A_35 = arith.constant 0 : i32
      %dma_wait3A_36 = tpu.memref_slice %arg3[%arg0, %arg1, %dma_wait3A_34, %dma_wait3A_35] : memref<2x16x79x128xi32, #tpu.memory_space<hbm>> -> memref<1x1x79x128xi32, #tpu.memory_space<hbm>>
      %dma_wait3A_37 = tpu.memref_squeeze %dma_wait3A_36 : memref<1x1x79x128xi32, #tpu.memory_space<hbm>> -> memref<79x128xi32, #tpu.memory_space<hbm>>
      tpu.wait_dma2 semaphore(%run_scoped3A : memref<!tpu.dma_semaphore, #tpu.memory_space<semaphore_mem>>) src(%dma_wait3A_37 : memref<79x128xi32, #tpu.memory_space<hbm>>) dst(%arg6 : memref<79x128xi32, #tpu.memory_space<vmem>>)
      tpu.yield
    }) : () -> ()
    "tpu.region"() ({
      %run_scoped3A = tpu.sem_alloc : memref<!tpu.dma_semaphore, #tpu.memory_space<semaphore_mem>>
      %dma_start3A = arith.constant 0 : i32
      %dma_start3A_24 = arith.constant 0 : i32
      %dma_start3A_25 = tpu.memref_slice %arg4[%arg1, %dma_start3A, %dma_start3A_24] : memref<16x79x128xi32, #tpu.memory_space<hbm>> -> memref<1x79x128xi32, #tpu.memory_space<hbm>>
      %dma_start3A_26 = tpu.memref_squeeze %dma_start3A_25 : memref<1x79x128xi32, #tpu.memory_space<hbm>> -> memref<79x128xi32, #tpu.memory_space<hbm>>
      %dma_start3A_27 = arith.constant 0 : i32
      %dma_start3A_28 = arith.constant 0 : i32
      %dma_start3A_29 = tpu.memref_slice %arg4[%arg1, %dma_start3A_27, %dma_start3A_28] : memref<16x79x128xi32, #tpu.memory_space<hbm>> -> memref<1x79x128xi32, #tpu.memory_space<hbm>>
      %dma_start3A_30 = tpu.memref_squeeze %dma_start3A_29 : memref<1x79x128xi32, #tpu.memory_space<hbm>> -> memref<79x128xi32, #tpu.memory_space<hbm>>
      tpu.enqueue_dma source(%dma_start3A_30 : memref<79x128xi32, #tpu.memory_space<hbm>>) target(%arg7 : memref<79x128xi32, #tpu.memory_space<vmem>>) target_semaphore(%run_scoped3A : memref<!tpu.dma_semaphore, #tpu.memory_space<semaphore_mem>>)
      %dma_wait3A = arith.constant 0 : i32
      %dma_wait3A_31 = arith.constant 0 : i32
      %dma_wait3A_32 = tpu.memref_slice %arg4[%arg1, %dma_wait3A, %dma_wait3A_31] : memref<16x79x128xi32, #tpu.memory_space<hbm>> -> memref<1x79x128xi32, #tpu.memory_space<hbm>>
      %dma_wait3A_33 = tpu.memref_squeeze %dma_wait3A_32 : memref<1x79x128xi32, #tpu.memory_space<hbm>> -> memref<79x128xi32, #tpu.memory_space<hbm>>
      %dma_wait3A_34 = arith.constant 0 : i32
      %dma_wait3A_35 = arith.constant 0 : i32
      %dma_wait3A_36 = tpu.memref_slice %arg4[%arg1, %dma_wait3A_34, %dma_wait3A_35] : memref<16x79x128xi32, #tpu.memory_space<hbm>> -> memref<1x79x128xi32, #tpu.memory_space<hbm>>
      %dma_wait3A_37 = tpu.memref_squeeze %dma_wait3A_36 : memref<1x79x128xi32, #tpu.memory_space<hbm>> -> memref<79x128xi32, #tpu.memory_space<hbm>>
      tpu.wait_dma2 semaphore(%run_scoped3A : memref<!tpu.dma_semaphore, #tpu.memory_space<semaphore_mem>>) src(%dma_wait3A_37 : memref<79x128xi32, #tpu.memory_space<hbm>>) dst(%arg7 : memref<79x128xi32, #tpu.memory_space<vmem>>)
      tpu.yield
    }) : () -> ()
    %scan3A_16 = arith.constant 0 : i32
    %scan3A_17 = arith.constant 0 : i32
    %scan3A_18 = arith.constant 79 : i32
    %scan3A_19 = arith.addi %scan3A_17, %scan3A_18 : i32
    %scan3A_20 = arith.constant 1 : i32
    %scan3A_21 = scf.for %scan3A_24 = %scan3A_17 to %scan3A_19 step %scan3A_20 iter_args(%scan3A_25 = %scan3A_16) -> (i32)  : i32 {
      %dma_start3A = arith.constant 0 : i32
      %dma_start3A_26 = tpu.memref_slice %arg6[%scan3A_24, %dma_start3A] : memref<79x128xi32, #tpu.memory_space<vmem>> -> memref<1x128xi32, #tpu.memory_space<vmem>>
      %dma_start3A_27 = tpu.memref_squeeze %dma_start3A_26 : memref<1x128xi32, #tpu.memory_space<vmem>> -> memref<128xi32, #tpu.memory_space<vmem>>
      %dma_start3A_28 = arith.constant 0 : i32
      %dma_start3A_29 = arith.constant 0 : i32
      %dma_start3A_30 = tpu.memref_slice %arg2[%dma_start3A_28, %dma_start3A_29] : memref<20000x128xf32, #tpu.memory_space<hbm>> -> memref<20000x128xf32, #tpu.memory_space<hbm>>
      tpu.enqueue_indirect_dma source(%dma_start3A_30 : memref<20000x128xf32, #tpu.memory_space<hbm>>) target(%arg8 : memref<128x128xf32, #tpu.memory_space<vmem>>) offsets(%dma_start3A_27 : memref<128xi32, #tpu.memory_space<vmem>>) semaphore(%arg10 : memref<!tpu.dma_semaphore, #tpu.memory_space<semaphore_mem>>)
      %dma_wait3A = arith.constant 0 : i32
      %dma_wait3A_31 = tpu.memref_slice %arg6[%scan3A_24, %dma_wait3A] : memref<79x128xi32, #tpu.memory_space<vmem>> -> memref<1x128xi32, #tpu.memory_space<vmem>>
      %dma_wait3A_32 = tpu.memref_squeeze %dma_wait3A_31 : memref<1x128xi32, #tpu.memory_space<vmem>> -> memref<128xi32, #tpu.memory_space<vmem>>
      %dma_wait3A_33 = arith.constant 0 : i32
      %dma_wait3A_34 = arith.constant 0 : i32
      %dma_wait3A_35 = tpu.memref_slice %arg2[%dma_wait3A_33, %dma_wait3A_34] : memref<20000x128xf32, #tpu.memory_space<hbm>> -> memref<20000x128xf32, #tpu.memory_space<hbm>>
      tpu.wait_indirect_dma semaphore(%arg10 : memref<!tpu.dma_semaphore, #tpu.memory_space<semaphore_mem>>) src(%dma_wait3A_35 : memref<20000x128xf32, #tpu.memory_space<hbm>>) dst(%arg8 : memref<128x128xf32, #tpu.memory_space<vmem>>)
      "tpu.region"() ({
        %run_scoped3A = tpu.sem_alloc : memref<!tpu.dma_semaphore, #tpu.memory_space<semaphore_mem>>
        %dma_start3A_37 = arith.constant 0 : i32
        %dma_start3A_38 = tpu.memref_slice %arg7[%scan3A_24, %dma_start3A_37] : memref<79x128xi32, #tpu.memory_space<vmem>> -> memref<1x128xi32, #tpu.memory_space<vmem>>
        %dma_start3A_39 = tpu.memref_squeeze %dma_start3A_38 : memref<1x128xi32, #tpu.memory_space<vmem>> -> memref<128xi32, #tpu.memory_space<vmem>>
        %dma_start3A_40 = arith.constant 0 : i32
        %dma_start3A_41 = arith.constant 0 : i32
        %dma_start3A_42 = tpu.memref_slice %arg9[%dma_start3A_40, %dma_start3A_41] : memref<10240x128xf32, #tpu.memory_space<vmem_shared>> -> memref<10240x128xf32, #tpu.memory_space<vmem_shared>>
        tpu.enqueue_indirect_dma source(%arg8 : memref<128x128xf32, #tpu.memory_space<vmem>>) target(%dma_start3A_42 : memref<10240x128xf32, #tpu.memory_space<vmem_shared>>) offsets(%dma_start3A_39 : memref<128xi32, #tpu.memory_space<vmem>>) semaphore(%run_scoped3A : memref<!tpu.dma_semaphore, #tpu.memory_space<semaphore_mem>>) {add = true}
        %dma_wait3A_43 = arith.constant 0 : i32
        %dma_wait3A_44 = tpu.memref_slice %arg7[%scan3A_24, %dma_wait3A_43] : memref<79x128xi32, #tpu.memory_space<vmem>> -> memref<1x128xi32, #tpu.memory_space<vmem>>
        %dma_wait3A_45 = tpu.memref_squeeze %dma_wait3A_44 : memref<1x128xi32, #tpu.memory_space<vmem>> -> memref<128xi32, #tpu.memory_space<vmem>>
        %dma_wait3A_46 = arith.constant 0 : i32
        %dma_wait3A_47 = arith.constant 0 : i32
        %dma_wait3A_48 = tpu.memref_slice %arg9[%dma_wait3A_46, %dma_wait3A_47] : memref<10240x128xf32, #tpu.memory_space<vmem_shared>> -> memref<10240x128xf32, #tpu.memory_space<vmem_shared>>
        tpu.wait_indirect_dma semaphore(%run_scoped3A : memref<!tpu.dma_semaphore, #tpu.memory_space<semaphore_mem>>) src(%arg8 : memref<128x128xf32, #tpu.memory_space<vmem>>) dst(%dma_wait3A_48 : memref<10240x128xf32, #tpu.memory_space<vmem_shared>>)
        tpu.yield
      }) : () -> ()
      %scan3A_36 = arith.constant 0 : i32
      scf.yield %scan3A_36 : i32
    }
    %scan3A_22 = arith.constant 79 : i32
    %barrier3A_23 = arith.constant 0 : index
    tpu.barrier barrier_id(%barrier3A_23)
    "tpu.region"() ({
      %run_scoped3A = tpu.sem_alloc : memref<!tpu.dma_semaphore, #tpu.memory_space<semaphore_mem>>
      %dma_start3A = arith.constant 0 : i32
      %dma_start3A_24 = tpu.memref_slice %arg5[%arg0, %mul3A_0, %dma_start3A] : memref<2x10240x128xf32, #tpu.memory_space<hbm>> -> memref<1x640x128xf32, #tpu.memory_space<hbm>>
      %dma_start3A_25 = tpu.memref_squeeze %dma_start3A_24 : memref<1x640x128xf32, #tpu.memory_space<hbm>> -> memref<640x128xf32, #tpu.memory_space<hbm>>
      %dma_start3A_26 = arith.constant 0 : i32
      %dma_start3A_27 = tpu.memref_slice %arg9[%mul3A_0, %dma_start3A_26] : memref<10240x128xf32, #tpu.memory_space<vmem_shared>> -> memref<640x128xf32, #tpu.memory_space<vmem_shared>>
      tpu.enqueue_dma source(%dma_start3A_27 : memref<640x128xf32, #tpu.memory_space<vmem_shared>>) target(%dma_start3A_25 : memref<640x128xf32, #tpu.memory_space<hbm>>) target_semaphore(%run_scoped3A : memref<!tpu.dma_semaphore, #tpu.memory_space<semaphore_mem>>)
      %dma_wait3A = arith.constant 0 : i32
      %dma_wait3A_28 = tpu.memref_slice %arg5[%arg0, %mul3A_0, %dma_wait3A] : memref<2x10240x128xf32, #tpu.memory_space<hbm>> -> memref<1x640x128xf32, #tpu.memory_space<hbm>>
      %dma_wait3A_29 = tpu.memref_squeeze %dma_wait3A_28 : memref<1x640x128xf32, #tpu.memory_space<hbm>> -> memref<640x128xf32, #tpu.memory_space<hbm>>
      %dma_wait3A_30 = arith.constant 0 : i32
      %dma_wait3A_31 = tpu.memref_slice %arg9[%mul3A_0, %dma_wait3A_30] : memref<10240x128xf32, #tpu.memory_space<vmem_shared>> -> memref<640x128xf32, #tpu.memory_space<vmem_shared>>
      tpu.wait_dma2 semaphore(%run_scoped3A : memref<!tpu.dma_semaphore, #tpu.memory_space<semaphore_mem>>) src(%dma_wait3A_31 : memref<640x128xf32, #tpu.memory_space<vmem_shared>>) dst(%dma_wait3A_29 : memref<640x128xf32, #tpu.memory_space<hbm>>)
      tpu.yield
    }) : () -> ()
    return
  }
}

#map = affine_map<(d0, d1) -> (0, 0)>
#map1 = affine_map<(d0, d1) -> (0, 0, 0, 0)>
#map2 = affine_map<(d0, d1) -> (0, 0, 0)>
module attributes {stable_mosaic.version = 14 : i64} {
  func.func @segsum(%arg0: i32, %arg1: i32, %arg2: memref<20000x128xf32, #tpu.memory_space<hbm>>, %arg3: memref<2x16x79x128xi32, #tpu.memory_space<hbm>>, %arg4: memref<16x79x128xi32, #tpu.memory_space<hbm>>, %arg5: memref<2x10240x128xf32, #tpu.memory_space<hbm>>, %arg6: memref<79x128xi32, #tpu.memory_space<vmem>>, %arg7: memref<79x128xi32, #tpu.memory_space<vmem>>, %arg8: memref<128x128xf32, #tpu.memory_space<vmem>>, %arg9: memref<10240x128xf32, #tpu.memory_space<vmem_shared>>, %arg10: memref<!tpu.dma_semaphore, #tpu.memory_space<semaphore_mem>>) attributes {dimension_semantics = [#tpu.dimension_semantics<core_parallel>, #tpu.dimension_semantics<subcore_parallel>], iteration_bounds = array<i64: 2, 16>, scalar_prefetch = 0 : i64, scratch_operands = 5 : i64, tpu.core_type = #tpu.core_type<sc_vector_subcore>, window_params = [{transform_indices = #map}, {transform_indices = #map1}, {transform_indices = #map2}, {transform_indices = #map2}]} {
    %mul3A = arith.constant 640 : i32
    %mul3A_0 = arith.muli %arg1, %mul3A : i32
    %scan3A = arith.constant 0 : i32
    %scan3A_1 = arith.constant 0 : i32
    %scan3A_2 = arith.constant 1024 : i32
    %scan3A_3 = arith.addi %scan3A_1, %scan3A_2 : i32
    %scan3A_4 = arith.constant 1 : i32
    %scan3A_5 = scf.for %scan3A_24 = %scan3A_1 to %scan3A_3 step %scan3A_4 iter_args(%scan3A_25 = %scan3A) -> (i32)  : i32 {
      %jit3A = arith.constant 8 : i32
      %div3A = arith.divsi %scan3A_24, %jit3A : i32
      %sign3A = arith.constant 0 : i32
      %sign3A_26 = arith.cmpi sgt, %scan3A_24, %sign3A : i32
      %sign3A_27 = arith.extui %sign3A_26 : i1 to i32
      %sign3A_28 = arith.constant 0 : i32
      %sign3A_29 = arith.cmpi slt, %scan3A_24, %sign3A_28 : i32
      %sign3A_30 = arith.extui %sign3A_29 : i1 to i32
      %sign3A_31 = arith.subi %sign3A_27, %sign3A_30 : i32
      %sign3A_32 = arith.constant 0 : i32
      %sign3A_33 = arith.cmpi sgt, %jit3A, %sign3A_32 : i32
      %sign3A_34 = arith.extui %sign3A_33 : i1 to i32
      %sign3A_35 = arith.constant 0 : i32
      %sign3A_36 = arith.cmpi slt, %jit3A, %sign3A_35 : i32
      %sign3A_37 = arith.extui %sign3A_36 : i1 to i32
      %sign3A_38 = arith.subi %sign3A_34, %sign3A_37 : i32
      %ne3A = arith.cmpi ne, %sign3A_31, %sign3A_38 : i32
      %rem3A = arith.remsi %scan3A_24, %jit3A : i32
      %ne3A_39 = arith.constant 0 : i32
      %ne3A_40 = arith.cmpi ne, %rem3A, %ne3A_39 : i32
      %and3A = arith.andi %ne3A, %ne3A_40 : i1
      %sub3A = arith.constant 1 : i32
      %sub3A_41 = arith.subi %div3A, %sub3A : i32
      %select_n3A = arith.select %and3A, %sub3A_41, %div3A : i32
      %jit3A_42 = arith.constant 8 : i32
      %eq3A = arith.constant 0 : i32
      %eq3A_43 = arith.cmpi eq, %jit3A_42, %eq3A : i32
      %jit3A_44 = arith.constant 1 : i32
      %select_n3A_45 = arith.select %eq3A_43, %jit3A_44, %jit3A_42 : i32
      %rem3A_46 = arith.remsi %scan3A_24, %select_n3A_45 : i32
      %ne3A_47 = arith.constant 0 : i32
      %ne3A_48 = arith.cmpi ne, %rem3A_46, %ne3A_47 : i32
      %lt3A = arith.constant 0 : i32
      %lt3A_49 = arith.cmpi slt, %rem3A_46, %lt3A : i32
      %lt3A_50 = arith.constant 0 : i32
      %lt3A_51 = arith.cmpi slt, %select_n3A_45, %lt3A_50 : i32
      %ne3A_52 = arith.xori %lt3A_49, %lt3A_51 : i1
      %and3A_53 = arith.andi %ne3A_52, %ne3A_48 : i1
      %add3A_54 = arith.addi %rem3A_46, %select_n3A_45 : i32
      %select_n3A_55 = arith.select %and3A_53, %add3A_54, %rem3A_46 : i32
      %broadcast_in_dim3A = arith.constant 0.000000e+00 : f32
      %broadcast_in_dim3A_56 = vector.broadcast %broadcast_in_dim3A : f32 to vector<16xf32>
      %mul3A_57 = arith.constant 16 : i32
      %mul3A_58 = arith.muli %select_n3A_55, %mul3A_57 : i32
      %swap3A = arith.index_cast %select_n3A : i32 to index
      %swap3A_59 = arith.index_cast %mul3A_58 : i32 to index
      %swap3A_60 = tpu.vector_load %arg8[%swap3A, %swap3A_59] {strides = array<i32>} : memref<128x128xf32, #tpu.memory_space<vmem>>, vector<1x16xf32>,
      %swap3A_61 = vector.shape_cast %swap3A_60 : vector<1x16xf32> to vector<16xf32>
      %swap3A_62 = vector.shape_cast %broadcast_in_dim3A_56 : vector<16xf32> to vector<1x16xf32>
      tpu.vector_store %arg8[%swap3A, %swap3A_59], %swap3A_62 {strides = array<i32>} : memref<128x128xf32, #tpu.memory_space<vmem>>, vector<1x16xf32>,
      %scan3A_63 = arith.constant 0 : i32
      scf.yield %scan3A_63 : i32
    }
    %scan3A_6 = arith.constant 1024 : i32
    %add3A = arith.constant 0 : i32
    %add3A_7 = arith.addi %mul3A_0, %add3A : i32
    "tpu.region"() ({
      %run_scoped3A = tpu.sem_alloc : memref<!tpu.dma_semaphore, #tpu.memory_space<semaphore_mem>>
      %dma_start3A = arith.constant 0 : i32
      %dma_start3A_24 = tpu.memref_slice %arg9[%add3A_7, %dma_start3A] : memref<10240x128xf32, #tpu.memory_space<vmem_shared>> -> memref<128x128xf32, #tpu.memory_space<vmem_shared>>
      %dma_start3A_25 = arith.constant 0 : i32
      %dma_start3A_26 = tpu.memref_slice %arg9[%add3A_7, %dma_start3A_25] : memref<10240x128xf32, #tpu.memory_space<vmem_shared>> -> memref<128x128xf32, #tpu.memory_space<vmem_shared>>
      tpu.enqueue_dma source(%arg8 : memref<128x128xf32, #tpu.memory_space<vmem>>) target(%dma_start3A_26 : memref<128x128xf32, #tpu.memory_space<vmem_shared>>) target_semaphore(%run_scoped3A : memref<!tpu.dma_semaphore, #tpu.memory_space<semaphore_mem>>)
      %dma_wait3A = arith.constant 0 : i32
      %dma_wait3A_27 = tpu.memref_slice %arg9[%add3A_7, %dma_wait3A] : memref<10240x128xf32, #tpu.memory_space<vmem_shared>> -> memref<128x128xf32, #tpu.memory_space<vmem_shared>>
      %dma_wait3A_28 = arith.constant 0 : i32
      %dma_wait3A_29 = tpu.memref_slice %arg9[%add3A_7, %dma_wait3A_28] : memref<10240x128xf32, #tpu.memory_space<vmem_shared>> -> memref<128x128xf32, #tpu.memory_space<vmem_shared>>
      tpu.wait_dma2 semaphore(%run_scoped3A : memref<!tpu.dma_semaphore, #tpu.memory_space<semaphore_mem>>) src(%arg8 : memref<128x128xf32, #tpu.memory_space<vmem>>) dst(%dma_wait3A_29 : memref<128x128xf32, #tpu.memory_space<vmem_shared>>)
      tpu.yield
    }) : () -> ()
    %add3A_8 = arith.constant 128 : i32
    %add3A_9 = arith.addi %mul3A_0, %add3A_8 : i32
    "tpu.region"() ({
      %run_scoped3A = tpu.sem_alloc : memref<!tpu.dma_semaphore, #tpu.memory_space<semaphore_mem>>
      %dma_start3A = arith.constant 0 : i32
      %dma_start3A_24 = tpu.memref_slice %arg9[%add3A_9, %dma_start3A] : memref<10240x128xf32, #tpu.memory_space<vmem_shared>> -> memref<128x128xf32, #tpu.memory_space<vmem_shared>>
      %dma_start3A_25 = arith.constant 0 : i32
      %dma_start3A_26 = tpu.memref_slice %arg9[%add3A_9, %dma_start3A_25] : memref<10240x128xf32, #tpu.memory_space<vmem_shared>> -> memref<128x128xf32, #tpu.memory_space<vmem_shared>>
      tpu.enqueue_dma source(%arg8 : memref<128x128xf32, #tpu.memory_space<vmem>>) target(%dma_start3A_26 : memref<128x128xf32, #tpu.memory_space<vmem_shared>>) target_semaphore(%run_scoped3A : memref<!tpu.dma_semaphore, #tpu.memory_space<semaphore_mem>>)
      %dma_wait3A = arith.constant 0 : i32
      %dma_wait3A_27 = tpu.memref_slice %arg9[%add3A_9, %dma_wait3A] : memref<10240x128xf32, #tpu.memory_space<vmem_shared>> -> memref<128x128xf32, #tpu.memory_space<vmem_shared>>
      %dma_wait3A_28 = arith.constant 0 : i32
      %dma_wait3A_29 = tpu.memref_slice %arg9[%add3A_9, %dma_wait3A_28] : memref<10240x128xf32, #tpu.memory_space<vmem_shared>> -> memref<128x128xf32, #tpu.memory_space<vmem_shared>>
      tpu.wait_dma2 semaphore(%run_scoped3A : memref<!tpu.dma_semaphore, #tpu.memory_space<semaphore_mem>>) src(%arg8 : memref<128x128xf32, #tpu.memory_space<vmem>>) dst(%dma_wait3A_29 : memref<128x128xf32, #tpu.memory_space<vmem_shared>>)
      tpu.yield
    }) : () -> ()
    %add3A_10 = arith.constant 256 : i32
    %add3A_11 = arith.addi %mul3A_0, %add3A_10 : i32
    "tpu.region"() ({
      %run_scoped3A = tpu.sem_alloc : memref<!tpu.dma_semaphore, #tpu.memory_space<semaphore_mem>>
      %dma_start3A = arith.constant 0 : i32
      %dma_start3A_24 = tpu.memref_slice %arg9[%add3A_11, %dma_start3A] : memref<10240x128xf32, #tpu.memory_space<vmem_shared>> -> memref<128x128xf32, #tpu.memory_space<vmem_shared>>
      %dma_start3A_25 = arith.constant 0 : i32
      %dma_start3A_26 = tpu.memref_slice %arg9[%add3A_11, %dma_start3A_25] : memref<10240x128xf32, #tpu.memory_space<vmem_shared>> -> memref<128x128xf32, #tpu.memory_space<vmem_shared>>
      tpu.enqueue_dma source(%arg8 : memref<128x128xf32, #tpu.memory_space<vmem>>) target(%dma_start3A_26 : memref<128x128xf32, #tpu.memory_space<vmem_shared>>) target_semaphore(%run_scoped3A : memref<!tpu.dma_semaphore, #tpu.memory_space<semaphore_mem>>)
      %dma_wait3A = arith.constant 0 : i32
      %dma_wait3A_27 = tpu.memref_slice %arg9[%add3A_11, %dma_wait3A] : memref<10240x128xf32, #tpu.memory_space<vmem_shared>> -> memref<128x128xf32, #tpu.memory_space<vmem_shared>>
      %dma_wait3A_28 = arith.constant 0 : i32
      %dma_wait3A_29 = tpu.memref_slice %arg9[%add3A_11, %dma_wait3A_28] : memref<10240x128xf32, #tpu.memory_space<vmem_shared>> -> memref<128x128xf32, #tpu.memory_space<vmem_shared>>
      tpu.wait_dma2 semaphore(%run_scoped3A : memref<!tpu.dma_semaphore, #tpu.memory_space<semaphore_mem>>) src(%arg8 : memref<128x128xf32, #tpu.memory_space<vmem>>) dst(%dma_wait3A_29 : memref<128x128xf32, #tpu.memory_space<vmem_shared>>)
      tpu.yield
    }) : () -> ()
    %add3A_12 = arith.constant 384 : i32
    %add3A_13 = arith.addi %mul3A_0, %add3A_12 : i32
    "tpu.region"() ({
      %run_scoped3A = tpu.sem_alloc : memref<!tpu.dma_semaphore, #tpu.memory_space<semaphore_mem>>
      %dma_start3A = arith.constant 0 : i32
      %dma_start3A_24 = tpu.memref_slice %arg9[%add3A_13, %dma_start3A] : memref<10240x128xf32, #tpu.memory_space<vmem_shared>> -> memref<128x128xf32, #tpu.memory_space<vmem_shared>>
      %dma_start3A_25 = arith.constant 0 : i32
      %dma_start3A_26 = tpu.memref_slice %arg9[%add3A_13, %dma_start3A_25] : memref<10240x128xf32, #tpu.memory_space<vmem_shared>> -> memref<128x128xf32, #tpu.memory_space<vmem_shared>>
      tpu.enqueue_dma source(%arg8 : memref<128x128xf32, #tpu.memory_space<vmem>>) target(%dma_start3A_26 : memref<128x128xf32, #tpu.memory_space<vmem_shared>>) target_semaphore(%run_scoped3A : memref<!tpu.dma_semaphore, #tpu.memory_space<semaphore_mem>>)
      %dma_wait3A = arith.constant 0 : i32
      %dma_wait3A_27 = tpu.memref_slice %arg9[%add3A_13, %dma_wait3A] : memref<10240x128xf32, #tpu.memory_space<vmem_shared>> -> memref<128x128xf32, #tpu.memory_space<vmem_shared>>
      %dma_wait3A_28 = arith.constant 0 : i32
      %dma_wait3A_29 = tpu.memref_slice %arg9[%add3A_13, %dma_wait3A_28] : memref<10240x128xf32, #tpu.memory_space<vmem_shared>> -> memref<128x128xf32, #tpu.memory_space<vmem_shared>>
      tpu.wait_dma2 semaphore(%run_scoped3A : memref<!tpu.dma_semaphore, #tpu.memory_space<semaphore_mem>>) src(%arg8 : memref<128x128xf32, #tpu.memory_space<vmem>>) dst(%dma_wait3A_29 : memref<128x128xf32, #tpu.memory_space<vmem_shared>>)
      tpu.yield
    }) : () -> ()
    %add3A_14 = arith.constant 512 : i32
    %add3A_15 = arith.addi %mul3A_0, %add3A_14 : i32
    "tpu.region"() ({
      %run_scoped3A = tpu.sem_alloc : memref<!tpu.dma_semaphore, #tpu.memory_space<semaphore_mem>>
      %dma_start3A = arith.constant 0 : i32
      %dma_start3A_24 = tpu.memref_slice %arg9[%add3A_15, %dma_start3A] : memref<10240x128xf32, #tpu.memory_space<vmem_shared>> -> memref<128x128xf32, #tpu.memory_space<vmem_shared>>
      %dma_start3A_25 = arith.constant 0 : i32
      %dma_start3A_26 = tpu.memref_slice %arg9[%add3A_15, %dma_start3A_25] : memref<10240x128xf32, #tpu.memory_space<vmem_shared>> -> memref<128x128xf32, #tpu.memory_space<vmem_shared>>
      tpu.enqueue_dma source(%arg8 : memref<128x128xf32, #tpu.memory_space<vmem>>) target(%dma_start3A_26 : memref<128x128xf32, #tpu.memory_space<vmem_shared>>) target_semaphore(%run_scoped3A : memref<!tpu.dma_semaphore, #tpu.memory_space<semaphore_mem>>)
      %dma_wait3A = arith.constant 0 : i32
      %dma_wait3A_27 = tpu.memref_slice %arg9[%add3A_15, %dma_wait3A] : memref<10240x128xf32, #tpu.memory_space<vmem_shared>> -> memref<128x128xf32, #tpu.memory_space<vmem_shared>>
      %dma_wait3A_28 = arith.constant 0 : i32
      %dma_wait3A_29 = tpu.memref_slice %arg9[%add3A_15, %dma_wait3A_28] : memref<10240x128xf32, #tpu.memory_space<vmem_shared>> -> memref<128x128xf32, #tpu.memory_space<vmem_shared>>
      tpu.wait_dma2 semaphore(%run_scoped3A : memref<!tpu.dma_semaphore, #tpu.memory_space<semaphore_mem>>) src(%arg8 : memref<128x128xf32, #tpu.memory_space<vmem>>) dst(%dma_wait3A_29 : memref<128x128xf32, #tpu.memory_space<vmem_shared>>)
      tpu.yield
    }) : () -> ()
    %barrier3A = arith.constant 0 : index
    tpu.barrier barrier_id(%barrier3A)
    "tpu.region"() ({
      %run_scoped3A = tpu.sem_alloc : memref<!tpu.dma_semaphore, #tpu.memory_space<semaphore_mem>>
      %dma_start3A = arith.constant 0 : i32
      %dma_start3A_24 = arith.constant 0 : i32
      %dma_start3A_25 = tpu.memref_slice %arg3[%arg0, %arg1, %dma_start3A, %dma_start3A_24] : memref<2x16x79x128xi32, #tpu.memory_space<hbm>> -> memref<1x1x79x128xi32, #tpu.memory_space<hbm>>
      %dma_start3A_26 = tpu.memref_squeeze %dma_start3A_25 : memref<1x1x79x128xi32, #tpu.memory_space<hbm>> -> memref<79x128xi32, #tpu.memory_space<hbm>>
      %dma_start3A_27 = arith.constant 0 : i32
      %dma_start3A_28 = arith.constant 0 : i32
      %dma_start3A_29 = tpu.memref_slice %arg3[%arg0, %arg1, %dma_start3A_27, %dma_start3A_28] : memref<2x16x79x128xi32, #tpu.memory_space<hbm>> -> memref<1x1x79x128xi32, #tpu.memory_space<hbm>>
      %dma_start3A_30 = tpu.memref_squeeze %dma_start3A_29 : memref<1x1x79x128xi32, #tpu.memory_space<hbm>> -> memref<79x128xi32, #tpu.memory_space<hbm>>
      tpu.enqueue_dma source(%dma_start3A_30 : memref<79x128xi32, #tpu.memory_space<hbm>>) target(%arg6 : memref<79x128xi32, #tpu.memory_space<vmem>>) target_semaphore(%run_scoped3A : memref<!tpu.dma_semaphore, #tpu.memory_space<semaphore_mem>>)
      %dma_wait3A = arith.constant 0 : i32
      %dma_wait3A_31 = arith.constant 0 : i32
      %dma_wait3A_32 = tpu.memref_slice %arg3[%arg0, %arg1, %dma_wait3A, %dma_wait3A_31] : memref<2x16x79x128xi32, #tpu.memory_space<hbm>> -> memref<1x1x79x128xi32, #tpu.memory_space<hbm>>
      %dma_wait3A_33 = tpu.memref_squeeze %dma_wait3A_32 : memref<1x1x79x128xi32, #tpu.memory_space<hbm>> -> memref<79x128xi32, #tpu.memory_space<hbm>>
      %dma_wait3A_34 = arith.constant 0 : i32
      %dma_wait3A_35 = arith.constant 0 : i32
      %dma_wait3A_36 = tpu.memref_slice %arg3[%arg0, %arg1, %dma_wait3A_34, %dma_wait3A_35] : memref<2x16x79x128xi32, #tpu.memory_space<hbm>> -> memref<1x1x79x128xi32, #tpu.memory_space<hbm>>
      %dma_wait3A_37 = tpu.memref_squeeze %dma_wait3A_36 : memref<1x1x79x128xi32, #tpu.memory_space<hbm>> -> memref<79x128xi32, #tpu.memory_space<hbm>>
      tpu.wait_dma2 semaphore(%run_scoped3A : memref<!tpu.dma_semaphore, #tpu.memory_space<semaphore_mem>>) src(%dma_wait3A_37 : memref<79x128xi32, #tpu.memory_space<hbm>>) dst(%arg6 : memref<79x128xi32, #tpu.memory_space<vmem>>)
      tpu.yield
    }) : () -> ()
    "tpu.region"() ({
      %run_scoped3A = tpu.sem_alloc : memref<!tpu.dma_semaphore, #tpu.memory_space<semaphore_mem>>
      %dma_start3A = arith.constant 0 : i32
      %dma_start3A_24 = arith.constant 0 : i32
      %dma_start3A_25 = tpu.memref_slice %arg4[%arg1, %dma_start3A, %dma_start3A_24] : memref<16x79x128xi32, #tpu.memory_space<hbm>> -> memref<1x79x128xi32, #tpu.memory_space<hbm>>
      %dma_start3A_26 = tpu.memref_squeeze %dma_start3A_25 : memref<1x79x128xi32, #tpu.memory_space<hbm>> -> memref<79x128xi32, #tpu.memory_space<hbm>>
      %dma_start3A_27 = arith.constant 0 : i32
      %dma_start3A_28 = arith.constant 0 : i32
      %dma_start3A_29 = tpu.memref_slice %arg4[%arg1, %dma_start3A_27, %dma_start3A_28] : memref<16x79x128xi32, #tpu.memory_space<hbm>> -> memref<1x79x128xi32, #tpu.memory_space<hbm>>
      %dma_start3A_30 = tpu.memref_squeeze %dma_start3A_29 : memref<1x79x128xi32, #tpu.memory_space<hbm>> -> memref<79x128xi32, #tpu.memory_space<hbm>>
      tpu.enqueue_dma source(%dma_start3A_30 : memref<79x128xi32, #tpu.memory_space<hbm>>) target(%arg7 : memref<79x128xi32, #tpu.memory_space<vmem>>) target_semaphore(%run_scoped3A : memref<!tpu.dma_semaphore, #tpu.memory_space<semaphore_mem>>)
      %dma_wait3A = arith.constant 0 : i32
      %dma_wait3A_31 = arith.constant 0 : i32
      %dma_wait3A_32 = tpu.memref_slice %arg4[%arg1, %dma_wait3A, %dma_wait3A_31] : memref<16x79x128xi32, #tpu.memory_space<hbm>> -> memref<1x79x128xi32, #tpu.memory_space<hbm>>
      %dma_wait3A_33 = tpu.memref_squeeze %dma_wait3A_32 : memref<1x79x128xi32, #tpu.memory_space<hbm>> -> memref<79x128xi32, #tpu.memory_space<hbm>>
      %dma_wait3A_34 = arith.constant 0 : i32
      %dma_wait3A_35 = arith.constant 0 : i32
      %dma_wait3A_36 = tpu.memref_slice %arg4[%arg1, %dma_wait3A_34, %dma_wait3A_35] : memref<16x79x128xi32, #tpu.memory_space<hbm>> -> memref<1x79x128xi32, #tpu.memory_space<hbm>>
      %dma_wait3A_37 = tpu.memref_squeeze %dma_wait3A_36 : memref<1x79x128xi32, #tpu.memory_space<hbm>> -> memref<79x128xi32, #tpu.memory_space<hbm>>
      tpu.wait_dma2 semaphore(%run_scoped3A : memref<!tpu.dma_semaphore, #tpu.memory_space<semaphore_mem>>) src(%dma_wait3A_37 : memref<79x128xi32, #tpu.memory_space<hbm>>) dst(%arg7 : memref<79x128xi32, #tpu.memory_space<vmem>>)
      tpu.yield
    }) : () -> ()
    %scan3A_16 = arith.constant 0 : i32
    %scan3A_17 = arith.constant 0 : i32
    %scan3A_18 = arith.constant 79 : i32
    %scan3A_19 = arith.addi %scan3A_17, %scan3A_18 : i32
    %scan3A_20 = arith.constant 1 : i32
    %scan3A_21 = scf.for %scan3A_24 = %scan3A_17 to %scan3A_19 step %scan3A_20 iter_args(%scan3A_25 = %scan3A_16) -> (i32)  : i32 {
      %dma_start3A = arith.constant 0 : i32
      %dma_start3A_26 = tpu.memref_slice %arg6[%scan3A_24, %dma_start3A] : memref<79x128xi32, #tpu.memory_space<vmem>> -> memref<1x128xi32, #tpu.memory_space<vmem>>
      %dma_start3A_27 = tpu.memref_squeeze %dma_start3A_26 : memref<1x128xi32, #tpu.memory_space<vmem>> -> memref<128xi32, #tpu.memory_space<vmem>>
      %dma_start3A_28 = arith.constant 0 : i32
      %dma_start3A_29 = arith.constant 0 : i32
      %dma_start3A_30 = tpu.memref_slice %arg2[%dma_start3A_28, %dma_start3A_29] : memref<20000x128xf32, #tpu.memory_space<hbm>> -> memref<20000x128xf32, #tpu.memory_space<hbm>>
      tpu.enqueue_indirect_dma source(%dma_start3A_30 : memref<20000x128xf32, #tpu.memory_space<hbm>>) target(%arg8 : memref<128x128xf32, #tpu.memory_space<vmem>>) offsets(%dma_start3A_27 : memref<128xi32, #tpu.memory_space<vmem>>) semaphore(%arg10 : memref<!tpu.dma_semaphore, #tpu.memory_space<semaphore_mem>>)
      %dma_wait3A = arith.constant 0 : i32
      %dma_wait3A_31 = tpu.memref_slice %arg6[%scan3A_24, %dma_wait3A] : memref<79x128xi32, #tpu.memory_space<vmem>> -> memref<1x128xi32, #tpu.memory_space<vmem>>
      %dma_wait3A_32 = tpu.memref_squeeze %dma_wait3A_31 : memref<1x128xi32, #tpu.memory_space<vmem>> -> memref<128xi32, #tpu.memory_space<vmem>>
      %dma_wait3A_33 = arith.constant 0 : i32
      %dma_wait3A_34 = arith.constant 0 : i32
      %dma_wait3A_35 = tpu.memref_slice %arg2[%dma_wait3A_33, %dma_wait3A_34] : memref<20000x128xf32, #tpu.memory_space<hbm>> -> memref<20000x128xf32, #tpu.memory_space<hbm>>
      tpu.wait_indirect_dma semaphore(%arg10 : memref<!tpu.dma_semaphore, #tpu.memory_space<semaphore_mem>>) src(%dma_wait3A_35 : memref<20000x128xf32, #tpu.memory_space<hbm>>) dst(%arg8 : memref<128x128xf32, #tpu.memory_space<vmem>>)
      "tpu.region"() ({
        %run_scoped3A = tpu.sem_alloc : memref<!tpu.dma_semaphore, #tpu.memory_space<semaphore_mem>>
        %dma_start3A_37 = arith.constant 0 : i32
        %dma_start3A_38 = tpu.memref_slice %arg7[%scan3A_24, %dma_start3A_37] : memref<79x128xi32, #tpu.memory_space<vmem>> -> memref<1x128xi32, #tpu.memory_space<vmem>>
        %dma_start3A_39 = tpu.memref_squeeze %dma_start3A_38 : memref<1x128xi32, #tpu.memory_space<vmem>> -> memref<128xi32, #tpu.memory_space<vmem>>
        %dma_start3A_40 = arith.constant 0 : i32
        %dma_start3A_41 = arith.constant 0 : i32
        %dma_start3A_42 = tpu.memref_slice %arg9[%dma_start3A_40, %dma_start3A_41] : memref<10240x128xf32, #tpu.memory_space<vmem_shared>> -> memref<10240x128xf32, #tpu.memory_space<vmem_shared>>
        tpu.enqueue_indirect_dma source(%arg8 : memref<128x128xf32, #tpu.memory_space<vmem>>) target(%dma_start3A_42 : memref<10240x128xf32, #tpu.memory_space<vmem_shared>>) offsets(%dma_start3A_39 : memref<128xi32, #tpu.memory_space<vmem>>) semaphore(%run_scoped3A : memref<!tpu.dma_semaphore, #tpu.memory_space<semaphore_mem>>) {add = true}
        %dma_wait3A_43 = arith.constant 0 : i32
        %dma_wait3A_44 = tpu.memref_slice %arg7[%scan3A_24, %dma_wait3A_43] : memref<79x128xi32, #tpu.memory_space<vmem>> -> memref<1x128xi32, #tpu.memory_space<vmem>>
        %dma_wait3A_45 = tpu.memref_squeeze %dma_wait3A_44 : memref<1x128xi32, #tpu.memory_space<vmem>> -> memref<128xi32, #tpu.memory_space<vmem>>
        %dma_wait3A_46 = arith.constant 0 : i32
        %dma_wait3A_47 = arith.constant 0 : i32
        %dma_wait3A_48 = tpu.memref_slice %arg9[%dma_wait3A_46, %dma_wait3A_47] : memref<10240x128xf32, #tpu.memory_space<vmem_shared>> -> memref<10240x128xf32, #tpu.memory_space<vmem_shared>>
        tpu.wait_indirect_dma semaphore(%run_scoped3A : memref<!tpu.dma_semaphore, #tpu.memory_space<semaphore_mem>>) src(%arg8 : memref<128x128xf32, #tpu.memory_space<vmem>>) dst(%dma_wait3A_48 : memref<10240x128xf32, #tpu.memory_space<vmem_shared>>)
        tpu.yield
      }) : () -> ()
      %scan3A_36 = arith.constant 0 : i32
      scf.yield %scan3A_36 : i32
    }
    %scan3A_22 = arith.constant 79 : i32
    %barrier3A_23 = arith.constant 0 : index
    tpu.barrier barrier_id(%barrier3A_23)
    "tpu.region"() ({
      %run_scoped3A = tpu.sem_alloc : memref<!tpu.dma_semaphore, #tpu.memory_space<semaphore_mem>>
      %dma_start3A = arith.constant 0 : i32
      %dma_start3A_24 = tpu.memref_slice %arg5[%arg0, %mul3A_0, %dma_start3A] : memref<2x10240x128xf32, #tpu.memory_space<hbm>> -> memref<1x640x128xf32, #tpu.memory_space<hbm>>
      %dma_start3A_25 = tpu.memref_squeeze %dma_start3A_24 : memref<1x640x128xf32, #tpu.memory_space<hbm>> -> memref<640x128xf32, #tpu.memory_space<hbm>>
      %dma_start3A_26 = arith.constant 0 : i32
      %dma_start3A_27 = tpu.memref_slice %arg9[%mul3A_0, %dma_start3A_26] : memref<10240x128xf32, #tpu.memory_space<vmem_shared>> -> memref<640x128xf32, #tpu.memory_space<vmem_shared>>
      tpu.enqueue_dma source(%dma_start3A_27 : memref<640x128xf32, #tpu.memory_space<vmem_shared>>) target(%dma_start3A_25 : memref<640x128xf32, #tpu.memory_space<hbm>>) target_semaphore(%run_scoped3A : memref<!tpu.dma_semaphore, #tpu.memory_space<semaphore_mem>>)
      %dma_wait3A = arith.constant 0 : i32
      %dma_wait3A_28 = tpu.memref_slice %arg5[%arg0, %mul3A_0, %dma_wait3A] : memref<2x10240x128xf32, #tpu.memory_space<hbm>> -> memref<1x640x128xf32, #tpu.memory_space<hbm>>
      %dma_wait3A_29 = tpu.memref_squeeze %dma_wait3A_28 : memref<1x640x128xf32, #tpu.memory_space<hbm>> -> memref<640x128xf32, #tpu.memory_space<hbm>>
      %dma_wait3A_30 = arith.constant 0 : i32
      %dma_wait3A_31 = tpu.memref_slice %arg9[%mul3A_0, %dma_wait3A_30] : memref<10240x128xf32, #tpu.memory_space<vmem_shared>> -> memref<640x128xf32, #tpu.memory_space<vmem_shared>>
      tpu.wait_dma2 semaphore(%run_scoped3A : memref<!tpu.dma_semaphore, #tpu.memory_space<semaphore_mem>>) src(%dma_wait3A_31 : memref<640x128xf32, #tpu.memory_space<vmem_shared>>) dst(%dma_wait3A_29 : memref<640x128xf32, #tpu.memory_space<hbm>>)
      tpu.yield
    }) : () -> ()
    return
  }
}

module attributes {stable_mosaic.version = 14 : i64} {
  func.func @body(%arg0: i32, %arg1: memref<1x2000x128xf32, #tpu.memory_space<vmem>>, %arg2: memref<1x2000x128xf32, #tpu.memory_space<vmem>>, %arg3: memref<1x2000x128xf32, #tpu.memory_space<vmem>>, %arg4: memref<1x2000x128xf32, #tpu.memory_space<vmem>>, %arg5: memref<256x256xf32, #tpu.memory_space<vmem>>, %arg6: memref<1x256xf32, #tpu.memory_space<vmem>>, %arg7: memref<2000x256xf32, #tpu.memory_space<vmem>>, %arg8: memref<8x256xf32, #tpu.memory_space<vmem>>) attributes {dimension_semantics = [#tpu.dimension_semantics<arbitrary>], iteration_bounds = array<i64: 5>, scalar_prefetch = 0 : i64, scratch_operands = 0 : i64, tpu.core_type = #tpu.core_type<tc>, window_params = [{transform_indices = @transform_0, window_bounds = array<i64: 1, 2000, 128>}, {transform_indices = @transform_1, window_bounds = array<i64: 1, 2000, 128>}, {transform_indices = @transform_2, window_bounds = array<i64: 1, 2000, 128>}, {transform_indices = @transform_3, window_bounds = array<i64: 1, 2000, 128>}, {pipeline_mode = #tpu.pipeline_mode<synchronous>, transform_indices = @transform_4, window_bounds = array<i64: 256, 256>}, {pipeline_mode = #tpu.pipeline_mode<synchronous>, transform_indices = @transform_5, window_bounds = array<i64: 1, 256>}, {transform_indices = @transform_6, window_bounds = array<i64: 2000, 256>}, {pipeline_mode = #tpu.pipeline_mode<synchronous>, transform_indices = @transform_7, window_bounds = array<i64: 8, 256>}]} {
    %get3A = arith.constant 0 : index
    %get3A_0 = arith.constant 0 : index
    %get3A_1 = arith.constant 0 : index
    %get3A_2 = vector.load %arg1[%get3A, %get3A_0, %get3A_1] : memref<1x2000x128xf32, #tpu.memory_space<vmem>>, vector<1x2000x128xf32>
    %get3A_3 = vector.shape_cast %get3A_2 : vector<1x2000x128xf32> to vector<2000x128xf32>
    %get3A_4 = arith.constant 0 : index
    %get3A_5 = arith.constant 0 : index
    %get3A_6 = arith.constant 0 : index
    %get3A_7 = vector.load %arg3[%get3A_4, %get3A_5, %get3A_6] : memref<1x2000x128xf32, #tpu.memory_space<vmem>>, vector<1x2000x128xf32>
    %get3A_8 = vector.shape_cast %get3A_7 : vector<1x2000x128xf32> to vector<2000x128xf32>
    %add3A = arith.addf %get3A_3, %get3A_8 : vector<2000x128xf32>
    %get3A_9 = arith.constant 0 : index
    %get3A_10 = arith.constant 0 : index
    %get3A_11 = arith.constant 0 : index
    %get3A_12 = vector.load %arg2[%get3A_9, %get3A_10, %get3A_11] : memref<1x2000x128xf32, #tpu.memory_space<vmem>>, vector<1x2000x128xf32>
    %get3A_13 = vector.shape_cast %get3A_12 : vector<1x2000x128xf32> to vector<2000x128xf32>
    %get3A_14 = arith.constant 0 : index
    %get3A_15 = arith.constant 0 : index
    %get3A_16 = arith.constant 0 : index
    %get3A_17 = vector.load %arg4[%get3A_14, %get3A_15, %get3A_16] : memref<1x2000x128xf32, #tpu.memory_space<vmem>>, vector<1x2000x128xf32>
    %get3A_18 = vector.shape_cast %get3A_17 : vector<1x2000x128xf32> to vector<2000x128xf32>
    %add3A_19 = arith.addf %get3A_13, %get3A_18 : vector<2000x128xf32>
    %concatenate3A = tpu.concatenate %add3A, %add3A_19 in 1 : vector<2000x128xf32>, vector<2000x128xf32> -> vector<2000x256xf32>
    %get3A_20 = arith.constant 0 : index
    %get3A_21 = arith.constant 0 : index
    %get3A_22 = vector.load %arg5[%get3A_20, %get3A_21] : memref<256x256xf32, #tpu.memory_space<vmem>>, vector<256x256xf32>
    %convert_element_type3A = arith.truncf %concatenate3A : vector<2000x256xf32> to vector<2000x256xbf16>
    %convert_element_type3A_23 = arith.truncf %get3A_22 : vector<256x256xf32> to vector<256x256xbf16>
    %dot_general3A = arith.constant dense<0.000000e+00> : vector<2000x256xf32>
    %dot_general3A_24 = tpu.matmul %convert_element_type3A, %convert_element_type3A_23, %dot_general3A {dimension_numbers = #tpu.dot_dimension_numbers<[1], [0], [0], [1], [0, 0, 1, 1], [], []>, transpose_lhs_hint = false} : vector<2000x256xbf16>, vector<256x256xbf16>, vector<2000x256xf32> -> vector<2000x256xf32>
    %get3A_25 = arith.constant 0 : index
    %get3A_26 = arith.constant 0 : index
    %get3A_27 = vector.load %arg6[%get3A_25, %get3A_26] : memref<1x256xf32, #tpu.memory_space<vmem>>, vector<1x256xf32>
    %add3A_28 = vector.broadcast %get3A_27 : vector<1x256xf32> to vector<2000x256xf32>
    %add3A_29 = arith.addf %dot_general3A_24, %add3A_28 : vector<2000x256xf32>
    %swap3A = arith.constant 0 : index
    %swap3A_30 = arith.constant 0 : index
    %swap3A_31 = vector.load %arg7[%swap3A, %swap3A_30] : memref<2000x256xf32, #tpu.memory_space<vmem>>, vector<2000x256xf32>
    tpu.vector_store %arg7[%swap3A, %swap3A_30], %add3A_29 {strides = array<i32>} : memref<2000x256xf32, #tpu.memory_space<vmem>>, vector<2000x256xf32>,
    %reduce_sum3A = arith.constant dense<0.000000e+00> : vector<256xf32>
    %reduce_sum3A_32 = vector.multi_reduction <add>, %add3A_29, %reduce_sum3A [0] : vector<2000x256xf32> to vector<256xf32>
    %broadcast_in_dim3A = vector.shape_cast %reduce_sum3A_32 : vector<256xf32> to vector<1x256xf32>
    %div3A = arith.constant 2.000000e+03 : f32
    %div3A_33 = vector.broadcast %div3A : f32 to vector<1x256xf32>
    %div3A_34 = arith.divf %broadcast_in_dim3A, %div3A_33 : vector<1x256xf32>
    %sub3A = vector.broadcast %div3A_34 : vector<1x256xf32> to vector<2000x256xf32>
    %sub3A_35 = arith.subf %add3A_29, %sub3A : vector<2000x256xf32>
    %mul3A = arith.mulf %sub3A_35, %sub3A_35 : vector<2000x256xf32>
    %reduce_sum3A_36 = arith.constant dense<0.000000e+00> : vector<256xf32>
    %reduce_sum3A_37 = vector.multi_reduction <add>, %mul3A, %reduce_sum3A_36 [0] : vector<2000x256xf32> to vector<256xf32>
    %broadcast_in_dim3A_38 = vector.shape_cast %reduce_sum3A_37 : vector<256xf32> to vector<1x256xf32>
    %broadcast_in_dim3A_39 = arith.constant 0.000000e+00 : f32
    %broadcast_in_dim3A_40 = vector.broadcast %broadcast_in_dim3A_39 : f32 to vector<6x256xf32>
    %eq3A = arith.constant 0 : i32
    %eq3A_41 = arith.cmpi eq, %arg0, %eq3A : i32
    %convert_element_type3A_42 = arith.extui %eq3A_41 : i1 to i32
    %cond3A = arith.constant 0 : i32
    %cond3A_43 = arith.cmpi ne, %convert_element_type3A_42, %cond3A : i32
    scf.if %cond3A_43 {
      %concatenate3A_48 = tpu.concatenate %div3A_34, %broadcast_in_dim3A_38, %broadcast_in_dim3A_40 in 0 : vector<1x256xf32>, vector<1x256xf32>, vector<6x256xf32> -> vector<8x256xf32>
      %swap3A_49 = arith.constant 0 : index
      %swap3A_50 = arith.constant 0 : index
      %swap3A_51 = vector.load %arg8[%swap3A_49, %swap3A_50] : memref<8x256xf32, #tpu.memory_space<vmem>>, vector<8x256xf32>
      tpu.vector_store %arg8[%swap3A_49, %swap3A_50], %concatenate3A_48 {strides = array<i32>} : memref<8x256xf32, #tpu.memory_space<vmem>>, vector<8x256xf32>,
    } else {
    }
    %gt3A = arith.constant 0 : i32
    %gt3A_44 = arith.cmpi sgt, %arg0, %gt3A : i32
    %convert_element_type3A_45 = arith.extui %gt3A_44 : i1 to i32
    %cond3A_46 = arith.constant 0 : i32
    %cond3A_47 = arith.cmpi ne, %convert_element_type3A_45, %cond3A_46 : i32
    scf.if %cond3A_47 {
      %get3A_48 = arith.constant 0 : index
      %get3A_49 = arith.constant 0 : index
      %get3A_50 = vector.load %arg8[%get3A_48, %get3A_49] : memref<8x256xf32, #tpu.memory_space<vmem>>, vector<8x256xf32>
      %mul3A_51 = arith.constant 2000 : i32
      %mul3A_52 = arith.muli %arg0, %mul3A_51 : i32
      %convert_element_type3A_53 = arith.sitofp %mul3A_52 : i32 to f32
      %add3A_54 = arith.constant 2.000000e+03 : f32
      %add3A_55 = arith.addf %convert_element_type3A_53, %add3A_54 : f32
      %slice3A = vector.extract_strided_slice %get3A_50 {offsets = [0, 0], sizes = [1, 256], strides = [1, 1]} : vector<8x256xf32> to vector<1x256xf32>
      %sub3A_56 = arith.subf %div3A_34, %slice3A : vector<1x256xf32>
      %slice3A_57 = vector.extract_strided_slice %get3A_50 {offsets = [0, 0], sizes = [1, 256], strides = [1, 1]} : vector<8x256xf32> to vector<1x256xf32>
      %div3A_58 = arith.constant 2.000000e+03 : f32
      %div3A_59 = arith.divf %div3A_58, %add3A_55 : f32
      %mul3A_60 = vector.broadcast %div3A_59 : f32 to vector<1x256xf32>
      %mul3A_61 = arith.mulf %sub3A_56, %mul3A_60 : vector<1x256xf32>
      %add3A_62 = arith.addf %slice3A_57, %mul3A_61 : vector<1x256xf32>
      %slice3A_63 = vector.extract_strided_slice %get3A_50 {offsets = [1, 0], sizes = [1, 256], strides = [1, 1]} : vector<8x256xf32> to vector<1x256xf32>
      %add3A_64 = arith.addf %slice3A_63, %broadcast_in_dim3A_38 : vector<1x256xf32>
      %mul3A_65 = arith.mulf %sub3A_56, %sub3A_56 : vector<1x256xf32>
      %mul3A_66 = arith.constant 2.000000e+03 : f32
      %mul3A_67 = arith.mulf %convert_element_type3A_53, %mul3A_66 : f32
      %div3A_68 = arith.divf %mul3A_67, %add3A_55 : f32
      %mul3A_69 = vector.broadcast %div3A_68 : f32 to vector<1x256xf32>
      %mul3A_70 = arith.mulf %mul3A_65, %mul3A_69 : vector<1x256xf32>
      %add3A_71 = arith.addf %add3A_64, %mul3A_70 : vector<1x256xf32>
      %concatenate3A_72 = tpu.concatenate %add3A_62, %add3A_71, %broadcast_in_dim3A_40 in 0 : vector<1x256xf32>, vector<1x256xf32>, vector<6x256xf32> -> vector<8x256xf32>
      %swap3A_73 = arith.constant 0 : index
      %swap3A_74 = arith.constant 0 : index
      %swap3A_75 = vector.load %arg8[%swap3A_73, %swap3A_74] : memref<8x256xf32, #tpu.memory_space<vmem>>, vector<8x256xf32>
      tpu.vector_store %arg8[%swap3A_73, %swap3A_74], %concatenate3A_72 {strides = array<i32>} : memref<8x256xf32, #tpu.memory_space<vmem>>, vector<8x256xf32>,
    } else {
    }
    return
  }
  func.func @transform_0(%arg0: i32) -> (i32, i32, i32) {
    %c0_i32 = arith.constant 0 : i32
    %c0_i32_0 = arith.constant 0 : i32
    %c0_i32_1 = arith.constant 0 : i32
    return %c0_i32, %arg0, %c0_i32_0 : i32, i32, i32
  }
  func.func @transform_1(%arg0: i32) -> (i32, i32, i32) {
    %c1_i32 = arith.constant 1 : i32
    %c0_i32 = arith.constant 0 : i32
    %c0_i32_0 = arith.constant 0 : i32
    return %c1_i32, %arg0, %c0_i32 : i32, i32, i32
  }
  func.func @transform_2(%arg0: i32) -> (i32, i32, i32) {
    %c0_i32 = arith.constant 0 : i32
    %c0_i32_0 = arith.constant 0 : i32
    %c0_i32_1 = arith.constant 0 : i32
    return %c0_i32, %arg0, %c0_i32_0 : i32, i32, i32
  }
  func.func @transform_3(%arg0: i32) -> (i32, i32, i32) {
    %c1_i32 = arith.constant 1 : i32
    %c0_i32 = arith.constant 0 : i32
    %c0_i32_0 = arith.constant 0 : i32
    return %c1_i32, %arg0, %c0_i32 : i32, i32, i32
  }
  func.func @transform_4(%arg0: i32) -> (i32, i32) {
    %c0_i32 = arith.constant 0 : i32
    %c0_i32_0 = arith.constant 0 : i32
    %c0_i32_1 = arith.constant 0 : i32
    return %c0_i32, %c0_i32_0 : i32, i32
  }
  func.func @transform_5(%arg0: i32) -> (i32, i32) {
    %c0_i32 = arith.constant 0 : i32
    %c0_i32_0 = arith.constant 0 : i32
    %c0_i32_1 = arith.constant 0 : i32
    return %c0_i32, %c0_i32_0 : i32, i32
  }
  func.func @transform_6(%arg0: i32) -> (i32, i32) {
    %c0_i32 = arith.constant 0 : i32
    %c0_i32_0 = arith.constant 0 : i32
    return %arg0, %c0_i32 : i32, i32
  }
  func.func @transform_7(%arg0: i32) -> (i32, i32) {
    %c0_i32 = arith.constant 0 : i32
    %c0_i32_0 = arith.constant 0 : i32
    %c0_i32_1 = arith.constant 0 : i32
    return %c0_i32, %c0_i32_0 : i32, i32
  }
}

module attributes {stable_mosaic.version = 14 : i64} {
  func.func @body(%arg0: i32, %arg1: memref<2000x256xf32, #tpu.memory_space<vmem>>, %arg2: memref<8x256xf32, #tpu.memory_space<vmem>>, %arg3: memref<1x256xf32, #tpu.memory_space<vmem>>, %arg4: memref<1x256xf32, #tpu.memory_space<vmem>>, %arg5: memref<256x256xf32, #tpu.memory_space<vmem>>, %arg6: memref<1x256xf32, #tpu.memory_space<vmem>>, %arg7: memref<2000x256xf32, #tpu.memory_space<vmem>>, %arg8: memref<8x256xf32, #tpu.memory_space<vmem>>) attributes {dimension_semantics = [#tpu.dimension_semantics<arbitrary>], iteration_bounds = array<i64: 5>, scalar_prefetch = 0 : i64, scratch_operands = 0 : i64, tpu.core_type = #tpu.core_type<tc>, window_params = [{transform_indices = @transform_0, window_bounds = array<i64: 2000, 256>}, {pipeline_mode = #tpu.pipeline_mode<synchronous>, transform_indices = @transform_1, window_bounds = array<i64: 8, 256>}, {pipeline_mode = #tpu.pipeline_mode<synchronous>, transform_indices = @transform_2, window_bounds = array<i64: 1, 256>}, {pipeline_mode = #tpu.pipeline_mode<synchronous>, transform_indices = @transform_3, window_bounds = array<i64: 1, 256>}, {pipeline_mode = #tpu.pipeline_mode<synchronous>, transform_indices = @transform_4, window_bounds = array<i64: 256, 256>}, {pipeline_mode = #tpu.pipeline_mode<synchronous>, transform_indices = @transform_5, window_bounds = array<i64: 1, 256>}, {transform_indices = @transform_6, window_bounds = array<i64: 2000, 256>}, {pipeline_mode = #tpu.pipeline_mode<synchronous>, transform_indices = @transform_7, window_bounds = array<i64: 8, 256>}]} {
    %get3A = arith.constant 0 : index
    %get3A_0 = arith.constant 0 : index
    %get3A_1 = vector.load %arg2[%get3A, %get3A_0] : memref<8x256xf32, #tpu.memory_space<vmem>>, vector<8x256xf32>
    %slice3A = vector.extract_strided_slice %get3A_1 {offsets = [0, 0], sizes = [1, 256], strides = [1, 1]} : vector<8x256xf32> to vector<1x256xf32>
    %slice3A_2 = vector.extract_strided_slice %get3A_1 {offsets = [1, 0], sizes = [1, 256], strides = [1, 1]} : vector<8x256xf32> to vector<1x256xf32>
    %mul3A = arith.constant 9.99999974E-5 : f32
    %mul3A_3 = vector.broadcast %mul3A : f32 to vector<1x256xf32>
    %mul3A_4 = arith.mulf %slice3A_2, %mul3A_3 : vector<1x256xf32>
    %add3A = arith.constant 9.99999974E-6 : f32
    %add3A_5 = vector.broadcast %add3A : f32 to vector<1x256xf32>
    %add3A_6 = arith.addf %mul3A_4, %add3A_5 : vector<1x256xf32>
    %sqrt3A = math.sqrt %add3A_6 : vector<1x256xf32>
    %get3A_7 = arith.constant 0 : index
    %get3A_8 = arith.constant 0 : index
    %get3A_9 = vector.load %arg1[%get3A_7, %get3A_8] : memref<2000x256xf32, #tpu.memory_space<vmem>>, vector<2000x256xf32>
    %sub3A = vector.broadcast %slice3A : vector<1x256xf32> to vector<2000x256xf32>
    %sub3A_10 = arith.subf %get3A_9, %sub3A : vector<2000x256xf32>
    %div3A = vector.broadcast %sqrt3A : vector<1x256xf32> to vector<2000x256xf32>
    %div3A_11 = arith.divf %sub3A_10, %div3A : vector<2000x256xf32>
    %get3A_12 = arith.constant 0 : index
    %get3A_13 = arith.constant 0 : index
    %get3A_14 = vector.load %arg3[%get3A_12, %get3A_13] : memref<1x256xf32, #tpu.memory_space<vmem>>, vector<1x256xf32>
    %mul3A_15 = vector.broadcast %get3A_14 : vector<1x256xf32> to vector<2000x256xf32>
    %mul3A_16 = arith.mulf %div3A_11, %mul3A_15 : vector<2000x256xf32>
    %get3A_17 = arith.constant 0 : index
    %get3A_18 = arith.constant 0 : index
    %get3A_19 = vector.load %arg4[%get3A_17, %get3A_18] : memref<1x256xf32, #tpu.memory_space<vmem>>, vector<1x256xf32>
    %add3A_20 = vector.broadcast %get3A_19 : vector<1x256xf32> to vector<2000x256xf32>
    %add3A_21 = arith.addf %mul3A_16, %add3A_20 : vector<2000x256xf32>
    %max3A = arith.constant 0.000000e+00 : f32
    %max3A_22 = vector.broadcast %max3A : f32 to vector<2000x256xf32>
    %max3A_23 = arith.maximumf %add3A_21, %max3A_22 : vector<2000x256xf32>
    %get3A_24 = arith.constant 0 : index
    %get3A_25 = arith.constant 0 : index
    %get3A_26 = vector.load %arg5[%get3A_24, %get3A_25] : memref<256x256xf32, #tpu.memory_space<vmem>>, vector<256x256xf32>
    %convert_element_type3A = arith.truncf %max3A_23 : vector<2000x256xf32> to vector<2000x256xbf16>
    %convert_element_type3A_27 = arith.truncf %get3A_26 : vector<256x256xf32> to vector<256x256xbf16>
    %dot_general3A = arith.constant dense<0.000000e+00> : vector<2000x256xf32>
    %dot_general3A_28 = tpu.matmul %convert_element_type3A, %convert_element_type3A_27, %dot_general3A {dimension_numbers = #tpu.dot_dimension_numbers<[1], [0], [0], [1], [0, 0, 1, 1], [], []>, transpose_lhs_hint = false} : vector<2000x256xbf16>, vector<256x256xbf16>, vector<2000x256xf32> -> vector<2000x256xf32>
    %get3A_29 = arith.constant 0 : index
    %get3A_30 = arith.constant 0 : index
    %get3A_31 = vector.load %arg6[%get3A_29, %get3A_30] : memref<1x256xf32, #tpu.memory_space<vmem>>, vector<1x256xf32>
    %add3A_32 = vector.broadcast %get3A_31 : vector<1x256xf32> to vector<2000x256xf32>
    %add3A_33 = arith.addf %dot_general3A_28, %add3A_32 : vector<2000x256xf32>
    %swap3A = arith.constant 0 : index
    %swap3A_34 = arith.constant 0 : index
    %swap3A_35 = vector.load %arg7[%swap3A, %swap3A_34] : memref<2000x256xf32, #tpu.memory_space<vmem>>, vector<2000x256xf32>
    tpu.vector_store %arg7[%swap3A, %swap3A_34], %add3A_33 {strides = array<i32>} : memref<2000x256xf32, #tpu.memory_space<vmem>>, vector<2000x256xf32>,
    %reduce_sum3A = arith.constant dense<0.000000e+00> : vector<256xf32>
    %reduce_sum3A_36 = vector.multi_reduction <add>, %add3A_33, %reduce_sum3A [0] : vector<2000x256xf32> to vector<256xf32>
    %broadcast_in_dim3A = vector.shape_cast %reduce_sum3A_36 : vector<256xf32> to vector<1x256xf32>
    %div3A_37 = arith.constant 2.000000e+03 : f32
    %div3A_38 = vector.broadcast %div3A_37 : f32 to vector<1x256xf32>
    %div3A_39 = arith.divf %broadcast_in_dim3A, %div3A_38 : vector<1x256xf32>
    %sub3A_40 = vector.broadcast %div3A_39 : vector<1x256xf32> to vector<2000x256xf32>
    %sub3A_41 = arith.subf %add3A_33, %sub3A_40 : vector<2000x256xf32>
    %mul3A_42 = arith.mulf %sub3A_41, %sub3A_41 : vector<2000x256xf32>
    %reduce_sum3A_43 = arith.constant dense<0.000000e+00> : vector<256xf32>
    %reduce_sum3A_44 = vector.multi_reduction <add>, %mul3A_42, %reduce_sum3A_43 [0] : vector<2000x256xf32> to vector<256xf32>
    %broadcast_in_dim3A_45 = vector.shape_cast %reduce_sum3A_44 : vector<256xf32> to vector<1x256xf32>
    %broadcast_in_dim3A_46 = arith.constant 0.000000e+00 : f32
    %broadcast_in_dim3A_47 = vector.broadcast %broadcast_in_dim3A_46 : f32 to vector<6x256xf32>
    %eq3A = arith.constant 0 : i32
    %eq3A_48 = arith.cmpi eq, %arg0, %eq3A : i32
    %convert_element_type3A_49 = arith.extui %eq3A_48 : i1 to i32
    %cond3A = arith.constant 0 : i32
    %cond3A_50 = arith.cmpi ne, %convert_element_type3A_49, %cond3A : i32
    scf.if %cond3A_50 {
      %concatenate3A = tpu.concatenate %div3A_39, %broadcast_in_dim3A_45, %broadcast_in_dim3A_47 in 0 : vector<1x256xf32>, vector<1x256xf32>, vector<6x256xf32> -> vector<8x256xf32>
      %swap3A_55 = arith.constant 0 : index
      %swap3A_56 = arith.constant 0 : index
      %swap3A_57 = vector.load %arg8[%swap3A_55, %swap3A_56] : memref<8x256xf32, #tpu.memory_space<vmem>>, vector<8x256xf32>
      tpu.vector_store %arg8[%swap3A_55, %swap3A_56], %concatenate3A {strides = array<i32>} : memref<8x256xf32, #tpu.memory_space<vmem>>, vector<8x256xf32>,
    } else {
    }
    %gt3A = arith.constant 0 : i32
    %gt3A_51 = arith.cmpi sgt, %arg0, %gt3A : i32
    %convert_element_type3A_52 = arith.extui %gt3A_51 : i1 to i32
    %cond3A_53 = arith.constant 0 : i32
    %cond3A_54 = arith.cmpi ne, %convert_element_type3A_52, %cond3A_53 : i32
    scf.if %cond3A_54 {
      %get3A_55 = arith.constant 0 : index
      %get3A_56 = arith.constant 0 : index
      %get3A_57 = vector.load %arg8[%get3A_55, %get3A_56] : memref<8x256xf32, #tpu.memory_space<vmem>>, vector<8x256xf32>
      %mul3A_58 = arith.constant 2000 : i32
      %mul3A_59 = arith.muli %arg0, %mul3A_58 : i32
      %convert_element_type3A_60 = arith.sitofp %mul3A_59 : i32 to f32
      %add3A_61 = arith.constant 2.000000e+03 : f32
      %add3A_62 = arith.addf %convert_element_type3A_60, %add3A_61 : f32
      %slice3A_63 = vector.extract_strided_slice %get3A_57 {offsets = [0, 0], sizes = [1, 256], strides = [1, 1]} : vector<8x256xf32> to vector<1x256xf32>
      %sub3A_64 = arith.subf %div3A_39, %slice3A_63 : vector<1x256xf32>
      %slice3A_65 = vector.extract_strided_slice %get3A_57 {offsets = [0, 0], sizes = [1, 256], strides = [1, 1]} : vector<8x256xf32> to vector<1x256xf32>
      %div3A_66 = arith.constant 2.000000e+03 : f32
      %div3A_67 = arith.divf %div3A_66, %add3A_62 : f32
      %mul3A_68 = vector.broadcast %div3A_67 : f32 to vector<1x256xf32>
      %mul3A_69 = arith.mulf %sub3A_64, %mul3A_68 : vector<1x256xf32>
      %add3A_70 = arith.addf %slice3A_65, %mul3A_69 : vector<1x256xf32>
      %slice3A_71 = vector.extract_strided_slice %get3A_57 {offsets = [1, 0], sizes = [1, 256], strides = [1, 1]} : vector<8x256xf32> to vector<1x256xf32>
      %add3A_72 = arith.addf %slice3A_71, %broadcast_in_dim3A_45 : vector<1x256xf32>
      %mul3A_73 = arith.mulf %sub3A_64, %sub3A_64 : vector<1x256xf32>
      %mul3A_74 = arith.constant 2.000000e+03 : f32
      %mul3A_75 = arith.mulf %convert_element_type3A_60, %mul3A_74 : f32
      %div3A_76 = arith.divf %mul3A_75, %add3A_62 : f32
      %mul3A_77 = vector.broadcast %div3A_76 : f32 to vector<1x256xf32>
      %mul3A_78 = arith.mulf %mul3A_73, %mul3A_77 : vector<1x256xf32>
      %add3A_79 = arith.addf %add3A_72, %mul3A_78 : vector<1x256xf32>
      %concatenate3A = tpu.concatenate %add3A_70, %add3A_79, %broadcast_in_dim3A_47 in 0 : vector<1x256xf32>, vector<1x256xf32>, vector<6x256xf32> -> vector<8x256xf32>
      %swap3A_80 = arith.constant 0 : index
      %swap3A_81 = arith.constant 0 : index
      %swap3A_82 = vector.load %arg8[%swap3A_80, %swap3A_81] : memref<8x256xf32, #tpu.memory_space<vmem>>, vector<8x256xf32>
      tpu.vector_store %arg8[%swap3A_80, %swap3A_81], %concatenate3A {strides = array<i32>} : memref<8x256xf32, #tpu.memory_space<vmem>>, vector<8x256xf32>,
    } else {
    }
    return
  }
  func.func @transform_0(%arg0: i32) -> (i32, i32) {
    %c0_i32 = arith.constant 0 : i32
    %c0_i32_0 = arith.constant 0 : i32
    return %arg0, %c0_i32 : i32, i32
  }
  func.func @transform_1(%arg0: i32) -> (i32, i32) {
    %c0_i32 = arith.constant 0 : i32
    %c0_i32_0 = arith.constant 0 : i32
    %c0_i32_1 = arith.constant 0 : i32
    return %c0_i32, %c0_i32_0 : i32, i32
  }
  func.func @transform_2(%arg0: i32) -> (i32, i32) {
    %c0_i32 = arith.constant 0 : i32
    %c0_i32_0 = arith.constant 0 : i32
    %c0_i32_1 = arith.constant 0 : i32
    return %c0_i32, %c0_i32_0 : i32, i32
  }
  func.func @transform_3(%arg0: i32) -> (i32, i32) {
    %c0_i32 = arith.constant 0 : i32
    %c0_i32_0 = arith.constant 0 : i32
    %c0_i32_1 = arith.constant 0 : i32
    return %c0_i32, %c0_i32_0 : i32, i32
  }
  func.func @transform_4(%arg0: i32) -> (i32, i32) {
    %c0_i32 = arith.constant 0 : i32
    %c0_i32_0 = arith.constant 0 : i32
    %c0_i32_1 = arith.constant 0 : i32
    return %c0_i32, %c0_i32_0 : i32, i32
  }
  func.func @transform_5(%arg0: i32) -> (i32, i32) {
    %c0_i32 = arith.constant 0 : i32
    %c0_i32_0 = arith.constant 0 : i32
    %c0_i32_1 = arith.constant 0 : i32
    return %c0_i32, %c0_i32_0 : i32, i32
  }
  func.func @transform_6(%arg0: i32) -> (i32, i32) {
    %c0_i32 = arith.constant 0 : i32
    %c0_i32_0 = arith.constant 0 : i32
    return %arg0, %c0_i32 : i32, i32
  }
  func.func @transform_7(%arg0: i32) -> (i32, i32) {
    %c0_i32 = arith.constant 0 : i32
    %c0_i32_0 = arith.constant 0 : i32
    %c0_i32_1 = arith.constant 0 : i32
    return %c0_i32, %c0_i32_0 : i32, i32
  }
}

module attributes {stable_mosaic.version = 14 : i64} {
  func.func @body(%arg0: i32, %arg1: memref<2000x256xf32, #tpu.memory_space<vmem>>, %arg2: memref<8x256xf32, #tpu.memory_space<vmem>>, %arg3: memref<1x256xf32, #tpu.memory_space<vmem>>, %arg4: memref<1x256xf32, #tpu.memory_space<vmem>>, %arg5: memref<2x2000x128xf32, #tpu.memory_space<vmem>>) attributes {dimension_semantics = [#tpu.dimension_semantics<arbitrary>], iteration_bounds = array<i64: 5>, scalar_prefetch = 0 : i64, scratch_operands = 0 : i64, tpu.core_type = #tpu.core_type<tc>, window_params = [{transform_indices = @transform_0, window_bounds = array<i64: 2000, 256>}, {pipeline_mode = #tpu.pipeline_mode<synchronous>, transform_indices = @transform_1, window_bounds = array<i64: 8, 256>}, {pipeline_mode = #tpu.pipeline_mode<synchronous>, transform_indices = @transform_2, window_bounds = array<i64: 1, 256>}, {pipeline_mode = #tpu.pipeline_mode<synchronous>, transform_indices = @transform_3, window_bounds = array<i64: 1, 256>}, {transform_indices = @transform_4, window_bounds = array<i64: 2, 2000, 128>}]} {
    %get3A = arith.constant 0 : index
    %get3A_0 = arith.constant 0 : index
    %get3A_1 = vector.load %arg2[%get3A, %get3A_0] : memref<8x256xf32, #tpu.memory_space<vmem>>, vector<8x256xf32>
    %slice3A = vector.extract_strided_slice %get3A_1 {offsets = [0, 0], sizes = [1, 256], strides = [1, 1]} : vector<8x256xf32> to vector<1x256xf32>
    %slice3A_2 = vector.extract_strided_slice %get3A_1 {offsets = [1, 0], sizes = [1, 256], strides = [1, 1]} : vector<8x256xf32> to vector<1x256xf32>
    %mul3A = arith.constant 9.99999974E-5 : f32
    %mul3A_3 = vector.broadcast %mul3A : f32 to vector<1x256xf32>
    %mul3A_4 = arith.mulf %slice3A_2, %mul3A_3 : vector<1x256xf32>
    %add3A = arith.constant 9.99999974E-6 : f32
    %add3A_5 = vector.broadcast %add3A : f32 to vector<1x256xf32>
    %add3A_6 = arith.addf %mul3A_4, %add3A_5 : vector<1x256xf32>
    %sqrt3A = math.sqrt %add3A_6 : vector<1x256xf32>
    %get3A_7 = arith.constant 0 : index
    %get3A_8 = arith.constant 0 : index
    %get3A_9 = vector.load %arg1[%get3A_7, %get3A_8] : memref<2000x256xf32, #tpu.memory_space<vmem>>, vector<2000x256xf32>
    %sub3A = vector.broadcast %slice3A : vector<1x256xf32> to vector<2000x256xf32>
    %sub3A_10 = arith.subf %get3A_9, %sub3A : vector<2000x256xf32>
    %div3A = vector.broadcast %sqrt3A : vector<1x256xf32> to vector<2000x256xf32>
    %div3A_11 = arith.divf %sub3A_10, %div3A : vector<2000x256xf32>
    %get3A_12 = arith.constant 0 : index
    %get3A_13 = arith.constant 0 : index
    %get3A_14 = vector.load %arg3[%get3A_12, %get3A_13] : memref<1x256xf32, #tpu.memory_space<vmem>>, vector<1x256xf32>
    %mul3A_15 = vector.broadcast %get3A_14 : vector<1x256xf32> to vector<2000x256xf32>
    %mul3A_16 = arith.mulf %div3A_11, %mul3A_15 : vector<2000x256xf32>
    %get3A_17 = arith.constant 0 : index
    %get3A_18 = arith.constant 0 : index
    %get3A_19 = vector.load %arg4[%get3A_17, %get3A_18] : memref<1x256xf32, #tpu.memory_space<vmem>>, vector<1x256xf32>
    %add3A_20 = vector.broadcast %get3A_19 : vector<1x256xf32> to vector<2000x256xf32>
    %add3A_21 = arith.addf %mul3A_16, %add3A_20 : vector<2000x256xf32>
    %max3A = arith.constant 0.000000e+00 : f32
    %max3A_22 = vector.broadcast %max3A : f32 to vector<2000x256xf32>
    %max3A_23 = arith.maximumf %add3A_21, %max3A_22 : vector<2000x256xf32>
    %slice3A_24 = vector.extract_strided_slice %max3A_23 {offsets = [0, 0], sizes = [2000, 128], strides = [1, 1]} : vector<2000x256xf32> to vector<2000x128xf32>
    %swap3A = arith.constant 0 : index
    %swap3A_25 = arith.constant 0 : index
    %swap3A_26 = arith.constant 0 : index
    %swap3A_27 = vector.load %arg5[%swap3A, %swap3A_25, %swap3A_26] : memref<2x2000x128xf32, #tpu.memory_space<vmem>>, vector<1x2000x128xf32>
    %swap3A_28 = vector.shape_cast %swap3A_27 : vector<1x2000x128xf32> to vector<2000x128xf32>
    %swap3A_29 = vector.shape_cast %slice3A_24 : vector<2000x128xf32> to vector<1x2000x128xf32>
    tpu.vector_store %arg5[%swap3A, %swap3A_25, %swap3A_26], %swap3A_29 {strides = array<i32>} : memref<2x2000x128xf32, #tpu.memory_space<vmem>>, vector<1x2000x128xf32>,
    %slice3A_30 = vector.extract_strided_slice %max3A_23 {offsets = [0, 128], sizes = [2000, 128], strides = [1, 1]} : vector<2000x256xf32> to vector<2000x128xf32>
    %swap3A_31 = arith.constant 1 : index
    %swap3A_32 = arith.constant 0 : index
    %swap3A_33 = arith.constant 0 : index
    %swap3A_34 = vector.load %arg5[%swap3A_31, %swap3A_32, %swap3A_33] : memref<2x2000x128xf32, #tpu.memory_space<vmem>>, vector<1x2000x128xf32>
    %swap3A_35 = vector.shape_cast %swap3A_34 : vector<1x2000x128xf32> to vector<2000x128xf32>
    %swap3A_36 = vector.shape_cast %slice3A_30 : vector<2000x128xf32> to vector<1x2000x128xf32>
    tpu.vector_store %arg5[%swap3A_31, %swap3A_32, %swap3A_33], %swap3A_36 {strides = array<i32>} : memref<2x2000x128xf32, #tpu.memory_space<vmem>>, vector<1x2000x128xf32>,
    return
  }
  func.func @transform_0(%arg0: i32) -> (i32, i32) {
    %c0_i32 = arith.constant 0 : i32
    %c0_i32_0 = arith.constant 0 : i32
    return %arg0, %c0_i32 : i32, i32
  }
  func.func @transform_1(%arg0: i32) -> (i32, i32) {
    %c0_i32 = arith.constant 0 : i32
    %c0_i32_0 = arith.constant 0 : i32
    %c0_i32_1 = arith.constant 0 : i32
    return %c0_i32, %c0_i32_0 : i32, i32
  }
  func.func @transform_2(%arg0: i32) -> (i32, i32) {
    %c0_i32 = arith.constant 0 : i32
    %c0_i32_0 = arith.constant 0 : i32
    %c0_i32_1 = arith.constant 0 : i32
    return %c0_i32, %c0_i32_0 : i32, i32
  }
  func.func @transform_3(%arg0: i32) -> (i32, i32) {
    %c0_i32 = arith.constant 0 : i32
    %c0_i32_0 = arith.constant 0 : i32
    %c0_i32_1 = arith.constant 0 : i32
    return %c0_i32, %c0_i32_0 : i32, i32
  }
  func.func @transform_4(%arg0: i32) -> (i32, i32, i32) {
    %c0_i32 = arith.constant 0 : i32
    %c0_i32_0 = arith.constant 0 : i32
    %c0_i32_1 = arith.constant 0 : i32
    return %c0_i32, %arg0, %c0_i32_0 : i32, i32, i32
  }
}

module attributes {stable_mosaic.version = 14 : i64} {
  func.func @body(%arg0: i32, %arg1: memref<2000x256xf32, #tpu.memory_space<vmem>>, %arg2: memref<8x256xf32, #tpu.memory_space<vmem>>, %arg3: memref<1x256xf32, #tpu.memory_space<vmem>>, %arg4: memref<1x256xf32, #tpu.memory_space<vmem>>, %arg5: memref<2000x256xf32, #tpu.memory_space<vmem>>) attributes {dimension_semantics = [#tpu.dimension_semantics<arbitrary>], iteration_bounds = array<i64: 5>, scalar_prefetch = 0 : i64, scratch_operands = 0 : i64, tpu.core_type = #tpu.core_type<tc>, window_params = [{transform_indices = @transform_0, window_bounds = array<i64: 2000, 256>}, {pipeline_mode = #tpu.pipeline_mode<synchronous>, transform_indices = @transform_1, window_bounds = array<i64: 8, 256>}, {pipeline_mode = #tpu.pipeline_mode<synchronous>, transform_indices = @transform_2, window_bounds = array<i64: 1, 256>}, {pipeline_mode = #tpu.pipeline_mode<synchronous>, transform_indices = @transform_3, window_bounds = array<i64: 1, 256>}, {transform_indices = @transform_4, window_bounds = array<i64: 2000, 256>}]} {
    %get3A = arith.constant 0 : index
    %get3A_0 = arith.constant 0 : index
    %get3A_1 = vector.load %arg2[%get3A, %get3A_0] : memref<8x256xf32, #tpu.memory_space<vmem>>, vector<8x256xf32>
    %slice3A = vector.extract_strided_slice %get3A_1 {offsets = [0, 0], sizes = [1, 256], strides = [1, 1]} : vector<8x256xf32> to vector<1x256xf32>
    %slice3A_2 = vector.extract_strided_slice %get3A_1 {offsets = [1, 0], sizes = [1, 256], strides = [1, 1]} : vector<8x256xf32> to vector<1x256xf32>
    %mul3A = arith.constant 9.99999974E-5 : f32
    %mul3A_3 = vector.broadcast %mul3A : f32 to vector<1x256xf32>
    %mul3A_4 = arith.mulf %slice3A_2, %mul3A_3 : vector<1x256xf32>
    %add3A = arith.constant 9.99999974E-6 : f32
    %add3A_5 = vector.broadcast %add3A : f32 to vector<1x256xf32>
    %add3A_6 = arith.addf %mul3A_4, %add3A_5 : vector<1x256xf32>
    %sqrt3A = math.sqrt %add3A_6 : vector<1x256xf32>
    %get3A_7 = arith.constant 0 : index
    %get3A_8 = arith.constant 0 : index
    %get3A_9 = vector.load %arg1[%get3A_7, %get3A_8] : memref<2000x256xf32, #tpu.memory_space<vmem>>, vector<2000x256xf32>
    %sub3A = vector.broadcast %slice3A : vector<1x256xf32> to vector<2000x256xf32>
    %sub3A_10 = arith.subf %get3A_9, %sub3A : vector<2000x256xf32>
    %div3A = vector.broadcast %sqrt3A : vector<1x256xf32> to vector<2000x256xf32>
    %div3A_11 = arith.divf %sub3A_10, %div3A : vector<2000x256xf32>
    %get3A_12 = arith.constant 0 : index
    %get3A_13 = arith.constant 0 : index
    %get3A_14 = vector.load %arg3[%get3A_12, %get3A_13] : memref<1x256xf32, #tpu.memory_space<vmem>>, vector<1x256xf32>
    %mul3A_15 = vector.broadcast %get3A_14 : vector<1x256xf32> to vector<2000x256xf32>
    %mul3A_16 = arith.mulf %div3A_11, %mul3A_15 : vector<2000x256xf32>
    %get3A_17 = arith.constant 0 : index
    %get3A_18 = arith.constant 0 : index
    %get3A_19 = vector.load %arg4[%get3A_17, %get3A_18] : memref<1x256xf32, #tpu.memory_space<vmem>>, vector<1x256xf32>
    %add3A_20 = vector.broadcast %get3A_19 : vector<1x256xf32> to vector<2000x256xf32>
    %add3A_21 = arith.addf %mul3A_16, %add3A_20 : vector<2000x256xf32>
    %swap3A = arith.constant 0 : index
    %swap3A_22 = arith.constant 0 : index
    %swap3A_23 = vector.load %arg5[%swap3A, %swap3A_22] : memref<2000x256xf32, #tpu.memory_space<vmem>>, vector<2000x256xf32>
    tpu.vector_store %arg5[%swap3A, %swap3A_22], %add3A_21 {strides = array<i32>} : memref<2000x256xf32, #tpu.memory_space<vmem>>, vector<2000x256xf32>,
    return
  }
  func.func @transform_0(%arg0: i32) -> (i32, i32) {
    %c0_i32 = arith.constant 0 : i32
    %c0_i32_0 = arith.constant 0 : i32
    return %arg0, %c0_i32 : i32, i32
  }
  func.func @transform_1(%arg0: i32) -> (i32, i32) {
    %c0_i32 = arith.constant 0 : i32
    %c0_i32_0 = arith.constant 0 : i32
    %c0_i32_1 = arith.constant 0 : i32
    return %c0_i32, %c0_i32_0 : i32, i32
  }
  func.func @transform_2(%arg0: i32) -> (i32, i32) {
    %c0_i32 = arith.constant 0 : i32
    %c0_i32_0 = arith.constant 0 : i32
    %c0_i32_1 = arith.constant 0 : i32
    return %c0_i32, %c0_i32_0 : i32, i32
  }
  func.func @transform_3(%arg0: i32) -> (i32, i32) {
    %c0_i32 = arith.constant 0 : i32
    %c0_i32_0 = arith.constant 0 : i32
    %c0_i32_1 = arith.constant 0 : i32
    return %c0_i32, %c0_i32_0 : i32, i32
  }
  func.func @transform_4(%arg0: i32) -> (i32, i32) {
    %c0_i32 = arith.constant 0 : i32
    %c0_i32_0 = arith.constant 0 : i32
    return %arg0, %c0_i32 : i32, i32
  }
}

</mosaic_0001>

<sc_bundles>
// kernel: kernel.26.cloned.1.call-start
scs
__scs_entry_jumppad:
0x0: {  	(pc) =	sbr.rel $0x88, $3  }
0x1: {  	(tag) =	ssettag $0x0;
	lr =	simm.s32 $0x1  }
0x2: {  	[smem:$0x3F97] =	sst lr;
	_ =	strace $0xD0000000  }
0x3: {  	_ = 	snop  }
0x4: {  	_ = 	snop  }
0x5: {  	_ = 	snop  }
0x6: {  	_ = 	snop  }
0x7: {  	_ = 	snop  }
__scs_overlays_trampoline_lowered:
0x8: {  	[smem:$0x3FA6] =	sst s0  }
0x9: {  	[smem:$0x3FA7] =	sst s1  }
0xa: {  	[smem:$0x3FA8] =	sst s2  }
0xb: {  	[smem:$0x3FA9] =	sst s3  }
0xc: {  	[smem:$0x3FAA] =	sst s4  }
0xd: {  	[smem:$0x3FAB] =	sst s5  }
0xe: {  	[smem:$0x3FAC] =	sst s6  }
0xf: {  	[smem:$0x3FAD] =	sst s7  }
0x10: {  	[smem:$0x3FAE] =	sst s8  }
0x11: {  	[smem:$0x3FAF] =	sst s9;
	s0 =	simm.s32 @!p0 $0x0  }
0x12: {  	s1 =	sld [smem:$0x3F95];
	s0 =	simm.s32 @p0 $0x1  }
0x13: {  	[smem:$0x3FB0] =	sst s0;
	s0 =	simm.s32 @!p1 $0x0  }
0x14: {  	s2 =	sld [smem:$0x3F94];
	s0 =	simm.s32 @p1 $0x1  }
0x15: {  	[smem:$0x3FB1] =	sst s0;
	s0 =	simm.s32 @!p2 $0x0  }
0x16: {  	s3 =	sld [smem:$0x3FDB];
	s0 =	simm.s32 @p2 $0x1  }
0x17: {  	s4 =	simm.s32 $0x1BF5;
	[smem:$0x3FB3] =	sst s0  }
0x18: {  	s0 =	sld [smem:$0x3F96];
	_ =	swait.ge [sflag:s4], $0x0  }
0x19: {  	s7 =	sld [smem:$0x3F97]  }
0x1a: {  	s8 =	sadd.s32 $0xFFFFE003, lr  }
0x1b: {  	s9 =	sadd.s32 $0xFFFFFEF7, lr;
	s5 =	simm.s32 $0xFFFFFFFF;
	p2 =	slt.u32 s8, $0xFFFFF086  }
0x1c: {  	p1 =	slt.u32 s9, $0xF7A;
	s5 =	simm.s32 @!p2 $0x0  }
0x1d: {  	s5 =	simm.s32 @p1 $0x1;
	p0 =	seq.s32 s7, s2  }
0x1e: {  	s7 =	smul.u32 @!p0 $0xF7A, s2;
	p2 =	seq.s32 @!p0 s5, $0x0  }
0x1f: {  	s9 =	smul.u32 $0xF7A, s1;
	s8 =	simm.s32 @!p0 $0x1BF5;
	p2 =	por !p2, p0  }
0x20: {  	[sflag:s8] =	ssyncset.s32 @!p0 $0xFFFFF086;
	s6 =	sadd.s32 @!p0 s3, s7;
	s7 =	simm.s32 @!p0 $0x108  }
0x21: {  	s3 =	sadd.s32 s3, s9;
	s6 =	sadd.s32 @!p0 $0x88, s6;
	s7 =	simm.s32 @p2 $0x1082  }
0x22: {  	[simem:s7], [sflag:s8] =	dma.local @!p0 [hbm:s6], $0xF7A  }
0x23: {  	s9 =	sor.u32 $0xD0000000, s2;
	s6 =	simm.s32 $0x108;
	_ =	swait.ge @!p0 [sflag:s8], $0x0  }
0x24: {  	s3 =	sadd.s32 $0x88, s3;
	s6 =	simm.s32 @!p1 $0x1082;
	[sflag:s4] =	ssyncset.s32 $0xFFFFF086  }
0x25: {  	[simem:s6], [sflag:s4] =	dma.local [hbm:s3], $0xF7A  }
0x26: {  	[smem:$0x3F97] =	sst s1;
	(tag) =	ssettag s2;
	_ =	strace s9  }
0x27: {  	s1 =	sld [smem:$0x3FA7]  }
0x28: {  	s2 =	sld [smem:$0x3FA8]  }
0x29: {  	s4 =	sld [smem:$0x3FAA]  }
0x2a: {  	p0 =	seq.s32 s5, $0x0;
	s5 =	sld [smem:$0x3FAB]  }
0x2b: {  	s6 =	sld [smem:$0x3FAC]  }
0x2c: {  	s7 =	sld [smem:$0x3FAD]  }
0x2d: {  	s3 =	simm.s32 $0x108;
	s8 =	sld [smem:$0x3FAE]  }
0x2e: {  	s3 =	simm.s32 @!p0 $0x1082;
	s9 =	sld [smem:$0x3FAF]  }
0x2f: {  	lr =	sadd.s32 s0, s3;
	s0 =	sld [smem:$0x3FA6]  }
0x30: {  	s3 =	sld [smem:$0x3FA9]  }
0x31: {  	[smem:$0x3FB2] =	sst s10  }
0x32: {  	s10 =	sld [smem:$0x3FB0];
	_ =	sdelay $0x3  }
0x33: {  	p0 =	seq.s32 s10, $0x1;
	s10 =	sld [smem:$0x3FB2];
	_ =	sdelay $0x3  }
0x34: {  	[smem:$0x3FB2] =	sst s10  }
0x35: {  	s10 =	sld [smem:$0x3FB1];
	_ =	sdelay $0x3  }
0x36: {  	p1 =	seq.s32 s10, $0x1;
	s10 =	sld [smem:$0x3FB2];
	_ =	sdelay $0x3  }
0x37: {  	[smem:$0x3FB2] =	sst s10  }
0x38: {  	s10 =	sld [smem:$0x3FB3]  }
0x39: {  	_ = 	snop;
	(pc) =	sbr.ind lr, $3  }
0x3a: {  	_ = 	snop  }
0x3b: {  	_ = 	snop  }
0x3c: {  	p2 =	seq.s32 s10, $0x1;
	s10 =	sld [smem:$0x3FB2]  }
0x3d: {  	_ =	shalt  }
0x3e: {  	_ =	shalt  }
0x3f: {  	_ =	shalt  }
0x40: {  	_ =	shalt  }
0x41: {  	_ =	shalt  }
0x42: {  	_ =	shalt  }
0x43: {  	_ =	shalt  }
0x44: {  	_ =	shalt  }
0x45: {  	_ =	shalt  }
0x46: {  	_ =	shalt  }
0x47: {  	_ =	shalt  }
0x48: {  	_ =	shalt  }
0x49: {  	_ =	shalt  }
0x4a: {  	_ =	shalt  }
0x4b: {  	_ =	shalt  }
0x4c: {  	_ =	shalt  }
0x4d: {  	_ =	shalt  }
0x4e: {  	_ =	shalt  }
0x4f: {  	_ =	shalt  }
0x50: {  	_ =	shalt  }
0x51: {  	_ =	shalt  }
0x52: {  	_ =	shalt  }
0x53: {  	_ =	shalt  }
0x54: {  	_ =	shalt  }
0x55: {  	_ =	shalt  }
0x56: {  	_ =	shalt  }
0x57: {  	_ =	shalt  }
0x58: {  	_ =	shalt  }
0x59: {  	_ =	shalt  }
0x5a: {  	_ =	shalt  }
0x5b: {  	_ =	shalt  }
0x5c: {  	_ =	shalt  }
0x5d: {  	_ =	shalt  }
0x5e: {  	_ =	shalt  }
0x5f: {  	_ =	shalt  }
0x60: {  	_ =	shalt  }
0x61: {  	_ =	shalt  }
0x62: {  	_ =	shalt  }
0x63: {  	_ =	shalt  }
0x64: {  	_ =	shalt  }
0x65: {  	_ =	shalt  }
0x66: {  	_ =	shalt  }
0x67: {  	_ =	shalt  }
0x68: {  	_ =	shalt  }
0x69: {  	_ =	shalt  }
0x6a: {  	_ =	shalt  }
0x6b: {  	_ =	shalt  }
0x6c: {  	_ =	shalt  }
0x6d: {  	_ =	shalt  }
0x6e: {  	_ =	shalt  }
0x6f: {  	_ =	shalt  }
0x70: {  	_ =	shalt  }
0x71: {  	_ =	shalt  }
0x72: {  	_ =	shalt  }
0x73: {  	_ =	shalt  }
0x74: {  	_ =	shalt  }
0x75: {  	_ =	shalt  }
0x76: {  	_ =	shalt  }
0x77: {  	_ =	shalt  }
0x78: {  	_ =	shalt  }
0x79: {  	_ =	shalt  }
0x7a: {  	_ =	shalt  }
0x7b: {  	_ =	shalt  }
0x7c: {  	_ =	shalt  }
0x7d: {  	_ =	shalt  }
0x7e: {  	_ =	shalt  }
0x7f: {  	_ =	shalt  }
0x80: {  	_ =	shalt  }
0x81: {  	_ =	shalt  }
0x82: {  	_ =	shalt  }
0x83: {  	_ =	shalt  }
0x84: {  	_ =	shalt  }
0x85: {  	_ =	shalt  }
0x86: {  	_ =	shalt  }
0x87: {  	_ =	shalt  }
.Lfunc_end0:
.L_simem_size_0:
called_computation_lowered:
.L_overlay_start_0:
0x88: {  	s2 =	sld [smem:$0x3FD9]  }
0x89: {  	s3 =	sld [smem:$0x3FFE];
	_ =	sdelay $0x1  }
0x8a: {  	s1 =	srdreg.scid  }
0x8b: {  	s0 =	sand.u32 $0x1, s1  }
0x8c: {  	s17 =	sshll.u32 s0, $0xA;
	s2 =	sadd.s32 s3, s2  }
0x8d: {  	s2 =	sadd.s32 s2, s17  }
0x8e: {  	[smem:$0x3FBE] =	sst s2  }
0x8f: {  	_ = 	snop  }
0x90: {  	s2 =	sld [smem:$0x3FD0];
	(tm) =	ssettm $0x1  }
0x91: {  	s18 =	sld [smem:$0x3FFB];
	_ =	sdelay $0x3  }
0x92: {  	_ =	strace s18  }
0x93: {  	s3 =	sld [smem:$0x3FFC];
	_ =	sdelay $0x3  }
0x94: {  	_ =	strace s3  }
0x95: {  	s3 =	sld [smem:$0x3FFD];
	_ =	sdelay $0x3  }
0x96: {  	_ =	strace s3  }
0x97: {  	_ =	strace $0x8FFFFFFF  }
0x98: {  	s19 =	sld [smem:$0x3FDB];
	_ =	sdelay $0x1  }
0x99: {  	s4 =	simm.s32 $_scs_section_size  }
0x9a: {  	s5 =	simm.s32 $_size__tile_overlayer_lowered;
	s6 =	simm.s32 $_tile_overlayer_lowered  }
0x9b: {  	s22 =	simm.s32 $0x1BFF;
	s21 =	sshll.u32 s6, $0x1;
	s3 =	sadd.s32 s4, s19  }
0x9c: {  	s7 =	simm.s32 $0x0;
	s20 =	sshll.u32 s5, $0x1;
	s5 =	sadd.s32 s21, s3  }
0x9d: {  	[timem:s7], [sflag:s22] =	dma.local [hbm:s5], s20  }
0x9e: {  	_ =	swait.ge [sflag:s22], s20  }
0x9f: {  	s4 =	ssub.s32 $0x0, s20;
	[sflag:s22] =	ssyncset.done $0x0  }
0xa0: {  	[sflag:s22] =	ssyncadd.s32 s4;
	_ =	sdelay $0x1  }
0xa1: {  	s23 =	simm.s32 $0x1B8B  }
0xa2: {  	_ =	swait.ge [sflag:s23], $0x1  }
0xa3: {  	[sflag:s23] =	ssyncset.done $0x0  }
0xa4: {  	s25 =	simm.s32 $0x1B8E;
	s24 =	sld [smem:$0x3FFE];
	[sflag:s23] =	ssyncadd.s32 $0xFFFFFFFF  }
0xa5: {  	s26 =	simm.s32 $execute0_lowered;
	[smem:$0x3FD2] =	sst s25  }
0xa6: {  	s5 =	sshll.u32 s26, $0x1;
	_ =	strace $0x80000046;
	[dreg:$0x1] =	wrdreg $0xFFFFFFFF  }
0xa7: {  	s28 =	simm.s32 $_size_execute0_lowered;
	s3 =	sadd.s32 s3, s5;
	[dreg:$0x0] =	wrdreg $0x0  }
0xa8: {  	s5 =	sshll.u32 s28, $0x1;
	[dreg:$0x2] =	wrdreg s3  }
0xa9: {  	[dreg:$0x3] =	wrdreg s5  }
0xaa: {  	[dreg:$0x4] =	wrdreg $0xC0  }
0xab: {  	_ =	task [dreg:s7], $0x5FFFF  }
0xac: {  	[dreg:$0x1] =	wrdreg $0xFFFFFFFF  }
0xad: {  	[dreg:$0x0] =	wrdreg $0x60  }
0xae: {  	[dreg:$0x2] =	wrdreg s2  }
0xaf: {  	[dreg:$0x3] =	wrdreg s24  }
0xb0: {  	[dreg:$0x4] =	wrdreg $0x90000  }
0xb1: {  	[dreg:$0x5] =	wrdreg $0x9  }
0xb2: {  	_ =	task.clear_ibuf [dreg:s7], $0x6FFFF;
	_ =	strace $0x90000046  }
0xb3: {  	s29 =	simm.s32 $0x9;
	_ =	strace $0x80000048  }
0xb4: {  	_ =	swait.ge [sflag:s29], $0x1  }
0xb5: {  	[sflag:s29] =	ssyncadd.s32 $0xFFFFFFFF  }
0xb6: {  	_ =	strace $0x90000048  }
0xb7: {  	_ =	sfence  }
0xb8: {  	s30 =	sld [smem:$0x0];
	_ =	sdelay $0x2  }
0xb9: {  	s31 =	sshll.u32 s1, $0xD;
	s1 =	sshrl.u32 s1, $0x2  }
0xba: {  	s3 =	sand.u32 $0x4000, s31;
	s1 =	sadd.s32 s1, s30  }
0xbb: {  	s0 =	sor.u32 s3, s0;
	s1 =	sshll.u32 s1, $0x11  }
0xbc: {  	s0 =	sor.u32 s1, s0  }
0xbd: {  	s0 =	sadd.s32 $0x8F2B, s0  }
0xbe: {  	[sflag:s0] =	ssyncadd.remote.s32 $0x1  }
0xbf: {  	_ =	sfence.sel $0xFFFF  }
0xc0: {  	[dreg:$0x0] =	wrdreg $0xFFFFFFFF;
	(pc) =	sbr.abs _section_cstart, $3  }
0xc1: {  	[dreg:$0x1] =	wrdreg $0xFFFFFFFF  }
0xc2: {  	_ =	task.clear_ibuf [dreg:s7], $0x2FFFF;
	_ =	strace $0x9FFFFFFF  }
0xc3: {  	(tm) =	ssettm $0x7FFFFFFF  }
tec
execute0_lowered:
.L_overlay_start_1:
0x0: {  	(tag) =	ssettag $0x1  }
0x1: {  	s1 =	rddreg [dreg:$0x0]  }
0x2: {  	s5 =	rddreg [dreg:$0x1];
	s2 =	srdreg.scid  }
0x3: {  	s0 =	stileid.u32;
	s3 =	rddreg [dreg:$0x2];
	s4 =	simm.s32 $0x0  }
0x4: {  	s16 =	simm.s32 $0x2800;
	s17 =	simm.s32 $0x80;
	s7 =	smul.u32 $0x2800, s0  }
0x5: {  	s18 =	simm.s32 $0x1;
	s21 =	simm.s32 $0x0;
	s10 =	smul.u32 $0x14000, s0  }
0x6: {  	s6 =	sand.u32 $0x1, s2;
	s2 =	rddreg [dreg:$0x3];
	s11 =	smul.u32 $0x50000, s0  }
0x7: {  	[smem:$0x7FF] =	sst s4;
	s19 =	sshll.u32 s0, $0x6;
	s8 =	smul.u32 $0x28000, s6  }
0x8: {  	s9 =	smul.u32 $0x140000, s6;
	_ =	strace $0x80000047;
	s6 =	ssub.s32 $0x2, s6  }
0x9: {  	s19 =	sor.u32 $0x1C02, s19;
	s30 =	sshrl.u32 s11, $0x2;
	s31 =	sshrl.u32 s6, $0x1  }
0xa: {  	s8 =	sadd.s32 s7, s8;
	s7 =	sshrl.u32 s7, $0x3;
	s29 =	sadd.s32 s10, s9  }
0xb: {  	s8 =	sshrl.u32 s8, $0x3;
	s13 =	sadd.s32 s7, s5;
	s7 =	sshrl.u32 s29, $0x3  }
0xc: {  	s15 =	ssub.s32 s6, s31;
	s12 =	sadd.s32 s8, s5;
	s14 =	sadd.s32 s7, s5  }
0xd: {  	s5 =	sadd.s32 s30, s3;
	s11 =	sadd.s32 $0x13C00, s13;
	s13 =	smax.u32 s15, $0x1  }
0xe: {  	s15 =	simm.s32 $0x2;
	s6 =	sadd.s32 $0x4000, s5;
	s7 =	sadd.s32 $0x8000, s5  }
0xf: {  	s8 =	sadd.s32 $0xC000, s5;
	s9 =	sadd.s32 $0x10000, s5;
	s10 =	sadd.s32 $0x9C00, s12  }
0x10: {  	v0 =	vimm.f32 $0.0e+00;
	s12 =	sadd.s32 $0x18C00, s14;
	s14 =	simm.s32 $0x5000;
	s20 =	sshrl.u32 s5, $0x3  }
.LBB2_1:
0x11: {  	s22 =	sand.u32 $0xFE00, s4  }
0x12: {  	s23 =	sand.u32 $0x70, s4;
	s24 =	sshrl.u32 s22, $0x2  }
0x13: {  	s22 =	simm.s32 $0x40;
	s24 =	sor.u32 s23, s24;
	s23 =	simm.s32 $0x0  }
.LBB2_2:
0x14: {  	p0 =	sne.s32 s22, $0xFFC0  }
0x15: {  	[tilespmem:s24+$0x5000] =	vst v0;
	s23 =	sadd.s32 $0x10, s23;
	s24 =	smov.u32 s22;
	s22 =	sadd.s32 $0x40, s22  }
.Ltmp0:
0x16: {  	(pc) =	sbr.rel @p0 .LBB2_2-.Ltmp0, $4  }
0x17: {  	_ = 	snop  }
0x18: {  	s24 =	sand.u32 $0xFE00, s24  }
0x19: {  	s25 =	sand.u32 $0x70, s23;
	s24 =	sshrl.u32 s24, $0x2  }
0x1a: {  	s24 =	sor.u32 s25, s24  }
0x1b: {  	[tilespmem:s24+$0x5000] =	vst v0  }
0x1c: {  	[spmem:s5] =	stream.linear.scatter [tilespmem:s14], [sflag:$0x2], $0x4000, $0x38;
	[tilespmem:$0x1D000] =	vst v63  }
0x1d: {  	_ =	swait.ge [sflag:s15], $0x4000  }
0x1e: {  	[sflag:s15] =	ssyncset.done $0x0  }
0x1f: {  	[sflag:s15] =	ssyncadd.s32 $0xFFFFC000  }
0x20: {  	[spmem:s6] =	stream.linear.scatter [tilespmem:s14], [sflag:$0x2], $0x4000, $0x38;
	[tilespmem:$0x1D000] =	vst v63  }
0x21: {  	_ =	swait.ge [sflag:s15], $0x4000  }
0x22: {  	[sflag:s15] =	ssyncset.done $0x0  }
0x23: {  	[sflag:s15] =	ssyncadd.s32 $0xFFFFC000  }
0x24: {  	[spmem:s7] =	stream.linear.scatter [tilespmem:s14], [sflag:$0x2], $0x4000, $0x38;
	[tilespmem:$0x1D000] =	vst v63  }
0x25: {  	_ =	swait.ge [sflag:s15], $0x4000  }
0x26: {  	[sflag:s15] =	ssyncset.done $0x0  }
0x27: {  	[sflag:s15] =	ssyncadd.s32 $0xFFFFC000  }
0x28: {  	[spmem:s8] =	stream.linear.scatter [tilespmem:s14], [sflag:$0x2], $0x4000, $0x38;
	[tilespmem:$0x1D000] =	vst v63  }
0x29: {  	_ =	swait.ge [sflag:s15], $0x4000  }
0x2a: {  	[sflag:s15] =	ssyncset.done $0x0  }
0x2b: {  	[sflag:s15] =	ssyncadd.s32 $0xFFFFC000  }
0x2c: {  	[spmem:s9] =	stream.linear.scatter [tilespmem:s14], [sflag:$0x2], $0x4000, $0x38;
	[tilespmem:$0x1D000] =	vst v63  }
0x2d: {  	_ =	swait.ge [sflag:s15], $0x4000  }
0x2e: {  	[sflag:s15] =	ssyncset.done $0x0  }
0x2f: {  	[sflag:s15] =	ssyncadd.s32 $0xFFFFC000  }
0x30: {  	s22 =	simm.s32 $0x0;
	[bflag:$0x0] =	sbarrier.arrive $0xFFFF  }
0x31: {  	[tilespmem:s22], [sflag:$0x2] =	stream.linear.gather [hbm4b:s10+s22], $0x2780, $0x38;
	[tilespmem:$0x1D000] =	vst v63  }
0x32: {  	_ =	swait.ge [sflag:s15], $0x2780  }
0x33: {  	[sflag:s15] =	ssyncset.done $0x0  }
0x34: {  	[sflag:s15] =	ssyncadd.s32 $0xFFFFD880  }
0x35: {  	[tilespmem:s16], [sflag:$0x2] =	stream.linear.gather [hbm4b:s11+s22], $0x2780, $0x38;
	[tilespmem:$0x1D000] =	vst v63  }
0x36: {  	_ =	swait.ge [sflag:s15], $0x2780  }
0x37: {  	[sflag:s15] =	ssyncset.done $0x0  }
0x38: {  	s30 =	simm.s32 $0x0;
	[sflag:s15] =	ssyncadd.s32 $0xFFFFD880  }
0x39: {  	[tilespmem:s14], [sflag:$0x1] =	stream.indirect.gather [hbm4b:s1+s17], $0x80, s30, s17, $0xb8;
	[tilespmem:$0x1D000] =	vst v63  }
0x3a: {  	_ =	swait.ge [sflag:s18], $0x4000  }
0x3b: {  	[sflag:s18] =	ssyncset.done $0x0  }
0x3c: {  	s31 =	simm.s32 $0x2800;
	[sflag:s18] =	ssyncadd.s32 $0xFFFFC000  }
0x3d: {  	[spmem:s3] =	stream.indirect.scatter.add.f32 [tilespmem:s14], [sflag:$0x2], $0x80, s31, s17, $0xb8;
	[tilespmem:$0x1D000] =	vst v63  }
0x3e: {  	_ =	swait.ge [sflag:s15], $0x4000  }
0x3f: {  	s23 =	simm.s32 $0x400;
	s22 =	simm.s32 $0x200;
	[sflag:s15] =	ssyncset.done $0x0  }
.LBB2_4:
0x40: {  	s24 =	sshra.s32 s22, $0x2  }
0x41: {  	[sflag:s15] =	ssyncadd.s32 $0xFFFFC000;
	s22 =	smov.u32 s23;
	s25 =	sadd.s32 $0x200, s23  }
0x42: {  	[tilespmem:s14], [sflag:$0x1] =	stream.indirect.gather [hbm4b:s1+s17], $0x80, s24, s17, $0xb8;
	[tilespmem:$0x1D000] =	vst v63  }
0x43: {  	p0 =	sne.s32 s23, $0x9C00;
	_ =	swait.ge [sflag:s18], $0x4000  }
.Ltmp1:
0x44: {  	[sflag:s18] =	ssyncset.done $0x0;
	(pc) =	sbr.rel @p0 .LBB2_4-.Ltmp1, $4  }
0x45: {  	s23 =	sadd.s32 $0x2800, s24;
	[sflag:s18] =	ssyncadd.s32 $0xFFFFC000  }
0x46: {  	[spmem:s3] =	stream.indirect.scatter.add.f32 [tilespmem:s14], [sflag:$0x2], $0x80, s23, s17, $0xb8;
	[tilespmem:$0x1D000] =	vst v63  }
0x47: {  	_ =	swait.ge [sflag:s15], $0x4000  }
0x48: {  	s23 =	smov.u32 s25;
	[sflag:s15] =	ssyncset.done $0x0  }
0x49: {  	s22 =	sshra.s32 s22, $0x2;
	[sflag:s15] =	ssyncadd.s32 $0xFFFFC000  }
0x4a: {  	[tilespmem:s14], [sflag:$0x1] =	stream.indirect.gather [hbm4b:s1+s17], $0x80, s22, s17, $0xb8;
	[tilespmem:$0x1D000] =	vst v63  }
0x4b: {  	_ =	swait.ge [sflag:s18], $0x4000  }
0x4c: {  	[sflag:s18] =	ssyncset.done $0x0  }
0x4d: {  	s22 =	sadd.s32 $0x2800, s22;
	[sflag:s18] =	ssyncadd.s32 $0xFFFFC000  }
0x4e: {  	[spmem:s3] =	stream.indirect.scatter.add.f32 [tilespmem:s14], [sflag:$0x2], $0x80, s22, s17, $0xb8;
	[tilespmem:$0x1D000] =	vst v63  }
0x4f: {  	_ =	swait.ge [sflag:s15], $0x4000  }
0x50: {  	s21 =	sadd.s32 $0x1, s21;
	[sflag:s15] =	ssyncset.done $0x0  }
0x51: {  	p0 =	sne.s32 s21, s13;
	[sflag:s15] =	ssyncadd.s32 $0xFFFFC000  }
.Ltmp2:
0x52: {  	[bflag:$0x0] =	sbarrier.arrive $0xFFFF;
	(pc) =	sbr.rel @p0 .LBB2_1-.Ltmp2, $4  }
0x53: {  	[hbm:s12], [sflag:s19] =	dma.local [spmem:s20], $0x2800  }
0x54: {  	_ =	swait.ge [sflag:s15], $0x2800  }
0x55: {  	[sflag:s15] =	ssyncset.done $0x0  }
0x56: {  	[sflag:s15] =	ssyncadd.s32 $0xFFFFD800  }
0x57: {  	_ =	sfence.sel $0x180000  }
0x58: {  	[bflag:$0x0] =	sbarrier.arrive $0xFFFF  }
0x59: {  	p0 =	sne.s32 s0, $0x0;
	_ =	strace $0x90000047  }
0x5a: {  	s0 =	sadd.s32 @!p0 $0x100000, s2;
	[bflag:$0x2] =	sbarrier.arrive $0xFFFF  }
0x5b: {  	[sflag:s0] =	ssyncadd.tile.s32 @!p0 $0x1;
	_ =	shalt  }
.Lfunc_end2:
_tile_overlayer_lowered:
.L_overlay_start_2:
0x5c: {  	(tag) =	ssettag $0x2  }
0x5d: {  	s0 =	rddreg [dreg:$0x0];
	s2 =	stileid.u32  }
0x5e: {  	s1 =	rddreg [dreg:$0x1];
	p0 =	sne.s32 s2, $0x0  }
0x5f: {  	s3 =	rddreg [dreg:$0x2];
	[bflag:$0x3] =	sbarrier.arrive $0xFFFF;
	s2 =	simm.s32 @!p0 $0x1C02  }
0x60: {  	[timem:s3], [sflag:s2] =	dma.local @!p0 [hbm:s0], s1  }
0x61: {  	s0 =	simm.s32 @!p0 $0x2  }
0x62: {  	_ =	swait.ge @!p0 [sflag:s0], s1  }
0x63: {  	s1 =	ssub.s32 @!p0 $0x0, s1;
	[sflag:s0] =	ssyncset.done @!p0 $0x0  }
0x64: {  	[sflag:s0] =	ssyncadd.s32 @!p0 s1  }
0x65: {  	[bflag:$0x3] =	sbarrier.arrive $0xFFFF  }
0x66: {  	_ =	shalt  }

// kernel: kernel.29.cloned.1.call-start
scs
__scs_entry_jumppad:
0x0: {  	(pc) =	sbr.rel $0x88, $3  }
0x1: {  	(tag) =	ssettag $0x0;
	lr =	simm.s32 $0x1  }
0x2: {  	[smem:$0x3F97] =	sst lr;
	_ =	strace $0xD0000000  }
0x3: {  	_ = 	snop  }
0x4: {  	_ = 	snop  }
0x5: {  	_ = 	snop  }
0x6: {  	_ = 	snop  }
0x7: {  	_ = 	snop  }
__scs_overlays_trampoline_lowered:
0x8: {  	[smem:$0x3FA6] =	sst s0  }
0x9: {  	[smem:$0x3FA7] =	sst s1  }
0xa: {  	[smem:$0x3FA8] =	sst s2  }
0xb: {  	[smem:$0x3FA9] =	sst s3  }
0xc: {  	[smem:$0x3FAA] =	sst s4  }
0xd: {  	[smem:$0x3FAB] =	sst s5  }
0xe: {  	[smem:$0x3FAC] =	sst s6  }
0xf: {  	[smem:$0x3FAD] =	sst s7  }
0x10: {  	[smem:$0x3FAE] =	sst s8  }
0x11: {  	[smem:$0x3FAF] =	sst s9;
	s0 =	simm.s32 @!p0 $0x0  }
0x12: {  	s1 =	sld [smem:$0x3F95];
	s0 =	simm.s32 @p0 $0x1  }
0x13: {  	[smem:$0x3FB0] =	sst s0;
	s0 =	simm.s32 @!p1 $0x0  }
0x14: {  	s2 =	sld [smem:$0x3F94];
	s0 =	simm.s32 @p1 $0x1  }
0x15: {  	[smem:$0x3FB1] =	sst s0;
	s0 =	simm.s32 @!p2 $0x0  }
0x16: {  	s3 =	sld [smem:$0x3FDB];
	s0 =	simm.s32 @p2 $0x1  }
0x17: {  	s4 =	simm.s32 $0x1BF5;
	[smem:$0x3FB3] =	sst s0  }
0x18: {  	s0 =	sld [smem:$0x3F96];
	_ =	swait.ge [sflag:s4], $0x0  }
0x19: {  	s7 =	sld [smem:$0x3F97]  }
0x1a: {  	s8 =	sadd.s32 $0xFFFFE003, lr  }
0x1b: {  	s9 =	sadd.s32 $0xFFFFFEF7, lr;
	s5 =	simm.s32 $0xFFFFFFFF;
	p2 =	slt.u32 s8, $0xFFFFF086  }
0x1c: {  	p1 =	slt.u32 s9, $0xF7A;
	s5 =	simm.s32 @!p2 $0x0  }
0x1d: {  	s5 =	simm.s32 @p1 $0x1;
	p0 =	seq.s32 s7, s2  }
0x1e: {  	s7 =	smul.u32 @!p0 $0xF7A, s2;
	p2 =	seq.s32 @!p0 s5, $0x0  }
0x1f: {  	s9 =	smul.u32 $0xF7A, s1;
	s8 =	simm.s32 @!p0 $0x1BF5;
	p2 =	por !p2, p0  }
0x20: {  	[sflag:s8] =	ssyncset.s32 @!p0 $0xFFFFF086;
	s6 =	sadd.s32 @!p0 s3, s7;
	s7 =	simm.s32 @!p0 $0x108  }
0x21: {  	s3 =	sadd.s32 s3, s9;
	s6 =	sadd.s32 @!p0 $0x88, s6;
	s7 =	simm.s32 @p2 $0x1082  }
0x22: {  	[simem:s7], [sflag:s8] =	dma.local @!p0 [hbm:s6], $0xF7A  }
0x23: {  	s9 =	sor.u32 $0xD0000000, s2;
	s6 =	simm.s32 $0x108;
	_ =	swait.ge @!p0 [sflag:s8], $0x0  }
0x24: {  	s3 =	sadd.s32 $0x88, s3;
	s6 =	simm.s32 @!p1 $0x1082;
	[sflag:s4] =	ssyncset.s32 $0xFFFFF086  }
0x25: {  	[simem:s6], [sflag:s4] =	dma.local [hbm:s3], $0xF7A  }
0x26: {  	[smem:$0x3F97] =	sst s1;
	(tag) =	ssettag s2;
	_ =	strace s9  }
0x27: {  	s1 =	sld [smem:$0x3FA7]  }
0x28: {  	s2 =	sld [smem:$0x3FA8]  }
0x29: {  	s4 =	sld [smem:$0x3FAA]  }
0x2a: {  	p0 =	seq.s32 s5, $0x0;
	s5 =	sld [smem:$0x3FAB]  }
0x2b: {  	s6 =	sld [smem:$0x3FAC]  }
0x2c: {  	s7 =	sld [smem:$0x3FAD]  }
0x2d: {  	s3 =	simm.s32 $0x108;
	s8 =	sld [smem:$0x3FAE]  }
0x2e: {  	s3 =	simm.s32 @!p0 $0x1082;
	s9 =	sld [smem:$0x3FAF]  }
0x2f: {  	lr =	sadd.s32 s0, s3;
	s0 =	sld [smem:$0x3FA6]  }
0x30: {  	s3 =	sld [smem:$0x3FA9]  }
0x31: {  	[smem:$0x3FB2] =	sst s10  }
0x32: {  	s10 =	sld [smem:$0x3FB0];
	_ =	sdelay $0x3  }
0x33: {  	p0 =	seq.s32 s10, $0x1;
	s10 =	sld [smem:$0x3FB2];
	_ =	sdelay $0x3  }
0x34: {  	[smem:$0x3FB2] =	sst s10  }
0x35: {  	s10 =	sld [smem:$0x3FB1];
	_ =	sdelay $0x3  }
0x36: {  	p1 =	seq.s32 s10, $0x1;
	s10 =	sld [smem:$0x3FB2];
	_ =	sdelay $0x3  }
0x37: {  	[smem:$0x3FB2] =	sst s10  }
0x38: {  	s10 =	sld [smem:$0x3FB3]  }
0x39: {  	_ = 	snop;
	(pc) =	sbr.ind lr, $3  }
0x3a: {  	_ = 	snop  }
0x3b: {  	_ = 	snop  }
0x3c: {  	p2 =	seq.s32 s10, $0x1;
	s10 =	sld [smem:$0x3FB2]  }
0x3d: {  	_ =	shalt  }
0x3e: {  	_ =	shalt  }
0x3f: {  	_ =	shalt  }
0x40: {  	_ =	shalt  }
0x41: {  	_ =	shalt  }
0x42: {  	_ =	shalt  }
0x43: {  	_ =	shalt  }
0x44: {  	_ =	shalt  }
0x45: {  	_ =	shalt  }
0x46: {  	_ =	shalt  }
0x47: {  	_ =	shalt  }
0x48: {  	_ =	shalt  }
0x49: {  	_ =	shalt  }
0x4a: {  	_ =	shalt  }
0x4b: {  	_ =	shalt  }
0x4c: {  	_ =	shalt  }
0x4d: {  	_ =	shalt  }
0x4e: {  	_ =	shalt  }
0x4f: {  	_ =	shalt  }
0x50: {  	_ =	shalt  }
0x51: {  	_ =	shalt  }
0x52: {  	_ =	shalt  }
0x53: {  	_ =	shalt  }
0x54: {  	_ =	shalt  }
0x55: {  	_ =	shalt  }
0x56: {  	_ =	shalt  }
0x57: {  	_ =	shalt  }
0x58: {  	_ =	shalt  }
0x59: {  	_ =	shalt  }
0x5a: {  	_ =	shalt  }
0x5b: {  	_ =	shalt  }
0x5c: {  	_ =	shalt  }
0x5d: {  	_ =	shalt  }
0x5e: {  	_ =	shalt  }
0x5f: {  	_ =	shalt  }
0x60: {  	_ =	shalt  }
0x61: {  	_ =	shalt  }
0x62: {  	_ =	shalt  }
0x63: {  	_ =	shalt  }
0x64: {  	_ =	shalt  }
0x65: {  	_ =	shalt  }
0x66: {  	_ =	shalt  }
0x67: {  	_ =	shalt  }
0x68: {  	_ =	shalt  }
0x69: {  	_ =	shalt  }
0x6a: {  	_ =	shalt  }
0x6b: {  	_ =	shalt  }
0x6c: {  	_ =	shalt  }
0x6d: {  	_ =	shalt  }
0x6e: {  	_ =	shalt  }
0x6f: {  	_ =	shalt  }
0x70: {  	_ =	shalt  }
0x71: {  	_ =	shalt  }
0x72: {  	_ =	shalt  }
0x73: {  	_ =	shalt  }
0x74: {  	_ =	shalt  }
0x75: {  	_ =	shalt  }
0x76: {  	_ =	shalt  }
0x77: {  	_ =	shalt  }
0x78: {  	_ =	shalt  }
0x79: {  	_ =	shalt  }
0x7a: {  	_ =	shalt  }
0x7b: {  	_ =	shalt  }
0x7c: {  	_ =	shalt  }
0x7d: {  	_ =	shalt  }
0x7e: {  	_ =	shalt  }
0x7f: {  	_ =	shalt  }
0x80: {  	_ =	shalt  }
0x81: {  	_ =	shalt  }
0x82: {  	_ =	shalt  }
0x83: {  	_ =	shalt  }
0x84: {  	_ =	shalt  }
0x85: {  	_ =	shalt  }
0x86: {  	_ =	shalt  }
0x87: {  	_ =	shalt  }
.Lfunc_end0:
.L_simem_size_0:
called_computation.1_lowered:
.L_overlay_start_0:
0x88: {  	s2 =	sld [smem:$0x3FD9]  }
0x89: {  	s3 =	sld [smem:$0x3FFE];
	_ =	sdelay $0x1  }
0x8a: {  	s1 =	srdreg.scid  }
0x8b: {  	s0 =	sand.u32 $0x1, s1  }
0x8c: {  	s17 =	sshll.u32 s0, $0xA;
	s2 =	sadd.s32 s3, s2  }
0x8d: {  	s2 =	sadd.s32 s2, s17  }
0x8e: {  	[smem:$0x3FBE] =	sst s2  }
0x8f: {  	_ = 	snop  }
0x90: {  	s2 =	sld [smem:$0x3FD0];
	(tm) =	ssettm $0x1  }
0x91: {  	s18 =	sld [smem:$0x3FFB];
	_ =	sdelay $0x3  }
0x92: {  	_ =	strace s18  }
0x93: {  	s3 =	sld [smem:$0x3FFC];
	_ =	sdelay $0x3  }
0x94: {  	_ =	strace s3  }
0x95: {  	s3 =	sld [smem:$0x3FFD];
	_ =	sdelay $0x3  }
0x96: {  	_ =	strace s3  }
0x97: {  	_ =	strace $0x8FFFFFFF  }
0x98: {  	s19 =	sld [smem:$0x3FDB];
	_ =	sdelay $0x1  }
0x99: {  	s4 =	simm.s32 $_scs_section_size  }
0x9a: {  	s5 =	simm.s32 $_size__tile_overlayer_lowered;
	s6 =	simm.s32 $_tile_overlayer_lowered  }
0x9b: {  	s22 =	simm.s32 $0x1BFF;
	s21 =	sshll.u32 s6, $0x1;
	s3 =	sadd.s32 s4, s19  }
0x9c: {  	s7 =	simm.s32 $0x0;
	s20 =	sshll.u32 s5, $0x1;
	s5 =	sadd.s32 s21, s3  }
0x9d: {  	[timem:s7], [sflag:s22] =	dma.local [hbm:s5], s20  }
0x9e: {  	_ =	swait.ge [sflag:s22], s20  }
0x9f: {  	s4 =	ssub.s32 $0x0, s20;
	[sflag:s22] =	ssyncset.done $0x0  }
0xa0: {  	[sflag:s22] =	ssyncadd.s32 s4;
	_ =	sdelay $0x1  }
0xa1: {  	s23 =	simm.s32 $0x1B8B  }
0xa2: {  	_ =	swait.ge [sflag:s23], $0x1  }
0xa3: {  	[sflag:s23] =	ssyncset.done $0x0  }
0xa4: {  	s25 =	simm.s32 $0x1B8E;
	s24 =	sld [smem:$0x3FFE];
	[sflag:s23] =	ssyncadd.s32 $0xFFFFFFFF  }
0xa5: {  	s26 =	simm.s32 $execute0_lowered;
	[smem:$0x3FD2] =	sst s25  }
0xa6: {  	s5 =	sshll.u32 s26, $0x1;
	_ =	strace $0x80000049;
	[dreg:$0x1] =	wrdreg $0xFFFFFFFF  }
0xa7: {  	s28 =	simm.s32 $_size_execute0_lowered;
	s3 =	sadd.s32 s3, s5;
	[dreg:$0x0] =	wrdreg $0x0  }
0xa8: {  	s5 =	sshll.u32 s28, $0x1;
	[dreg:$0x2] =	wrdreg s3  }
0xa9: {  	[dreg:$0x3] =	wrdreg s5  }
0xaa: {  	[dreg:$0x4] =	wrdreg $0xC0  }
0xab: {  	_ =	task [dreg:s7], $0x5FFFF  }
0xac: {  	[dreg:$0x1] =	wrdreg $0xFFFFFFFF  }
0xad: {  	[dreg:$0x0] =	wrdreg $0x60  }
0xae: {  	[dreg:$0x2] =	wrdreg s2  }
0xaf: {  	[dreg:$0x3] =	wrdreg s24  }
0xb0: {  	[dreg:$0x4] =	wrdreg $0x90000  }
0xb1: {  	[dreg:$0x5] =	wrdreg $0x9  }
0xb2: {  	_ =	task.clear_ibuf [dreg:s7], $0x6FFFF;
	_ =	strace $0x90000049  }
0xb3: {  	s29 =	simm.s32 $0x9;
	_ =	strace $0x8000004B  }
0xb4: {  	_ =	swait.ge [sflag:s29], $0x1  }
0xb5: {  	[sflag:s29] =	ssyncadd.s32 $0xFFFFFFFF  }
0xb6: {  	_ =	strace $0x9000004B  }
0xb7: {  	_ =	sfence  }
0xb8: {  	s30 =	sld [smem:$0x0];
	_ =	sdelay $0x2  }
0xb9: {  	s31 =	sshll.u32 s1, $0xD;
	s1 =	sshrl.u32 s1, $0x2  }
0xba: {  	s3 =	sand.u32 $0x4000, s31;
	s1 =	sadd.s32 s1, s30  }
0xbb: {  	s0 =	sor.u32 s3, s0;
	s1 =	sshll.u32 s1, $0x11  }
0xbc: {  	s0 =	sor.u32 s1, s0  }
0xbd: {  	s0 =	sadd.s32 $0x8F2B, s0  }
0xbe: {  	[sflag:s0] =	ssyncadd.remote.s32 $0x1  }
0xbf: {  	_ =	sfence.sel $0xFFFF  }
0xc0: {  	[dreg:$0x0] =	wrdreg $0xFFFFFFFF;
	(pc) =	sbr.abs _section_cstart, $3  }
0xc1: {  	[dreg:$0x1] =	wrdreg $0xFFFFFFFF  }
0xc2: {  	_ =	task.clear_ibuf [dreg:s7], $0x2FFFF;
	_ =	strace $0x9FFFFFFF  }
0xc3: {  	(tm) =	ssettm $0x7FFFFFFF  }
tec
execute0_lowered:
.L_overlay_start_1:
0x0: {  	(tag) =	ssettag $0x1  }
0x1: {  	s1 =	rddreg [dreg:$0x0]  }
0x2: {  	s5 =	rddreg [dreg:$0x1];
	s2 =	srdreg.scid  }
0x3: {  	s0 =	stileid.u32;
	s3 =	rddreg [dreg:$0x2];
	s4 =	simm.s32 $0x0  }
0x4: {  	s16 =	simm.s32 $0x2800;
	s17 =	simm.s32 $0x80;
	s7 =	smul.u32 $0x2800, s0  }
0x5: {  	s18 =	simm.s32 $0x1;
	s21 =	simm.s32 $0x0;
	s10 =	smul.u32 $0x14000, s0  }
0x6: {  	s6 =	sand.u32 $0x1, s2;
	s2 =	rddreg [dreg:$0x3];
	s11 =	smul.u32 $0x50000, s0  }
0x7: {  	[smem:$0x7FF] =	sst s4;
	s19 =	sshll.u32 s0, $0x6;
	s8 =	smul.u32 $0x28000, s6  }
0x8: {  	s9 =	smul.u32 $0x140000, s6;
	_ =	strace $0x8000004A;
	s6 =	ssub.s32 $0x2, s6  }
0x9: {  	s19 =	sor.u32 $0x1C02, s19;
	s30 =	sshrl.u32 s11, $0x2;
	s31 =	sshrl.u32 s6, $0x1  }
0xa: {  	s8 =	sadd.s32 s7, s8;
	s7 =	sshrl.u32 s7, $0x3;
	s29 =	sadd.s32 s10, s9  }
0xb: {  	s8 =	sshrl.u32 s8, $0x3;
	s13 =	sadd.s32 s7, s5;
	s7 =	sshrl.u32 s29, $0x3  }
0xc: {  	s15 =	ssub.s32 s6, s31;
	s12 =	sadd.s32 s8, s5;
	s14 =	sadd.s32 s7, s5  }
0xd: {  	s5 =	sadd.s32 s30, s3;
	s11 =	sadd.s32 $0x13C00, s13;
	s13 =	smax.u32 s15, $0x1  }
0xe: {  	s15 =	simm.s32 $0x2;
	s6 =	sadd.s32 $0x4000, s5;
	s7 =	sadd.s32 $0x8000, s5  }
0xf: {  	s8 =	sadd.s32 $0xC000, s5;
	s9 =	sadd.s32 $0x10000, s5;
	s10 =	sadd.s32 $0x9C00, s12  }
0x10: {  	v0 =	vimm.f32 $0.0e+00;
	s12 =	sadd.s32 $0x18C00, s14;
	s14 =	simm.s32 $0x5000;
	s20 =	sshrl.u32 s5, $0x3  }
.LBB2_1:
0x11: {  	s22 =	sand.u32 $0xFE00, s4  }
0x12: {  	s23 =	sand.u32 $0x70, s4;
	s24 =	sshrl.u32 s22, $0x2  }
0x13: {  	s22 =	simm.s32 $0x40;
	s24 =	sor.u32 s23, s24;
	s23 =	simm.s32 $0x0  }
.LBB2_2:
0x14: {  	p0 =	sne.s32 s22, $0xFFC0  }
0x15: {  	[tilespmem:s24+$0x5000] =	vst v0;
	s23 =	sadd.s32 $0x10, s23;
	s24 =	smov.u32 s22;
	s22 =	sadd.s32 $0x40, s22  }
.Ltmp0:
0x16: {  	(pc) =	sbr.rel @p0 .LBB2_2-.Ltmp0, $4  }
0x17: {  	_ = 	snop  }
0x18: {  	s24 =	sand.u32 $0xFE00, s24  }
0x19: {  	s25 =	sand.u32 $0x70, s23;
	s24 =	sshrl.u32 s24, $0x2  }
0x1a: {  	s24 =	sor.u32 s25, s24  }
0x1b: {  	[tilespmem:s24+$0x5000] =	vst v0  }
0x1c: {  	[spmem:s5] =	stream.linear.scatter [tilespmem:s14], [sflag:$0x2], $0x4000, $0x38;
	[tilespmem:$0x1D000] =	vst v63  }
0x1d: {  	_ =	swait.ge [sflag:s15], $0x4000  }
0x1e: {  	[sflag:s15] =	ssyncset.done $0x0  }
0x1f: {  	[sflag:s15] =	ssyncadd.s32 $0xFFFFC000  }
0x20: {  	[spmem:s6] =	stream.linear.scatter [tilespmem:s14], [sflag:$0x2], $0x4000, $0x38;
	[tilespmem:$0x1D000] =	vst v63  }
0x21: {  	_ =	swait.ge [sflag:s15], $0x4000  }
0x22: {  	[sflag:s15] =	ssyncset.done $0x0  }
0x23: {  	[sflag:s15] =	ssyncadd.s32 $0xFFFFC000  }
0x24: {  	[spmem:s7] =	stream.linear.scatter [tilespmem:s14], [sflag:$0x2], $0x4000, $0x38;
	[tilespmem:$0x1D000] =	vst v63  }
0x25: {  	_ =	swait.ge [sflag:s15], $0x4000  }
0x26: {  	[sflag:s15] =	ssyncset.done $0x0  }
0x27: {  	[sflag:s15] =	ssyncadd.s32 $0xFFFFC000  }
0x28: {  	[spmem:s8] =	stream.linear.scatter [tilespmem:s14], [sflag:$0x2], $0x4000, $0x38;
	[tilespmem:$0x1D000] =	vst v63  }
0x29: {  	_ =	swait.ge [sflag:s15], $0x4000  }
0x2a: {  	[sflag:s15] =	ssyncset.done $0x0  }
0x2b: {  	[sflag:s15] =	ssyncadd.s32 $0xFFFFC000  }
0x2c: {  	[spmem:s9] =	stream.linear.scatter [tilespmem:s14], [sflag:$0x2], $0x4000, $0x38;
	[tilespmem:$0x1D000] =	vst v63  }
0x2d: {  	_ =	swait.ge [sflag:s15], $0x4000  }
0x2e: {  	[sflag:s15] =	ssyncset.done $0x0  }
0x2f: {  	[sflag:s15] =	ssyncadd.s32 $0xFFFFC000  }
0x30: {  	s22 =	simm.s32 $0x0;
	[bflag:$0x0] =	sbarrier.arrive $0xFFFF  }
0x31: {  	[tilespmem:s22], [sflag:$0x2] =	stream.linear.gather [hbm4b:s10+s22], $0x2780, $0x38;
	[tilespmem:$0x1D000] =	vst v63  }
0x32: {  	_ =	swait.ge [sflag:s15], $0x2780  }
0x33: {  	[sflag:s15] =	ssyncset.done $0x0  }
0x34: {  	[sflag:s15] =	ssyncadd.s32 $0xFFFFD880  }
0x35: {  	[tilespmem:s16], [sflag:$0x2] =	stream.linear.gather [hbm4b:s11+s22], $0x2780, $0x38;
	[tilespmem:$0x1D000] =	vst v63  }
0x36: {  	_ =	swait.ge [sflag:s15], $0x2780  }
0x37: {  	[sflag:s15] =	ssyncset.done $0x0  }
0x38: {  	s30 =	simm.s32 $0x0;
	[sflag:s15] =	ssyncadd.s32 $0xFFFFD880  }
0x39: {  	[tilespmem:s14], [sflag:$0x1] =	stream.indirect.gather [hbm4b:s1+s17], $0x80, s30, s17, $0xb8;
	[tilespmem:$0x1D000] =	vst v63  }
0x3a: {  	_ =	swait.ge [sflag:s18], $0x4000  }
0x3b: {  	[sflag:s18] =	ssyncset.done $0x0  }
0x3c: {  	s31 =	simm.s32 $0x2800;
	[sflag:s18] =	ssyncadd.s32 $0xFFFFC000  }
0x3d: {  	[spmem:s3] =	stream.indirect.scatter.add.f32 [tilespmem:s14], [sflag:$0x2], $0x80, s31, s17, $0xb8;
	[tilespmem:$0x1D000] =	vst v63  }
0x3e: {  	_ =	swait.ge [sflag:s15], $0x4000  }
0x3f: {  	s23 =	simm.s32 $0x400;
	s22 =	simm.s32 $0x200;
	[sflag:s15] =	ssyncset.done $0x0  }
.LBB2_4:
0x40: {  	s24 =	sshra.s32 s22, $0x2  }
0x41: {  	[sflag:s15] =	ssyncadd.s32 $0xFFFFC000;
	s22 =	smov.u32 s23;
	s25 =	sadd.s32 $0x200, s23  }
0x42: {  	[tilespmem:s14], [sflag:$0x1] =	stream.indirect.gather [hbm4b:s1+s17], $0x80, s24, s17, $0xb8;
	[tilespmem:$0x1D000] =	vst v63  }
0x43: {  	p0 =	sne.s32 s23, $0x9C00;
	_ =	swait.ge [sflag:s18], $0x4000  }
.Ltmp1:
0x44: {  	[sflag:s18] =	ssyncset.done $0x0;
	(pc) =	sbr.rel @p0 .LBB2_4-.Ltmp1, $4  }
0x45: {  	s23 =	sadd.s32 $0x2800, s24;
	[sflag:s18] =	ssyncadd.s32 $0xFFFFC000  }
0x46: {  	[spmem:s3] =	stream.indirect.scatter.add.f32 [tilespmem:s14], [sflag:$0x2], $0x80, s23, s17, $0xb8;
	[tilespmem:$0x1D000] =	vst v63  }
0x47: {  	_ =	swait.ge [sflag:s15], $0x4000  }
0x48: {  	s23 =	smov.u32 s25;
	[sflag:s15] =	ssyncset.done $0x0  }
0x49: {  	s22 =	sshra.s32 s22, $0x2;
	[sflag:s15] =	ssyncadd.s32 $0xFFFFC000  }
0x4a: {  	[tilespmem:s14], [sflag:$0x1] =	stream.indirect.gather [hbm4b:s1+s17], $0x80, s22, s17, $0xb8;
	[tilespmem:$0x1D000] =	vst v63  }
0x4b: {  	_ =	swait.ge [sflag:s18], $0x4000  }
0x4c: {  	[sflag:s18] =	ssyncset.done $0x0  }
0x4d: {  	s22 =	sadd.s32 $0x2800, s22;
	[sflag:s18] =	ssyncadd.s32 $0xFFFFC000  }
0x4e: {  	[spmem:s3] =	stream.indirect.scatter.add.f32 [tilespmem:s14], [sflag:$0x2], $0x80, s22, s17, $0xb8;
	[tilespmem:$0x1D000] =	vst v63  }
0x4f: {  	_ =	swait.ge [sflag:s15], $0x4000  }
0x50: {  	s21 =	sadd.s32 $0x1, s21;
	[sflag:s15] =	ssyncset.done $0x0  }
0x51: {  	p0 =	sne.s32 s21, s13;
	[sflag:s15] =	ssyncadd.s32 $0xFFFFC000  }
.Ltmp2:
0x52: {  	[bflag:$0x0] =	sbarrier.arrive $0xFFFF;
	(pc) =	sbr.rel @p0 .LBB2_1-.Ltmp2, $4  }
0x53: {  	[hbm:s12], [sflag:s19] =	dma.local [spmem:s20], $0x2800  }
0x54: {  	_ =	swait.ge [sflag:s15], $0x2800  }
0x55: {  	[sflag:s15] =	ssyncset.done $0x0  }
0x56: {  	[sflag:s15] =	ssyncadd.s32 $0xFFFFD800  }
0x57: {  	_ =	sfence.sel $0x180000  }
0x58: {  	[bflag:$0x0] =	sbarrier.arrive $0xFFFF  }
0x59: {  	p0 =	sne.s32 s0, $0x0;
	_ =	strace $0x9000004A  }
0x5a: {  	s0 =	sadd.s32 @!p0 $0x100000, s2;
	[bflag:$0x2] =	sbarrier.arrive $0xFFFF  }
0x5b: {  	[sflag:s0] =	ssyncadd.tile.s32 @!p0 $0x1;
	_ =	shalt  }
.Lfunc_end2:
_tile_overlayer_lowered:
.L_overlay_start_2:
0x5c: {  	(tag) =	ssettag $0x2  }
0x5d: {  	s0 =	rddreg [dreg:$0x0];
	s2 =	stileid.u32  }
0x5e: {  	s1 =	rddreg [dreg:$0x1];
	p0 =	sne.s32 s2, $0x0  }
0x5f: {  	s3 =	rddreg [dreg:$0x2];
	[bflag:$0x3] =	sbarrier.arrive $0xFFFF;
	s2 =	simm.s32 @!p0 $0x1C02  }
0x60: {  	[timem:s3], [sflag:s2] =	dma.local @!p0 [hbm:s0], s1  }
0x61: {  	s0 =	simm.s32 @!p0 $0x2  }
0x62: {  	_ =	swait.ge @!p0 [sflag:s0], s1  }
0x63: {  	s1 =	ssub.s32 @!p0 $0x0, s1;
	[sflag:s0] =	ssyncset.done @!p0 $0x0  }
0x64: {  	[sflag:s0] =	ssyncadd.s32 @!p0 s1  }
0x65: {  	[bflag:$0x3] =	sbarrier.arrive $0xFFFF  }
0x66: {  	_ =	shalt  }

// kernel: kernel.32.cloned.1.call-start
scs
__scs_entry_jumppad:
0x0: {  	(pc) =	sbr.rel $0x88, $3  }
0x1: {  	(tag) =	ssettag $0x0;
	lr =	simm.s32 $0x1  }
0x2: {  	[smem:$0x3F97] =	sst lr;
	_ =	strace $0xD0000000  }
0x3: {  	_ = 	snop  }
0x4: {  	_ = 	snop  }
0x5: {  	_ = 	snop  }
0x6: {  	_ = 	snop  }
0x7: {  	_ = 	snop  }
__scs_overlays_trampoline_lowered:
0x8: {  	[smem:$0x3FA6] =	sst s0  }
0x9: {  	[smem:$0x3FA7] =	sst s1  }
0xa: {  	[smem:$0x3FA8] =	sst s2  }
0xb: {  	[smem:$0x3FA9] =	sst s3  }
0xc: {  	[smem:$0x3FAA] =	sst s4  }
0xd: {  	[smem:$0x3FAB] =	sst s5  }
0xe: {  	[smem:$0x3FAC] =	sst s6  }
0xf: {  	[smem:$0x3FAD] =	sst s7  }
0x10: {  	[smem:$0x3FAE] =	sst s8  }
0x11: {  	[smem:$0x3FAF] =	sst s9;
	s0 =	simm.s32 @!p0 $0x0  }
0x12: {  	s1 =	sld [smem:$0x3F95];
	s0 =	simm.s32 @p0 $0x1  }
0x13: {  	[smem:$0x3FB0] =	sst s0;
	s0 =	simm.s32 @!p1 $0x0  }
0x14: {  	s2 =	sld [smem:$0x3F94];
	s0 =	simm.s32 @p1 $0x1  }
0x15: {  	[smem:$0x3FB1] =	sst s0;
	s0 =	simm.s32 @!p2 $0x0  }
0x16: {  	s3 =	sld [smem:$0x3FDB];
	s0 =	simm.s32 @p2 $0x1  }
0x17: {  	s4 =	simm.s32 $0x1BF5;
	[smem:$0x3FB3] =	sst s0  }
0x18: {  	s0 =	sld [smem:$0x3F96];
	_ =	swait.ge [sflag:s4], $0x0  }
0x19: {  	s7 =	sld [smem:$0x3F97]  }
0x1a: {  	s8 =	sadd.s32 $0xFFFFE003, lr  }
0x1b: {  	s9 =	sadd.s32 $0xFFFFFEF7, lr;
	s5 =	simm.s32 $0xFFFFFFFF;
	p2 =	slt.u32 s8, $0xFFFFF086  }
0x1c: {  	p1 =	slt.u32 s9, $0xF7A;
	s5 =	simm.s32 @!p2 $0x0  }
0x1d: {  	s5 =	simm.s32 @p1 $0x1;
	p0 =	seq.s32 s7, s2  }
0x1e: {  	s7 =	smul.u32 @!p0 $0xF7A, s2;
	p2 =	seq.s32 @!p0 s5, $0x0  }
0x1f: {  	s9 =	smul.u32 $0xF7A, s1;
	s8 =	simm.s32 @!p0 $0x1BF5;
	p2 =	por !p2, p0  }
0x20: {  	[sflag:s8] =	ssyncset.s32 @!p0 $0xFFFFF086;
	s6 =	sadd.s32 @!p0 s3, s7;
	s7 =	simm.s32 @!p0 $0x108  }
0x21: {  	s3 =	sadd.s32 s3, s9;
	s6 =	sadd.s32 @!p0 $0x88, s6;
	s7 =	simm.s32 @p2 $0x1082  }
0x22: {  	[simem:s7], [sflag:s8] =	dma.local @!p0 [hbm:s6], $0xF7A  }
0x23: {  	s9 =	sor.u32 $0xD0000000, s2;
	s6 =	simm.s32 $0x108;
	_ =	swait.ge @!p0 [sflag:s8], $0x0  }
0x24: {  	s3 =	sadd.s32 $0x88, s3;
	s6 =	simm.s32 @!p1 $0x1082;
	[sflag:s4] =	ssyncset.s32 $0xFFFFF086  }
0x25: {  	[simem:s6], [sflag:s4] =	dma.local [hbm:s3], $0xF7A  }
0x26: {  	[smem:$0x3F97] =	sst s1;
	(tag) =	ssettag s2;
	_ =	strace s9  }
0x27: {  	s1 =	sld [smem:$0x3FA7]  }
0x28: {  	s2 =	sld [smem:$0x3FA8]  }
0x29: {  	s4 =	sld [smem:$0x3FAA]  }
0x2a: {  	p0 =	seq.s32 s5, $0x0;
	s5 =	sld [smem:$0x3FAB]  }
0x2b: {  	s6 =	sld [smem:$0x3FAC]  }
0x2c: {  	s7 =	sld [smem:$0x3FAD]  }
0x2d: {  	s3 =	simm.s32 $0x108;
	s8 =	sld [smem:$0x3FAE]  }
0x2e: {  	s3 =	simm.s32 @!p0 $0x1082;
	s9 =	sld [smem:$0x3FAF]  }
0x2f: {  	lr =	sadd.s32 s0, s3;
	s0 =	sld [smem:$0x3FA6]  }
0x30: {  	s3 =	sld [smem:$0x3FA9]  }
0x31: {  	[smem:$0x3FB2] =	sst s10  }
0x32: {  	s10 =	sld [smem:$0x3FB0];
	_ =	sdelay $0x3  }
0x33: {  	p0 =	seq.s32 s10, $0x1;
	s10 =	sld [smem:$0x3FB2];
	_ =	sdelay $0x3  }
0x34: {  	[smem:$0x3FB2] =	sst s10  }
0x35: {  	s10 =	sld [smem:$0x3FB1];
	_ =	sdelay $0x3  }
0x36: {  	p1 =	seq.s32 s10, $0x1;
	s10 =	sld [smem:$0x3FB2];
	_ =	sdelay $0x3  }
0x37: {  	[smem:$0x3FB2] =	sst s10  }
0x38: {  	s10 =	sld [smem:$0x3FB3]  }
0x39: {  	_ = 	snop;
	(pc) =	sbr.ind lr, $3  }
0x3a: {  	_ = 	snop  }
0x3b: {  	_ = 	snop  }
0x3c: {  	p2 =	seq.s32 s10, $0x1;
	s10 =	sld [smem:$0x3FB2]  }
0x3d: {  	_ =	shalt  }
0x3e: {  	_ =	shalt  }
0x3f: {  	_ =	shalt  }
0x40: {  	_ =	shalt  }
0x41: {  	_ =	shalt  }
0x42: {  	_ =	shalt  }
0x43: {  	_ =	shalt  }
0x44: {  	_ =	shalt  }
0x45: {  	_ =	shalt  }
0x46: {  	_ =	shalt  }
0x47: {  	_ =	shalt  }
0x48: {  	_ =	shalt  }
0x49: {  	_ =	shalt  }
0x4a: {  	_ =	shalt  }
0x4b: {  	_ =	shalt  }
0x4c: {  	_ =	shalt  }
0x4d: {  	_ =	shalt  }
0x4e: {  	_ =	shalt  }
0x4f: {  	_ =	shalt  }
0x50: {  	_ =	shalt  }
0x51: {  	_ =	shalt  }
0x52: {  	_ =	shalt  }
0x53: {  	_ =	shalt  }
0x54: {  	_ =	shalt  }
0x55: {  	_ =	shalt  }
0x56: {  	_ =	shalt  }
0x57: {  	_ =	shalt  }
0x58: {  	_ =	shalt  }
0x59: {  	_ =	shalt  }
0x5a: {  	_ =	shalt  }
0x5b: {  	_ =	shalt  }
0x5c: {  	_ =	shalt  }
0x5d: {  	_ =	shalt  }
0x5e: {  	_ =	shalt  }
0x5f: {  	_ =	shalt  }
0x60: {  	_ =	shalt  }
0x61: {  	_ =	shalt  }
0x62: {  	_ =	shalt  }
0x63: {  	_ =	shalt  }
0x64: {  	_ =	shalt  }
0x65: {  	_ =	shalt  }
0x66: {  	_ =	shalt  }
0x67: {  	_ =	shalt  }
0x68: {  	_ =	shalt  }
0x69: {  	_ =	shalt  }
0x6a: {  	_ =	shalt  }
0x6b: {  	_ =	shalt  }
0x6c: {  	_ =	shalt  }
0x6d: {  	_ =	shalt  }
0x6e: {  	_ =	shalt  }
0x6f: {  	_ =	shalt  }
0x70: {  	_ =	shalt  }
0x71: {  	_ =	shalt  }
0x72: {  	_ =	shalt  }
0x73: {  	_ =	shalt  }
0x74: {  	_ =	shalt  }
0x75: {  	_ =	shalt  }
0x76: {  	_ =	shalt  }
0x77: {  	_ =	shalt  }
0x78: {  	_ =	shalt  }
0x79: {  	_ =	shalt  }
0x7a: {  	_ =	shalt  }
0x7b: {  	_ =	shalt  }
0x7c: {  	_ =	shalt  }
0x7d: {  	_ =	shalt  }
0x7e: {  	_ =	shalt  }
0x7f: {  	_ =	shalt  }
0x80: {  	_ =	shalt  }
0x81: {  	_ =	shalt  }
0x82: {  	_ =	shalt  }
0x83: {  	_ =	shalt  }
0x84: {  	_ =	shalt  }
0x85: {  	_ =	shalt  }
0x86: {  	_ =	shalt  }
0x87: {  	_ =	shalt  }
.Lfunc_end0:
.L_simem_size_0:
called_computation.2_lowered:
.L_overlay_start_0:
0x88: {  	s2 =	sld [smem:$0x3FD9]  }
0x89: {  	s3 =	sld [smem:$0x3FFE];
	_ =	sdelay $0x1  }
0x8a: {  	s1 =	srdreg.scid  }
0x8b: {  	s0 =	sand.u32 $0x1, s1  }
0x8c: {  	s17 =	sshll.u32 s0, $0xA;
	s2 =	sadd.s32 s3, s2  }
0x8d: {  	s2 =	sadd.s32 s2, s17  }
0x8e: {  	[smem:$0x3FBE] =	sst s2  }
0x8f: {  	_ = 	snop  }
0x90: {  	s2 =	sld [smem:$0x3FD0];
	(tm) =	ssettm $0x1  }
0x91: {  	s18 =	sld [smem:$0x3FFB];
	_ =	sdelay $0x3  }
0x92: {  	_ =	strace s18  }
0x93: {  	s3 =	sld [smem:$0x3FFC];
	_ =	sdelay $0x3  }
0x94: {  	_ =	strace s3  }
0x95: {  	s3 =	sld [smem:$0x3FFD];
	_ =	sdelay $0x3  }
0x96: {  	_ =	strace s3  }
0x97: {  	_ =	strace $0x8FFFFFFF  }
0x98: {  	s19 =	sld [smem:$0x3FDB];
	_ =	sdelay $0x1  }
0x99: {  	s4 =	simm.s32 $_scs_section_size  }
0x9a: {  	s5 =	simm.s32 $_size__tile_overlayer_lowered;
	s6 =	simm.s32 $_tile_overlayer_lowered  }
0x9b: {  	s22 =	simm.s32 $0x1BFF;
	s21 =	sshll.u32 s6, $0x1;
	s3 =	sadd.s32 s4, s19  }
0x9c: {  	s7 =	simm.s32 $0x0;
	s20 =	sshll.u32 s5, $0x1;
	s5 =	sadd.s32 s21, s3  }
0x9d: {  	[timem:s7], [sflag:s22] =	dma.local [hbm:s5], s20  }
0x9e: {  	_ =	swait.ge [sflag:s22], s20  }
0x9f: {  	s4 =	ssub.s32 $0x0, s20;
	[sflag:s22] =	ssyncset.done $0x0  }
0xa0: {  	[sflag:s22] =	ssyncadd.s32 s4;
	_ =	sdelay $0x1  }
0xa1: {  	s23 =	simm.s32 $0x1B8B  }
0xa2: {  	_ =	swait.ge [sflag:s23], $0x1  }
0xa3: {  	[sflag:s23] =	ssyncset.done $0x0  }
0xa4: {  	s25 =	simm.s32 $0x1B8E;
	s24 =	sld [smem:$0x3FFE];
	[sflag:s23] =	ssyncadd.s32 $0xFFFFFFFF  }
0xa5: {  	s26 =	simm.s32 $execute0_lowered;
	[smem:$0x3FD2] =	sst s25  }
0xa6: {  	s5 =	sshll.u32 s26, $0x1;
	_ =	strace $0x8000004C;
	[dreg:$0x1] =	wrdreg $0xFFFFFFFF  }
0xa7: {  	s28 =	simm.s32 $_size_execute0_lowered;
	s3 =	sadd.s32 s3, s5;
	[dreg:$0x0] =	wrdreg $0x0  }
0xa8: {  	s5 =	sshll.u32 s28, $0x1;
	[dreg:$0x2] =	wrdreg s3  }
0xa9: {  	[dreg:$0x3] =	wrdreg s5  }
0xaa: {  	[dreg:$0x4] =	wrdreg $0xC0  }
0xab: {  	_ =	task [dreg:s7], $0x5FFFF  }
0xac: {  	[dreg:$0x1] =	wrdreg $0xFFFFFFFF  }
0xad: {  	[dreg:$0x0] =	wrdreg $0x60  }
0xae: {  	[dreg:$0x2] =	wrdreg s2  }
0xaf: {  	[dreg:$0x3] =	wrdreg s24  }
0xb0: {  	[dreg:$0x4] =	wrdreg $0x90000  }
0xb1: {  	[dreg:$0x5] =	wrdreg $0x9  }
0xb2: {  	_ =	task.clear_ibuf [dreg:s7], $0x6FFFF;
	_ =	strace $0x9000004C  }
0xb3: {  	s29 =	simm.s32 $0x9;
	_ =	strace $0x8000004E  }
0xb4: {  	_ =	swait.ge [sflag:s29], $0x1  }
0xb5: {  	[sflag:s29] =	ssyncadd.s32 $0xFFFFFFFF  }
0xb6: {  	_ =	strace $0x9000004E  }
0xb7: {  	_ =	sfence  }
0xb8: {  	s30 =	sld [smem:$0x0];
	_ =	sdelay $0x2  }
0xb9: {  	s31 =	sshll.u32 s1, $0xD;
	s1 =	sshrl.u32 s1, $0x2  }
0xba: {  	s3 =	sand.u32 $0x4000, s31;
	s1 =	sadd.s32 s1, s30  }
0xbb: {  	s0 =	sor.u32 s3, s0;
	s1 =	sshll.u32 s1, $0x11  }
0xbc: {  	s0 =	sor.u32 s1, s0  }
0xbd: {  	s0 =	sadd.s32 $0x8F2B, s0  }
0xbe: {  	[sflag:s0] =	ssyncadd.remote.s32 $0x1  }
0xbf: {  	_ =	sfence.sel $0xFFFF  }
0xc0: {  	[dreg:$0x0] =	wrdreg $0xFFFFFFFF;
	(pc) =	sbr.abs _section_cstart, $3  }
0xc1: {  	[dreg:$0x1] =	wrdreg $0xFFFFFFFF  }
0xc2: {  	_ =	task.clear_ibuf [dreg:s7], $0x2FFFF;
	_ =	strace $0x9FFFFFFF  }
0xc3: {  	(tm) =	ssettm $0x7FFFFFFF  }
tec
execute0_lowered:
.L_overlay_start_1:
0x0: {  	(tag) =	ssettag $0x1  }
0x1: {  	s1 =	rddreg [dreg:$0x0]  }
0x2: {  	s5 =	rddreg [dreg:$0x1];
	s2 =	srdreg.scid  }
0x3: {  	s0 =	stileid.u32;
	s3 =	rddreg [dreg:$0x2];
	s4 =	simm.s32 $0x0  }
0x4: {  	s16 =	simm.s32 $0x2800;
	s17 =	simm.s32 $0x80;
	s7 =	smul.u32 $0x2800, s0  }
0x5: {  	s18 =	simm.s32 $0x1;
	s21 =	simm.s32 $0x0;
	s10 =	smul.u32 $0x14000, s0  }
0x6: {  	s6 =	sand.u32 $0x1, s2;
	s2 =	rddreg [dreg:$0x3];
	s11 =	smul.u32 $0x50000, s0  }
0x7: {  	[smem:$0x7FF] =	sst s4;
	s19 =	sshll.u32 s0, $0x6;
	s8 =	smul.u32 $0x28000, s6  }
0x8: {  	s9 =	smul.u32 $0x140000, s6;
	_ =	strace $0x8000004D;
	s6 =	ssub.s32 $0x2, s6  }
0x9: {  	s19 =	sor.u32 $0x1C02, s19;
	s30 =	sshrl.u32 s11, $0x2;
	s31 =	sshrl.u32 s6, $0x1  }
0xa: {  	s8 =	sadd.s32 s7, s8;
	s7 =	sshrl.u32 s7, $0x3;
	s29 =	sadd.s32 s10, s9  }
0xb: {  	s8 =	sshrl.u32 s8, $0x3;
	s13 =	sadd.s32 s7, s5;
	s7 =	sshrl.u32 s29, $0x3  }
0xc: {  	s15 =	ssub.s32 s6, s31;
	s12 =	sadd.s32 s8, s5;
	s14 =	sadd.s32 s7, s5  }
0xd: {  	s5 =	sadd.s32 s30, s3;
	s11 =	sadd.s32 $0x13C00, s13;
	s13 =	smax.u32 s15, $0x1  }
0xe: {  	s15 =	simm.s32 $0x2;
	s6 =	sadd.s32 $0x4000, s5;
	s7 =	sadd.s32 $0x8000, s5  }
0xf: {  	s8 =	sadd.s32 $0xC000, s5;
	s9 =	sadd.s32 $0x10000, s5;
	s10 =	sadd.s32 $0x9C00, s12  }
0x10: {  	v0 =	vimm.f32 $0.0e+00;
	s12 =	sadd.s32 $0x18C00, s14;
	s14 =	simm.s32 $0x5000;
	s20 =	sshrl.u32 s5, $0x3  }
.LBB2_1:
0x11: {  	s22 =	sand.u32 $0xFE00, s4  }
0x12: {  	s23 =	sand.u32 $0x70, s4;
	s24 =	sshrl.u32 s22, $0x2  }
0x13: {  	s22 =	simm.s32 $0x40;
	s24 =	sor.u32 s23, s24;
	s23 =	simm.s32 $0x0  }
.LBB2_2:
0x14: {  	p0 =	sne.s32 s22, $0xFFC0  }
0x15: {  	[tilespmem:s24+$0x5000] =	vst v0;
	s23 =	sadd.s32 $0x10, s23;
	s24 =	smov.u32 s22;
	s22 =	sadd.s32 $0x40, s22  }
.Ltmp0:
0x16: {  	(pc) =	sbr.rel @p0 .LBB2_2-.Ltmp0, $4  }
0x17: {  	_ = 	snop  }
0x18: {  	s24 =	sand.u32 $0xFE00, s24  }
0x19: {  	s25 =	sand.u32 $0x70, s23;
	s24 =	sshrl.u32 s24, $0x2  }
0x1a: {  	s24 =	sor.u32 s25, s24  }
0x1b: {  	[tilespmem:s24+$0x5000] =	vst v0  }
0x1c: {  	[spmem:s5] =	stream.linear.scatter [tilespmem:s14], [sflag:$0x2], $0x4000, $0x38;
	[tilespmem:$0x1D000] =	vst v63  }
0x1d: {  	_ =	swait.ge [sflag:s15], $0x4000  }
0x1e: {  	[sflag:s15] =	ssyncset.done $0x0  }
0x1f: {  	[sflag:s15] =	ssyncadd.s32 $0xFFFFC000  }
0x20: {  	[spmem:s6] =	stream.linear.scatter [tilespmem:s14], [sflag:$0x2], $0x4000, $0x38;
	[tilespmem:$0x1D000] =	vst v63  }
0x21: {  	_ =	swait.ge [sflag:s15], $0x4000  }
0x22: {  	[sflag:s15] =	ssyncset.done $0x0  }
0x23: {  	[sflag:s15] =	ssyncadd.s32 $0xFFFFC000  }
0x24: {  	[spmem:s7] =	stream.linear.scatter [tilespmem:s14], [sflag:$0x2], $0x4000, $0x38;
	[tilespmem:$0x1D000] =	vst v63  }
0x25: {  	_ =	swait.ge [sflag:s15], $0x4000  }
0x26: {  	[sflag:s15] =	ssyncset.done $0x0  }
0x27: {  	[sflag:s15] =	ssyncadd.s32 $0xFFFFC000  }
0x28: {  	[spmem:s8] =	stream.linear.scatter [tilespmem:s14], [sflag:$0x2], $0x4000, $0x38;
	[tilespmem:$0x1D000] =	vst v63  }
0x29: {  	_ =	swait.ge [sflag:s15], $0x4000  }
0x2a: {  	[sflag:s15] =	ssyncset.done $0x0  }
0x2b: {  	[sflag:s15] =	ssyncadd.s32 $0xFFFFC000  }
0x2c: {  	[spmem:s9] =	stream.linear.scatter [tilespmem:s14], [sflag:$0x2], $0x4000, $0x38;
	[tilespmem:$0x1D000] =	vst v63  }
0x2d: {  	_ =	swait.ge [sflag:s15], $0x4000  }
0x2e: {  	[sflag:s15] =	ssyncset.done $0x0  }
0x2f: {  	[sflag:s15] =	ssyncadd.s32 $0xFFFFC000  }
0x30: {  	s22 =	simm.s32 $0x0;
	[bflag:$0x0] =	sbarrier.arrive $0xFFFF  }
0x31: {  	[tilespmem:s22], [sflag:$0x2] =	stream.linear.gather [hbm4b:s10+s22], $0x2780, $0x38;
	[tilespmem:$0x1D000] =	vst v63  }
0x32: {  	_ =	swait.ge [sflag:s15], $0x2780  }
0x33: {  	[sflag:s15] =	ssyncset.done $0x0  }
0x34: {  	[sflag:s15] =	ssyncadd.s32 $0xFFFFD880  }
0x35: {  	[tilespmem:s16], [sflag:$0x2] =	stream.linear.gather [hbm4b:s11+s22], $0x2780, $0x38;
	[tilespmem:$0x1D000] =	vst v63  }
0x36: {  	_ =	swait.ge [sflag:s15], $0x2780  }
0x37: {  	[sflag:s15] =	ssyncset.done $0x0  }
0x38: {  	s30 =	simm.s32 $0x0;
	[sflag:s15] =	ssyncadd.s32 $0xFFFFD880  }
0x39: {  	[tilespmem:s14], [sflag:$0x1] =	stream.indirect.gather [hbm4b:s1+s17], $0x80, s30, s17, $0xb8;
	[tilespmem:$0x1D000] =	vst v63  }
0x3a: {  	_ =	swait.ge [sflag:s18], $0x4000  }
0x3b: {  	[sflag:s18] =	ssyncset.done $0x0  }
0x3c: {  	s31 =	simm.s32 $0x2800;
	[sflag:s18] =	ssyncadd.s32 $0xFFFFC000  }
0x3d: {  	[spmem:s3] =	stream.indirect.scatter.add.f32 [tilespmem:s14], [sflag:$0x2], $0x80, s31, s17, $0xb8;
	[tilespmem:$0x1D000] =	vst v63  }
0x3e: {  	_ =	swait.ge [sflag:s15], $0x4000  }
0x3f: {  	s23 =	simm.s32 $0x400;
	s22 =	simm.s32 $0x200;
	[sflag:s15] =	ssyncset.done $0x0  }
.LBB2_4:
0x40: {  	s24 =	sshra.s32 s22, $0x2  }
0x41: {  	[sflag:s15] =	ssyncadd.s32 $0xFFFFC000;
	s22 =	smov.u32 s23;
	s25 =	sadd.s32 $0x200, s23  }
0x42: {  	[tilespmem:s14], [sflag:$0x1] =	stream.indirect.gather [hbm4b:s1+s17], $0x80, s24, s17, $0xb8;
	[tilespmem:$0x1D000] =	vst v63  }
0x43: {  	p0 =	sne.s32 s23, $0x9C00;
	_ =	swait.ge [sflag:s18], $0x4000  }
.Ltmp1:
0x44: {  	[sflag:s18] =	ssyncset.done $0x0;
	(pc) =	sbr.rel @p0 .LBB2_4-.Ltmp1, $4  }
0x45: {  	s23 =	sadd.s32 $0x2800, s24;
	[sflag:s18] =	ssyncadd.s32 $0xFFFFC000  }
0x46: {  	[spmem:s3] =	stream.indirect.scatter.add.f32 [tilespmem:s14], [sflag:$0x2], $0x80, s23, s17, $0xb8;
	[tilespmem:$0x1D000] =	vst v63  }
0x47: {  	_ =	swait.ge [sflag:s15], $0x4000  }
0x48: {  	s23 =	smov.u32 s25;
	[sflag:s15] =	ssyncset.done $0x0  }
0x49: {  	s22 =	sshra.s32 s22, $0x2;
	[sflag:s15] =	ssyncadd.s32 $0xFFFFC000  }
0x4a: {  	[tilespmem:s14], [sflag:$0x1] =	stream.indirect.gather [hbm4b:s1+s17], $0x80, s22, s17, $0xb8;
	[tilespmem:$0x1D000] =	vst v63  }
0x4b: {  	_ =	swait.ge [sflag:s18], $0x4000  }
0x4c: {  	[sflag:s18] =	ssyncset.done $0x0  }
0x4d: {  	s22 =	sadd.s32 $0x2800, s22;
	[sflag:s18] =	ssyncadd.s32 $0xFFFFC000  }
0x4e: {  	[spmem:s3] =	stream.indirect.scatter.add.f32 [tilespmem:s14], [sflag:$0x2], $0x80, s22, s17, $0xb8;
	[tilespmem:$0x1D000] =	vst v63  }
0x4f: {  	_ =	swait.ge [sflag:s15], $0x4000  }
0x50: {  	s21 =	sadd.s32 $0x1, s21;
	[sflag:s15] =	ssyncset.done $0x0  }
0x51: {  	p0 =	sne.s32 s21, s13;
	[sflag:s15] =	ssyncadd.s32 $0xFFFFC000  }
.Ltmp2:
0x52: {  	[bflag:$0x0] =	sbarrier.arrive $0xFFFF;
	(pc) =	sbr.rel @p0 .LBB2_1-.Ltmp2, $4  }
0x53: {  	[hbm:s12], [sflag:s19] =	dma.local [spmem:s20], $0x2800  }
0x54: {  	_ =	swait.ge [sflag:s15], $0x2800  }
0x55: {  	[sflag:s15] =	ssyncset.done $0x0  }
0x56: {  	[sflag:s15] =	ssyncadd.s32 $0xFFFFD800  }
0x57: {  	_ =	sfence.sel $0x180000  }
0x58: {  	[bflag:$0x0] =	sbarrier.arrive $0xFFFF  }
0x59: {  	p0 =	sne.s32 s0, $0x0;
	_ =	strace $0x9000004D  }
0x5a: {  	s0 =	sadd.s32 @!p0 $0x100000, s2;
	[bflag:$0x2] =	sbarrier.arrive $0xFFFF  }
0x5b: {  	[sflag:s0] =	ssyncadd.tile.s32 @!p0 $0x1;
	_ =	shalt  }
.Lfunc_end2:
_tile_overlayer_lowered:
.L_overlay_start_2:
0x5c: {  	(tag) =	ssettag $0x2  }
0x5d: {  	s0 =	rddreg [dreg:$0x0];
	s2 =	stileid.u32  }
0x5e: {  	s1 =	rddreg [dreg:$0x1];
	p0 =	sne.s32 s2, $0x0  }
0x5f: {  	s3 =	rddreg [dreg:$0x2];
	[bflag:$0x3] =	sbarrier.arrive $0xFFFF;
	s2 =	simm.s32 @!p0 $0x1C02  }
0x60: {  	[timem:s3], [sflag:s2] =	dma.local @!p0 [hbm:s0], s1  }
0x61: {  	s0 =	simm.s32 @!p0 $0x2  }
0x62: {  	_ =	swait.ge @!p0 [sflag:s0], s1  }
0x63: {  	s1 =	ssub.s32 @!p0 $0x0, s1;
	[sflag:s0] =	ssyncset.done @!p0 $0x0  }
0x64: {  	[sflag:s0] =	ssyncadd.s32 @!p0 s1  }
0x65: {  	[bflag:$0x3] =	sbarrier.arrive $0xFFFF  }
0x66: {  	_ =	shalt  }

// kernel: kernel.35.cloned.1.call-start
scs
__scs_entry_jumppad:
0x0: {  	(pc) =	sbr.rel $0x88, $3  }
0x1: {  	(tag) =	ssettag $0x0;
	lr =	simm.s32 $0x1  }
0x2: {  	[smem:$0x3F97] =	sst lr;
	_ =	strace $0xD0000000  }
0x3: {  	_ = 	snop  }
0x4: {  	_ = 	snop  }
0x5: {  	_ = 	snop  }
0x6: {  	_ = 	snop  }
0x7: {  	_ = 	snop  }
__scs_overlays_trampoline_lowered:
0x8: {  	[smem:$0x3FA6] =	sst s0  }
0x9: {  	[smem:$0x3FA7] =	sst s1  }
0xa: {  	[smem:$0x3FA8] =	sst s2  }
0xb: {  	[smem:$0x3FA9] =	sst s3  }
0xc: {  	[smem:$0x3FAA] =	sst s4  }
0xd: {  	[smem:$0x3FAB] =	sst s5  }
0xe: {  	[smem:$0x3FAC] =	sst s6  }
0xf: {  	[smem:$0x3FAD] =	sst s7  }
0x10: {  	[smem:$0x3FAE] =	sst s8  }
0x11: {  	[smem:$0x3FAF] =	sst s9;
	s0 =	simm.s32 @!p0 $0x0  }
0x12: {  	s1 =	sld [smem:$0x3F95];
	s0 =	simm.s32 @p0 $0x1  }
0x13: {  	[smem:$0x3FB0] =	sst s0;
	s0 =	simm.s32 @!p1 $0x0  }
0x14: {  	s2 =	sld [smem:$0x3F94];
	s0 =	simm.s32 @p1 $0x1  }
0x15: {  	[smem:$0x3FB1] =	sst s0;
	s0 =	simm.s32 @!p2 $0x0  }
0x16: {  	s3 =	sld [smem:$0x3FDB];
	s0 =	simm.s32 @p2 $0x1  }
0x17: {  	s4 =	simm.s32 $0x1BF5;
	[smem:$0x3FB3] =	sst s0  }
0x18: {  	s0 =	sld [smem:$0x3F96];
	_ =	swait.ge [sflag:s4], $0x0  }
0x19: {  	s7 =	sld [smem:$0x3F97]  }
0x1a: {  	s8 =	sadd.s32 $0xFFFFE003, lr  }
0x1b: {  	s9 =	sadd.s32 $0xFFFFFEF7, lr;
	s5 =	simm.s32 $0xFFFFFFFF;
	p2 =	slt.u32 s8, $0xFFFFF086  }
0x1c: {  	p1 =	slt.u32 s9, $0xF7A;
	s5 =	simm.s32 @!p2 $0x0  }
0x1d: {  	s5 =	simm.s32 @p1 $0x1;
	p0 =	seq.s32 s7, s2  }
0x1e: {  	s7 =	smul.u32 @!p0 $0xF7A, s2;
	p2 =	seq.s32 @!p0 s5, $0x0  }
0x1f: {  	s9 =	smul.u32 $0xF7A, s1;
	s8 =	simm.s32 @!p0 $0x1BF5;
	p2 =	por !p2, p0  }
0x20: {  	[sflag:s8] =	ssyncset.s32 @!p0 $0xFFFFF086;
	s6 =	sadd.s32 @!p0 s3, s7;
	s7 =	simm.s32 @!p0 $0x108  }
0x21: {  	s3 =	sadd.s32 s3, s9;
	s6 =	sadd.s32 @!p0 $0x88, s6;
	s7 =	simm.s32 @p2 $0x1082  }
0x22: {  	[simem:s7], [sflag:s8] =	dma.local @!p0 [hbm:s6], $0xF7A  }
0x23: {  	s9 =	sor.u32 $0xD0000000, s2;
	s6 =	simm.s32 $0x108;
	_ =	swait.ge @!p0 [sflag:s8], $0x0  }
0x24: {  	s3 =	sadd.s32 $0x88, s3;
	s6 =	simm.s32 @!p1 $0x1082;
	[sflag:s4] =	ssyncset.s32 $0xFFFFF086  }
0x25: {  	[simem:s6], [sflag:s4] =	dma.local [hbm:s3], $0xF7A  }
0x26: {  	[smem:$0x3F97] =	sst s1;
	(tag) =	ssettag s2;
	_ =	strace s9  }
0x27: {  	s1 =	sld [smem:$0x3FA7]  }
0x28: {  	s2 =	sld [smem:$0x3FA8]  }
0x29: {  	s4 =	sld [smem:$0x3FAA]  }
0x2a: {  	p0 =	seq.s32 s5, $0x0;
	s5 =	sld [smem:$0x3FAB]  }
0x2b: {  	s6 =	sld [smem:$0x3FAC]  }
0x2c: {  	s7 =	sld [smem:$0x3FAD]  }
0x2d: {  	s3 =	simm.s32 $0x108;
	s8 =	sld [smem:$0x3FAE]  }
0x2e: {  	s3 =	simm.s32 @!p0 $0x1082;
	s9 =	sld [smem:$0x3FAF]  }
0x2f: {  	lr =	sadd.s32 s0, s3;
	s0 =	sld [smem:$0x3FA6]  }
0x30: {  	s3 =	sld [smem:$0x3FA9]  }
0x31: {  	[smem:$0x3FB2] =	sst s10  }
0x32: {  	s10 =	sld [smem:$0x3FB0];
	_ =	sdelay $0x3  }
0x33: {  	p0 =	seq.s32 s10, $0x1;
	s10 =	sld [smem:$0x3FB2];
	_ =	sdelay $0x3  }
0x34: {  	[smem:$0x3FB2] =	sst s10  }
0x35: {  	s10 =	sld [smem:$0x3FB1];
	_ =	sdelay $0x3  }
0x36: {  	p1 =	seq.s32 s10, $0x1;
	s10 =	sld [smem:$0x3FB2];
	_ =	sdelay $0x3  }
0x37: {  	[smem:$0x3FB2] =	sst s10  }
0x38: {  	s10 =	sld [smem:$0x3FB3]  }
0x39: {  	_ = 	snop;
	(pc) =	sbr.ind lr, $3  }
0x3a: {  	_ = 	snop  }
0x3b: {  	_ = 	snop  }
0x3c: {  	p2 =	seq.s32 s10, $0x1;
	s10 =	sld [smem:$0x3FB2]  }
0x3d: {  	_ =	shalt  }
0x3e: {  	_ =	shalt  }
0x3f: {  	_ =	shalt  }
0x40: {  	_ =	shalt  }
0x41: {  	_ =	shalt  }
0x42: {  	_ =	shalt  }
0x43: {  	_ =	shalt  }
0x44: {  	_ =	shalt  }
0x45: {  	_ =	shalt  }
0x46: {  	_ =	shalt  }
0x47: {  	_ =	shalt  }
0x48: {  	_ =	shalt  }
0x49: {  	_ =	shalt  }
0x4a: {  	_ =	shalt  }
0x4b: {  	_ =	shalt  }
0x4c: {  	_ =	shalt  }
0x4d: {  	_ =	shalt  }
0x4e: {  	_ =	shalt  }
0x4f: {  	_ =	shalt  }
0x50: {  	_ =	shalt  }
0x51: {  	_ =	shalt  }
0x52: {  	_ =	shalt  }
0x53: {  	_ =	shalt  }
0x54: {  	_ =	shalt  }
0x55: {  	_ =	shalt  }
0x56: {  	_ =	shalt  }
0x57: {  	_ =	shalt  }
0x58: {  	_ =	shalt  }
0x59: {  	_ =	shalt  }
0x5a: {  	_ =	shalt  }
0x5b: {  	_ =	shalt  }
0x5c: {  	_ =	shalt  }
0x5d: {  	_ =	shalt  }
0x5e: {  	_ =	shalt  }
0x5f: {  	_ =	shalt  }
0x60: {  	_ =	shalt  }
0x61: {  	_ =	shalt  }
0x62: {  	_ =	shalt  }
0x63: {  	_ =	shalt  }
0x64: {  	_ =	shalt  }
0x65: {  	_ =	shalt  }
0x66: {  	_ =	shalt  }
0x67: {  	_ =	shalt  }
0x68: {  	_ =	shalt  }
0x69: {  	_ =	shalt  }
0x6a: {  	_ =	shalt  }
0x6b: {  	_ =	shalt  }
0x6c: {  	_ =	shalt  }
0x6d: {  	_ =	shalt  }
0x6e: {  	_ =	shalt  }
0x6f: {  	_ =	shalt  }
0x70: {  	_ =	shalt  }
0x71: {  	_ =	shalt  }
0x72: {  	_ =	shalt  }
0x73: {  	_ =	shalt  }
0x74: {  	_ =	shalt  }
0x75: {  	_ =	shalt  }
0x76: {  	_ =	shalt  }
0x77: {  	_ =	shalt  }
0x78: {  	_ =	shalt  }
0x79: {  	_ =	shalt  }
0x7a: {  	_ =	shalt  }
0x7b: {  	_ =	shalt  }
0x7c: {  	_ =	shalt  }
0x7d: {  	_ =	shalt  }
0x7e: {  	_ =	shalt  }
0x7f: {  	_ =	shalt  }
0x80: {  	_ =	shalt  }
0x81: {  	_ =	shalt  }
0x82: {  	_ =	shalt  }
0x83: {  	_ =	shalt  }
0x84: {  	_ =	shalt  }
0x85: {  	_ =	shalt  }
0x86: {  	_ =	shalt  }
0x87: {  	_ =	shalt  }
.Lfunc_end0:
.L_simem_size_0:
called_computation.3_lowered:
.L_overlay_start_0:
0x88: {  	s2 =	sld [smem:$0x3FD9]  }
0x89: {  	s3 =	sld [smem:$0x3FFE];
	_ =	sdelay $0x1  }
0x8a: {  	s1 =	srdreg.scid  }
0x8b: {  	s0 =	sand.u32 $0x1, s1  }
0x8c: {  	s17 =	sshll.u32 s0, $0xA;
	s2 =	sadd.s32 s3, s2  }
0x8d: {  	s2 =	sadd.s32 s2, s17  }
0x8e: {  	[smem:$0x3FBE] =	sst s2  }
0x8f: {  	_ = 	snop  }
0x90: {  	s2 =	sld [smem:$0x3FD0];
	(tm) =	ssettm $0x1  }
0x91: {  	s18 =	sld [smem:$0x3FFB];
	_ =	sdelay $0x3  }
0x92: {  	_ =	strace s18  }
0x93: {  	s3 =	sld [smem:$0x3FFC];
	_ =	sdelay $0x3  }
0x94: {  	_ =	strace s3  }
0x95: {  	s3 =	sld [smem:$0x3FFD];
	_ =	sdelay $0x3  }
0x96: {  	_ =	strace s3  }
0x97: {  	_ =	strace $0x8FFFFFFF  }
0x98: {  	s19 =	sld [smem:$0x3FDB];
	_ =	sdelay $0x1  }
0x99: {  	s4 =	simm.s32 $_scs_section_size  }
0x9a: {  	s5 =	simm.s32 $_size__tile_overlayer_lowered;
	s6 =	simm.s32 $_tile_overlayer_lowered  }
0x9b: {  	s22 =	simm.s32 $0x1BFF;
	s21 =	sshll.u32 s6, $0x1;
	s3 =	sadd.s32 s4, s19  }
0x9c: {  	s7 =	simm.s32 $0x0;
	s20 =	sshll.u32 s5, $0x1;
	s5 =	sadd.s32 s21, s3  }
0x9d: {  	[timem:s7], [sflag:s22] =	dma.local [hbm:s5], s20  }
0x9e: {  	_ =	swait.ge [sflag:s22], s20  }
0x9f: {  	s4 =	ssub.s32 $0x0, s20;
	[sflag:s22] =	ssyncset.done $0x0  }
0xa0: {  	[sflag:s22] =	ssyncadd.s32 s4;
	_ =	sdelay $0x1  }
0xa1: {  	s23 =	simm.s32 $0x1B8B  }
0xa2: {  	_ =	swait.ge [sflag:s23], $0x1  }
0xa3: {  	[sflag:s23] =	ssyncset.done $0x0  }
0xa4: {  	s25 =	simm.s32 $0x1B8E;
	s24 =	sld [smem:$0x3FFE];
	[sflag:s23] =	ssyncadd.s32 $0xFFFFFFFF  }
0xa5: {  	s26 =	simm.s32 $execute0_lowered;
	[smem:$0x3FD2] =	sst s25  }
0xa6: {  	s5 =	sshll.u32 s26, $0x1;
	_ =	strace $0x8000004F;
	[dreg:$0x1] =	wrdreg $0xFFFFFFFF  }
0xa7: {  	s28 =	simm.s32 $_size_execute0_lowered;
	s3 =	sadd.s32 s3, s5;
	[dreg:$0x0] =	wrdreg $0x0  }
0xa8: {  	s5 =	sshll.u32 s28, $0x1;
	[dreg:$0x2] =	wrdreg s3  }
0xa9: {  	[dreg:$0x3] =	wrdreg s5  }
0xaa: {  	[dreg:$0x4] =	wrdreg $0xC0  }
0xab: {  	_ =	task [dreg:s7], $0x5FFFF  }
0xac: {  	[dreg:$0x1] =	wrdreg $0xFFFFFFFF  }
0xad: {  	[dreg:$0x0] =	wrdreg $0x60  }
0xae: {  	[dreg:$0x2] =	wrdreg s2  }
0xaf: {  	[dreg:$0x3] =	wrdreg s24  }
0xb0: {  	[dreg:$0x4] =	wrdreg $0x90000  }
0xb1: {  	[dreg:$0x5] =	wrdreg $0x9  }
0xb2: {  	_ =	task.clear_ibuf [dreg:s7], $0x6FFFF;
	_ =	strace $0x9000004F  }
0xb3: {  	s29 =	simm.s32 $0x9;
	_ =	strace $0x80000051  }
0xb4: {  	_ =	swait.ge [sflag:s29], $0x1  }
0xb5: {  	[sflag:s29] =	ssyncadd.s32 $0xFFFFFFFF  }
0xb6: {  	_ =	strace $0x90000051  }
0xb7: {  	_ =	sfence  }
0xb8: {  	s30 =	sld [smem:$0x0];
	_ =	sdelay $0x2  }
0xb9: {  	s31 =	sshll.u32 s1, $0xD;
	s1 =	sshrl.u32 s1, $0x2  }
0xba: {  	s3 =	sand.u32 $0x4000, s31;
	s1 =	sadd.s32 s1, s30  }
0xbb: {  	s0 =	sor.u32 s3, s0;
	s1 =	sshll.u32 s1, $0x11  }
0xbc: {  	s0 =	sor.u32 s1, s0  }
0xbd: {  	s0 =	sadd.s32 $0x8F2B, s0  }
0xbe: {  	[sflag:s0] =	ssyncadd.remote.s32 $0x1  }
0xbf: {  	_ =	sfence.sel $0xFFFF  }
0xc0: {  	[dreg:$0x0] =	wrdreg $0xFFFFFFFF;
	(pc) =	sbr.abs _section_cstart, $3  }
0xc1: {  	[dreg:$0x1] =	wrdreg $0xFFFFFFFF  }
0xc2: {  	_ =	task.clear_ibuf [dreg:s7], $0x2FFFF;
	_ =	strace $0x9FFFFFFF  }
0xc3: {  	(tm) =	ssettm $0x7FFFFFFF  }
tec
execute0_lowered:
.L_overlay_start_1:
0x0: {  	(tag) =	ssettag $0x1  }
0x1: {  	s1 =	rddreg [dreg:$0x0]  }
0x2: {  	s5 =	rddreg [dreg:$0x1];
	s2 =	srdreg.scid  }
0x3: {  	s0 =	stileid.u32;
	s3 =	rddreg [dreg:$0x2];
	s4 =	simm.s32 $0x0  }
0x4: {  	s16 =	simm.s32 $0x2800;
	s17 =	simm.s32 $0x80;
	s7 =	smul.u32 $0x2800, s0  }
0x5: {  	s18 =	simm.s32 $0x1;
	s21 =	simm.s32 $0x0;
	s10 =	smul.u32 $0x14000, s0  }
0x6: {  	s6 =	sand.u32 $0x1, s2;
	s2 =	rddreg [dreg:$0x3];
	s11 =	smul.u32 $0x50000, s0  }
0x7: {  	[smem:$0x7FF] =	sst s4;
	s19 =	sshll.u32 s0, $0x6;
	s8 =	smul.u32 $0x28000, s6  }
0x8: {  	s9 =	smul.u32 $0x140000, s6;
	_ =	strace $0x80000050;
	s6 =	ssub.s32 $0x2, s6  }
0x9: {  	s19 =	sor.u32 $0x1C02, s19;
	s30 =	sshrl.u32 s11, $0x2;
	s31 =	sshrl.u32 s6, $0x1  }
0xa: {  	s8 =	sadd.s32 s7, s8;
	s7 =	sshrl.u32 s7, $0x3;
	s29 =	sadd.s32 s10, s9  }
0xb: {  	s8 =	sshrl.u32 s8, $0x3;
	s13 =	sadd.s32 s7, s5;
	s7 =	sshrl.u32 s29, $0x3  }
0xc: {  	s15 =	ssub.s32 s6, s31;
	s12 =	sadd.s32 s8, s5;
	s14 =	sadd.s32 s7, s5  }
0xd: {  	s5 =	sadd.s32 s30, s3;
	s11 =	sadd.s32 $0x13C00, s13;
	s13 =	smax.u32 s15, $0x1  }
0xe: {  	s15 =	simm.s32 $0x2;
	s6 =	sadd.s32 $0x4000, s5;
	s7 =	sadd.s32 $0x8000, s5  }
0xf: {  	s8 =	sadd.s32 $0xC000, s5;
	s9 =	sadd.s32 $0x10000, s5;
	s10 =	sadd.s32 $0x9C00, s12  }
0x10: {  	v0 =	vimm.f32 $0.0e+00;
	s12 =	sadd.s32 $0x18C00, s14;
	s14 =	simm.s32 $0x5000;
	s20 =	sshrl.u32 s5, $0x3  }
.LBB2_1:
0x11: {  	s22 =	sand.u32 $0xFE00, s4  }
0x12: {  	s23 =	sand.u32 $0x70, s4;
	s24 =	sshrl.u32 s22, $0x2  }
0x13: {  	s22 =	simm.s32 $0x40;
	s24 =	sor.u32 s23, s24;
	s23 =	simm.s32 $0x0  }
.LBB2_2:
0x14: {  	p0 =	sne.s32 s22, $0xFFC0  }
0x15: {  	[tilespmem:s24+$0x5000] =	vst v0;
	s23 =	sadd.s32 $0x10, s23;
	s24 =	smov.u32 s22;
	s22 =	sadd.s32 $0x40, s22  }
.Ltmp0:
0x16: {  	(pc) =	sbr.rel @p0 .LBB2_2-.Ltmp0, $4  }
0x17: {  	_ = 	snop  }
0x18: {  	s24 =	sand.u32 $0xFE00, s24  }
0x19: {  	s25 =	sand.u32 $0x70, s23;
	s24 =	sshrl.u32 s24, $0x2  }
0x1a: {  	s24 =	sor.u32 s25, s24  }
0x1b: {  	[tilespmem:s24+$0x5000] =	vst v0  }
0x1c: {  	[spmem:s5] =	stream.linear.scatter [tilespmem:s14], [sflag:$0x2], $0x4000, $0x38;
	[tilespmem:$0x1D000] =	vst v63  }
0x1d: {  	_ =	swait.ge [sflag:s15], $0x4000  }
0x1e: {  	[sflag:s15] =	ssyncset.done $0x0  }
0x1f: {  	[sflag:s15] =	ssyncadd.s32 $0xFFFFC000  }
0x20: {  	[spmem:s6] =	stream.linear.scatter [tilespmem:s14], [sflag:$0x2], $0x4000, $0x38;
	[tilespmem:$0x1D000] =	vst v63  }
0x21: {  	_ =	swait.ge [sflag:s15], $0x4000  }
0x22: {  	[sflag:s15] =	ssyncset.done $0x0  }
0x23: {  	[sflag:s15] =	ssyncadd.s32 $0xFFFFC000  }
0x24: {  	[spmem:s7] =	stream.linear.scatter [tilespmem:s14], [sflag:$0x2], $0x4000, $0x38;
	[tilespmem:$0x1D000] =	vst v63  }
0x25: {  	_ =	swait.ge [sflag:s15], $0x4000  }
0x26: {  	[sflag:s15] =	ssyncset.done $0x0  }
0x27: {  	[sflag:s15] =	ssyncadd.s32 $0xFFFFC000  }
0x28: {  	[spmem:s8] =	stream.linear.scatter [tilespmem:s14], [sflag:$0x2], $0x4000, $0x38;
	[tilespmem:$0x1D000] =	vst v63  }
0x29: {  	_ =	swait.ge [sflag:s15], $0x4000  }
0x2a: {  	[sflag:s15] =	ssyncset.done $0x0  }
0x2b: {  	[sflag:s15] =	ssyncadd.s32 $0xFFFFC000  }
0x2c: {  	[spmem:s9] =	stream.linear.scatter [tilespmem:s14], [sflag:$0x2], $0x4000, $0x38;
	[tilespmem:$0x1D000] =	vst v63  }
0x2d: {  	_ =	swait.ge [sflag:s15], $0x4000  }
0x2e: {  	[sflag:s15] =	ssyncset.done $0x0  }
0x2f: {  	[sflag:s15] =	ssyncadd.s32 $0xFFFFC000  }
0x30: {  	s22 =	simm.s32 $0x0;
	[bflag:$0x0] =	sbarrier.arrive $0xFFFF  }
0x31: {  	[tilespmem:s22], [sflag:$0x2] =	stream.linear.gather [hbm4b:s10+s22], $0x2780, $0x38;
	[tilespmem:$0x1D000] =	vst v63  }
0x32: {  	_ =	swait.ge [sflag:s15], $0x2780  }
0x33: {  	[sflag:s15] =	ssyncset.done $0x0  }
0x34: {  	[sflag:s15] =	ssyncadd.s32 $0xFFFFD880  }
0x35: {  	[tilespmem:s16], [sflag:$0x2] =	stream.linear.gather [hbm4b:s11+s22], $0x2780, $0x38;
	[tilespmem:$0x1D000] =	vst v63  }
0x36: {  	_ =	swait.ge [sflag:s15], $0x2780  }
0x37: {  	[sflag:s15] =	ssyncset.done $0x0  }
0x38: {  	s30 =	simm.s32 $0x0;
	[sflag:s15] =	ssyncadd.s32 $0xFFFFD880  }
0x39: {  	[tilespmem:s14], [sflag:$0x1] =	stream.indirect.gather [hbm4b:s1+s17], $0x80, s30, s17, $0xb8;
	[tilespmem:$0x1D000] =	vst v63  }
0x3a: {  	_ =	swait.ge [sflag:s18], $0x4000  }
0x3b: {  	[sflag:s18] =	ssyncset.done $0x0  }
0x3c: {  	s31 =	simm.s32 $0x2800;
	[sflag:s18] =	ssyncadd.s32 $0xFFFFC000  }
0x3d: {  	[spmem:s3] =	stream.indirect.scatter.add.f32 [tilespmem:s14], [sflag:$0x2], $0x80, s31, s17, $0xb8;
	[tilespmem:$0x1D000] =	vst v63  }
0x3e: {  	_ =	swait.ge [sflag:s15], $0x4000  }
0x3f: {  	s23 =	simm.s32 $0x400;
	s22 =	simm.s32 $0x200;
	[sflag:s15] =	ssyncset.done $0x0  }
.LBB2_4:
0x40: {  	s24 =	sshra.s32 s22, $0x2  }
0x41: {  	[sflag:s15] =	ssyncadd.s32 $0xFFFFC000;
	s22 =	smov.u32 s23;
	s25 =	sadd.s32 $0x200, s23  }
0x42: {  	[tilespmem:s14], [sflag:$0x1] =	stream.indirect.gather [hbm4b:s1+s17], $0x80, s24, s17, $0xb8;
	[tilespmem:$0x1D000] =	vst v63  }
0x43: {  	p0 =	sne.s32 s23, $0x9C00;
	_ =	swait.ge [sflag:s18], $0x4000  }
.Ltmp1:
0x44: {  	[sflag:s18] =	ssyncset.done $0x0;
	(pc) =	sbr.rel @p0 .LBB2_4-.Ltmp1, $4  }
0x45: {  	s23 =	sadd.s32 $0x2800, s24;
	[sflag:s18] =	ssyncadd.s32 $0xFFFFC000  }
0x46: {  	[spmem:s3] =	stream.indirect.scatter.add.f32 [tilespmem:s14], [sflag:$0x2], $0x80, s23, s17, $0xb8;
	[tilespmem:$0x1D000] =	vst v63  }
0x47: {  	_ =	swait.ge [sflag:s15], $0x4000  }
0x48: {  	s23 =	smov.u32 s25;
	[sflag:s15] =	ssyncset.done $0x0  }
0x49: {  	s22 =	sshra.s32 s22, $0x2;
	[sflag:s15] =	ssyncadd.s32 $0xFFFFC000  }
0x4a: {  	[tilespmem:s14], [sflag:$0x1] =	stream.indirect.gather [hbm4b:s1+s17], $0x80, s22, s17, $0xb8;
	[tilespmem:$0x1D000] =	vst v63  }
0x4b: {  	_ =	swait.ge [sflag:s18], $0x4000  }
0x4c: {  	[sflag:s18] =	ssyncset.done $0x0  }
0x4d: {  	s22 =	sadd.s32 $0x2800, s22;
	[sflag:s18] =	ssyncadd.s32 $0xFFFFC000  }
0x4e: {  	[spmem:s3] =	stream.indirect.scatter.add.f32 [tilespmem:s14], [sflag:$0x2], $0x80, s22, s17, $0xb8;
	[tilespmem:$0x1D000] =	vst v63  }
0x4f: {  	_ =	swait.ge [sflag:s15], $0x4000  }
0x50: {  	s21 =	sadd.s32 $0x1, s21;
	[sflag:s15] =	ssyncset.done $0x0  }
0x51: {  	p0 =	sne.s32 s21, s13;
	[sflag:s15] =	ssyncadd.s32 $0xFFFFC000  }
.Ltmp2:
0x52: {  	[bflag:$0x0] =	sbarrier.arrive $0xFFFF;
	(pc) =	sbr.rel @p0 .LBB2_1-.Ltmp2, $4  }
0x53: {  	[hbm:s12], [sflag:s19] =	dma.local [spmem:s20], $0x2800  }
0x54: {  	_ =	swait.ge [sflag:s15], $0x2800  }
0x55: {  	[sflag:s15] =	ssyncset.done $0x0  }
0x56: {  	[sflag:s15] =	ssyncadd.s32 $0xFFFFD800  }
0x57: {  	_ =	sfence.sel $0x180000  }
0x58: {  	[bflag:$0x0] =	sbarrier.arrive $0xFFFF  }
0x59: {  	p0 =	sne.s32 s0, $0x0;
	_ =	strace $0x90000050  }
0x5a: {  	s0 =	sadd.s32 @!p0 $0x100000, s2;
	[bflag:$0x2] =	sbarrier.arrive $0xFFFF  }
0x5b: {  	[sflag:s0] =	ssyncadd.tile.s32 @!p0 $0x1;
	_ =	shalt  }
.Lfunc_end2:
_tile_overlayer_lowered:
.L_overlay_start_2:
0x5c: {  	(tag) =	ssettag $0x2  }
0x5d: {  	s0 =	rddreg [dreg:$0x0];
	s2 =	stileid.u32  }
0x5e: {  	s1 =	rddreg [dreg:$0x1];
	p0 =	sne.s32 s2, $0x0  }
0x5f: {  	s3 =	rddreg [dreg:$0x2];
	[bflag:$0x3] =	sbarrier.arrive $0xFFFF;
	s2 =	simm.s32 @!p0 $0x1C02  }
0x60: {  	[timem:s3], [sflag:s2] =	dma.local @!p0 [hbm:s0], s1  }
0x61: {  	s0 =	simm.s32 @!p0 $0x2  }
0x62: {  	_ =	swait.ge @!p0 [sflag:s0], s1  }
0x63: {  	s1 =	ssub.s32 @!p0 $0x0, s1;
	[sflag:s0] =	ssyncset.done @!p0 $0x0  }
0x64: {  	[sflag:s0] =	ssyncadd.s32 @!p0 s1  }
0x65: {  	[bflag:$0x3] =	sbarrier.arrive $0xFFFF  }
0x66: {  	_ =	shalt  }

// kernel: kernel.38.cloned.1.call-start
scs
__scs_entry_jumppad:
0x0: {  	(pc) =	sbr.rel $0x88, $3  }
0x1: {  	(tag) =	ssettag $0x0;
	lr =	simm.s32 $0x1  }
0x2: {  	[smem:$0x3F97] =	sst lr;
	_ =	strace $0xD0000000  }
0x3: {  	_ = 	snop  }
0x4: {  	_ = 	snop  }
0x5: {  	_ = 	snop  }
0x6: {  	_ = 	snop  }
0x7: {  	_ = 	snop  }
__scs_overlays_trampoline_lowered:
0x8: {  	[smem:$0x3FA6] =	sst s0  }
0x9: {  	[smem:$0x3FA7] =	sst s1  }
0xa: {  	[smem:$0x3FA8] =	sst s2  }
0xb: {  	[smem:$0x3FA9] =	sst s3  }
0xc: {  	[smem:$0x3FAA] =	sst s4  }
0xd: {  	[smem:$0x3FAB] =	sst s5  }
0xe: {  	[smem:$0x3FAC] =	sst s6  }
0xf: {  	[smem:$0x3FAD] =	sst s7  }
0x10: {  	[smem:$0x3FAE] =	sst s8  }
0x11: {  	[smem:$0x3FAF] =	sst s9;
	s0 =	simm.s32 @!p0 $0x0  }
0x12: {  	s1 =	sld [smem:$0x3F95];
	s0 =	simm.s32 @p0 $0x1  }
0x13: {  	[smem:$0x3FB0] =	sst s0;
	s0 =	simm.s32 @!p1 $0x0  }
0x14: {  	s2 =	sld [smem:$0x3F94];
	s0 =	simm.s32 @p1 $0x1  }
0x15: {  	[smem:$0x3FB1] =	sst s0;
	s0 =	simm.s32 @!p2 $0x0  }
0x16: {  	s3 =	sld [smem:$0x3FDB];
	s0 =	simm.s32 @p2 $0x1  }
0x17: {  	s4 =	simm.s32 $0x1BF5;
	[smem:$0x3FB3] =	sst s0  }
0x18: {  	s0 =	sld [smem:$0x3F96];
	_ =	swait.ge [sflag:s4], $0x0  }
0x19: {  	s7 =	sld [smem:$0x3F97]  }
0x1a: {  	s8 =	sadd.s32 $0xFFFFE003, lr  }
0x1b: {  	s9 =	sadd.s32 $0xFFFFFEF7, lr;
	s5 =	simm.s32 $0xFFFFFFFF;
	p2 =	slt.u32 s8, $0xFFFFF086  }
0x1c: {  	p1 =	slt.u32 s9, $0xF7A;
	s5 =	simm.s32 @!p2 $0x0  }
0x1d: {  	s5 =	simm.s32 @p1 $0x1;
	p0 =	seq.s32 s7, s2  }
0x1e: {  	s7 =	smul.u32 @!p0 $0xF7A, s2;
	p2 =	seq.s32 @!p0 s5, $0x0  }
0x1f: {  	s9 =	smul.u32 $0xF7A, s1;
	s8 =	simm.s32 @!p0 $0x1BF5;
	p2 =	por !p2, p0  }
0x20: {  	[sflag:s8] =	ssyncset.s32 @!p0 $0xFFFFF086;
	s6 =	sadd.s32 @!p0 s3, s7;
	s7 =	simm.s32 @!p0 $0x108  }
0x21: {  	s3 =	sadd.s32 s3, s9;
	s6 =	sadd.s32 @!p0 $0x88, s6;
	s7 =	simm.s32 @p2 $0x1082  }
0x22: {  	[simem:s7], [sflag:s8] =	dma.local @!p0 [hbm:s6], $0xF7A  }
0x23: {  	s9 =	sor.u32 $0xD0000000, s2;
	s6 =	simm.s32 $0x108;
	_ =	swait.ge @!p0 [sflag:s8], $0x0  }
0x24: {  	s3 =	sadd.s32 $0x88, s3;
	s6 =	simm.s32 @!p1 $0x1082;
	[sflag:s4] =	ssyncset.s32 $0xFFFFF086  }
0x25: {  	[simem:s6], [sflag:s4] =	dma.local [hbm:s3], $0xF7A  }
0x26: {  	[smem:$0x3F97] =	sst s1;
	(tag) =	ssettag s2;
	_ =	strace s9  }
0x27: {  	s1 =	sld [smem:$0x3FA7]  }
0x28: {  	s2 =	sld [smem:$0x3FA8]  }
0x29: {  	s4 =	sld [smem:$0x3FAA]  }
0x2a: {  	p0 =	seq.s32 s5, $0x0;
	s5 =	sld [smem:$0x3FAB]  }
0x2b: {  	s6 =	sld [smem:$0x3FAC]  }
0x2c: {  	s7 =	sld [smem:$0x3FAD]  }
0x2d: {  	s3 =	simm.s32 $0x108;
	s8 =	sld [smem:$0x3FAE]  }
0x2e: {  	s3 =	simm.s32 @!p0 $0x1082;
	s9 =	sld [smem:$0x3FAF]  }
0x2f: {  	lr =	sadd.s32 s0, s3;
	s0 =	sld [smem:$0x3FA6]  }
0x30: {  	s3 =	sld [smem:$0x3FA9]  }
0x31: {  	[smem:$0x3FB2] =	sst s10  }
0x32: {  	s10 =	sld [smem:$0x3FB0];
	_ =	sdelay $0x3  }
0x33: {  	p0 =	seq.s32 s10, $0x1;
	s10 =	sld [smem:$0x3FB2];
	_ =	sdelay $0x3  }
0x34: {  	[smem:$0x3FB2] =	sst s10  }
0x35: {  	s10 =	sld [smem:$0x3FB1];
	_ =	sdelay $0x3  }
0x36: {  	p1 =	seq.s32 s10, $0x1;
	s10 =	sld [smem:$0x3FB2];
	_ =	sdelay $0x3  }
0x37: {  	[smem:$0x3FB2] =	sst s10  }
0x38: {  	s10 =	sld [smem:$0x3FB3]  }
0x39: {  	_ = 	snop;
	(pc) =	sbr.ind lr, $3  }
0x3a: {  	_ = 	snop  }
0x3b: {  	_ = 	snop  }
0x3c: {  	p2 =	seq.s32 s10, $0x1;
	s10 =	sld [smem:$0x3FB2]  }
0x3d: {  	_ =	shalt  }
0x3e: {  	_ =	shalt  }
0x3f: {  	_ =	shalt  }
0x40: {  	_ =	shalt  }
0x41: {  	_ =	shalt  }
0x42: {  	_ =	shalt  }
0x43: {  	_ =	shalt  }
0x44: {  	_ =	shalt  }
0x45: {  	_ =	shalt  }
0x46: {  	_ =	shalt  }
0x47: {  	_ =	shalt  }
0x48: {  	_ =	shalt  }
0x49: {  	_ =	shalt  }
0x4a: {  	_ =	shalt  }
0x4b: {  	_ =	shalt  }
0x4c: {  	_ =	shalt  }
0x4d: {  	_ =	shalt  }
0x4e: {  	_ =	shalt  }
0x4f: {  	_ =	shalt  }
0x50: {  	_ =	shalt  }
0x51: {  	_ =	shalt  }
0x52: {  	_ =	shalt  }
0x53: {  	_ =	shalt  }
0x54: {  	_ =	shalt  }
0x55: {  	_ =	shalt  }
0x56: {  	_ =	shalt  }
0x57: {  	_ =	shalt  }
0x58: {  	_ =	shalt  }
0x59: {  	_ =	shalt  }
0x5a: {  	_ =	shalt  }
0x5b: {  	_ =	shalt  }
0x5c: {  	_ =	shalt  }
0x5d: {  	_ =	shalt  }
0x5e: {  	_ =	shalt  }
0x5f: {  	_ =	shalt  }
0x60: {  	_ =	shalt  }
0x61: {  	_ =	shalt  }
0x62: {  	_ =	shalt  }
0x63: {  	_ =	shalt  }
0x64: {  	_ =	shalt  }
0x65: {  	_ =	shalt  }
0x66: {  	_ =	shalt  }
0x67: {  	_ =	shalt  }
0x68: {  	_ =	shalt  }
0x69: {  	_ =	shalt  }
0x6a: {  	_ =	shalt  }
0x6b: {  	_ =	shalt  }
0x6c: {  	_ =	shalt  }
0x6d: {  	_ =	shalt  }
0x6e: {  	_ =	shalt  }
0x6f: {  	_ =	shalt  }
0x70: {  	_ =	shalt  }
0x71: {  	_ =	shalt  }
0x72: {  	_ =	shalt  }
0x73: {  	_ =	shalt  }
0x74: {  	_ =	shalt  }
0x75: {  	_ =	shalt  }
0x76: {  	_ =	shalt  }
0x77: {  	_ =	shalt  }
0x78: {  	_ =	shalt  }
0x79: {  	_ =	shalt  }
0x7a: {  	_ =	shalt  }
0x7b: {  	_ =	shalt  }
0x7c: {  	_ =	shalt  }
0x7d: {  	_ =	shalt  }
0x7e: {  	_ =	shalt  }
0x7f: {  	_ =	shalt  }
0x80: {  	_ =	shalt  }
0x81: {  	_ =	shalt  }
0x82: {  	_ =	shalt  }
0x83: {  	_ =	shalt  }
0x84: {  	_ =	shalt  }
0x85: {  	_ =	shalt  }
0x86: {  	_ =	shalt  }
0x87: {  	_ =	shalt  }
.Lfunc_end0:
.L_simem_size_0:
called_computation.4_lowered:
.L_overlay_start_0:
0x88: {  	s2 =	sld [smem:$0x3FD9]  }
0x89: {  	s3 =	sld [smem:$0x3FFE];
	_ =	sdelay $0x1  }
0x8a: {  	s1 =	srdreg.scid  }
0x8b: {  	s0 =	sand.u32 $0x1, s1  }
0x8c: {  	s17 =	sshll.u32 s0, $0xA;
	s2 =	sadd.s32 s3, s2  }
0x8d: {  	s2 =	sadd.s32 s2, s17  }
0x8e: {  	[smem:$0x3FBE] =	sst s2  }
0x8f: {  	_ = 	snop  }
0x90: {  	s2 =	sld [smem:$0x3FD0];
	(tm) =	ssettm $0x1  }
0x91: {  	s18 =	sld [smem:$0x3FFB];
	_ =	sdelay $0x3  }
0x92: {  	_ =	strace s18  }
0x93: {  	s3 =	sld [smem:$0x3FFC];
	_ =	sdelay $0x3  }
0x94: {  	_ =	strace s3  }
0x95: {  	s3 =	sld [smem:$0x3FFD];
	_ =	sdelay $0x3  }
0x96: {  	_ =	strace s3  }
0x97: {  	_ =	strace $0x8FFFFFFF  }
0x98: {  	s19 =	sld [smem:$0x3FDB];
	_ =	sdelay $0x1  }
0x99: {  	s4 =	simm.s32 $_scs_section_size  }
0x9a: {  	s5 =	simm.s32 $_size__tile_overlayer_lowered;
	s6 =	simm.s32 $_tile_overlayer_lowered  }
0x9b: {  	s22 =	simm.s32 $0x1BFF;
	s21 =	sshll.u32 s6, $0x1;
	s3 =	sadd.s32 s4, s19  }
0x9c: {  	s7 =	simm.s32 $0x0;
	s20 =	sshll.u32 s5, $0x1;
	s5 =	sadd.s32 s21, s3  }
0x9d: {  	[timem:s7], [sflag:s22] =	dma.local [hbm:s5], s20  }
0x9e: {  	_ =	swait.ge [sflag:s22], s20  }
0x9f: {  	s4 =	ssub.s32 $0x0, s20;
	[sflag:s22] =	ssyncset.done $0x0  }
0xa0: {  	[sflag:s22] =	ssyncadd.s32 s4;
	_ =	sdelay $0x1  }
0xa1: {  	s23 =	simm.s32 $0x1B8B  }
0xa2: {  	_ =	swait.ge [sflag:s23], $0x1  }
0xa3: {  	[sflag:s23] =	ssyncset.done $0x0  }
0xa4: {  	s25 =	simm.s32 $0x1B8E;
	s24 =	sld [smem:$0x3FFE];
	[sflag:s23] =	ssyncadd.s32 $0xFFFFFFFF  }
0xa5: {  	s26 =	simm.s32 $execute0_lowered;
	[smem:$0x3FD2] =	sst s25  }
0xa6: {  	s5 =	sshll.u32 s26, $0x1;
	_ =	strace $0x80000052;
	[dreg:$0x1] =	wrdreg $0xFFFFFFFF  }
0xa7: {  	s28 =	simm.s32 $_size_execute0_lowered;
	s3 =	sadd.s32 s3, s5;
	[dreg:$0x0] =	wrdreg $0x0  }
0xa8: {  	s5 =	sshll.u32 s28, $0x1;
	[dreg:$0x2] =	wrdreg s3  }
0xa9: {  	[dreg:$0x3] =	wrdreg s5  }
0xaa: {  	[dreg:$0x4] =	wrdreg $0xC0  }
0xab: {  	_ =	task [dreg:s7], $0x5FFFF  }
0xac: {  	[dreg:$0x1] =	wrdreg $0xFFFFFFFF  }
0xad: {  	[dreg:$0x0] =	wrdreg $0x60  }
0xae: {  	[dreg:$0x2] =	wrdreg s2  }
0xaf: {  	[dreg:$0x3] =	wrdreg s24  }
0xb0: {  	[dreg:$0x4] =	wrdreg $0x90000  }
0xb1: {  	[dreg:$0x5] =	wrdreg $0x9  }
0xb2: {  	_ =	task.clear_ibuf [dreg:s7], $0x6FFFF;
	_ =	strace $0x90000052  }
0xb3: {  	s29 =	simm.s32 $0x9;
	_ =	strace $0x80000054  }
0xb4: {  	_ =	swait.ge [sflag:s29], $0x1  }
0xb5: {  	[sflag:s29] =	ssyncadd.s32 $0xFFFFFFFF  }
0xb6: {  	_ =	strace $0x90000054  }
0xb7: {  	_ =	sfence  }
0xb8: {  	s30 =	sld [smem:$0x0];
	_ =	sdelay $0x2  }
0xb9: {  	s31 =	sshll.u32 s1, $0xD;
	s1 =	sshrl.u32 s1, $0x2  }
0xba: {  	s3 =	sand.u32 $0x4000, s31;
	s1 =	sadd.s32 s1, s30  }
0xbb: {  	s0 =	sor.u32 s3, s0;
	s1 =	sshll.u32 s1, $0x11  }
0xbc: {  	s0 =	sor.u32 s1, s0  }
0xbd: {  	s0 =	sadd.s32 $0x8F2B, s0  }
0xbe: {  	[sflag:s0] =	ssyncadd.remote.s32 $0x1  }
0xbf: {  	_ =	sfence.sel $0xFFFF  }
0xc0: {  	[dreg:$0x0] =	wrdreg $0xFFFFFFFF;
	(pc) =	sbr.abs _section_cstart, $3  }
0xc1: {  	[dreg:$0x1] =	wrdreg $0xFFFFFFFF  }
0xc2: {  	_ =	task.clear_ibuf [dreg:s7], $0x2FFFF;
	_ =	strace $0x9FFFFFFF  }
0xc3: {  	(tm) =	ssettm $0x7FFFFFFF  }
tec
execute0_lowered:
.L_overlay_start_1:
0x0: {  	(tag) =	ssettag $0x1  }
0x1: {  	s1 =	rddreg [dreg:$0x0]  }
0x2: {  	s5 =	rddreg [dreg:$0x1];
	s2 =	srdreg.scid  }
0x3: {  	s0 =	stileid.u32;
	s3 =	rddreg [dreg:$0x2];
	s4 =	simm.s32 $0x0  }
0x4: {  	s16 =	simm.s32 $0x2800;
	s17 =	simm.s32 $0x80;
	s7 =	smul.u32 $0x2800, s0  }
0x5: {  	s18 =	simm.s32 $0x1;
	s21 =	simm.s32 $0x0;
	s10 =	smul.u32 $0x14000, s0  }
0x6: {  	s6 =	sand.u32 $0x1, s2;
	s2 =	rddreg [dreg:$0x3];
	s11 =	smul.u32 $0x50000, s0  }
0x7: {  	[smem:$0x7FF] =	sst s4;
	s19 =	sshll.u32 s0, $0x6;
	s8 =	smul.u32 $0x28000, s6  }
0x8: {  	s9 =	smul.u32 $0x140000, s6;
	_ =	strace $0x80000053;
	s6 =	ssub.s32 $0x2, s6  }
0x9: {  	s19 =	sor.u32 $0x1C02, s19;
	s30 =	sshrl.u32 s11, $0x2;
	s31 =	sshrl.u32 s6, $0x1  }
0xa: {  	s8 =	sadd.s32 s7, s8;
	s7 =	sshrl.u32 s7, $0x3;
	s29 =	sadd.s32 s10, s9  }
0xb: {  	s8 =	sshrl.u32 s8, $0x3;
	s13 =	sadd.s32 s7, s5;
	s7 =	sshrl.u32 s29, $0x3  }
0xc: {  	s15 =	ssub.s32 s6, s31;
	s12 =	sadd.s32 s8, s5;
	s14 =	sadd.s32 s7, s5  }
0xd: {  	s5 =	sadd.s32 s30, s3;
	s11 =	sadd.s32 $0x13C00, s13;
	s13 =	smax.u32 s15, $0x1  }
0xe: {  	s15 =	simm.s32 $0x2;
	s6 =	sadd.s32 $0x4000, s5;
	s7 =	sadd.s32 $0x8000, s5  }
0xf: {  	s8 =	sadd.s32 $0xC000, s5;
	s9 =	sadd.s32 $0x10000, s5;
	s10 =	sadd.s32 $0x9C00, s12  }
0x10: {  	v0 =	vimm.f32 $0.0e+00;
	s12 =	sadd.s32 $0x18C00, s14;
	s14 =	simm.s32 $0x5000;
	s20 =	sshrl.u32 s5, $0x3  }
.LBB2_1:
0x11: {  	s22 =	sand.u32 $0xFE00, s4  }
0x12: {  	s23 =	sand.u32 $0x70, s4;
	s24 =	sshrl.u32 s22, $0x2  }
0x13: {  	s22 =	simm.s32 $0x40;
	s24 =	sor.u32 s23, s24;
	s23 =	simm.s32 $0x0  }
.LBB2_2:
0x14: {  	p0 =	sne.s32 s22, $0xFFC0  }
0x15: {  	[tilespmem:s24+$0x5000] =	vst v0;
	s23 =	sadd.s32 $0x10, s23;
	s24 =	smov.u32 s22;
	s22 =	sadd.s32 $0x40, s22  }
.Ltmp0:
0x16: {  	(pc) =	sbr.rel @p0 .LBB2_2-.Ltmp0, $4  }
0x17: {  	_ = 	snop  }
0x18: {  	s24 =	sand.u32 $0xFE00, s24  }
0x19: {  	s25 =	sand.u32 $0x70, s23;
	s24 =	sshrl.u32 s24, $0x2  }
0x1a: {  	s24 =	sor.u32 s25, s24  }
0x1b: {  	[tilespmem:s24+$0x5000] =	vst v0  }
0x1c: {  	[spmem:s5] =	stream.linear.scatter [tilespmem:s14], [sflag:$0x2], $0x4000, $0x38;
	[tilespmem:$0x1D000] =	vst v63  }
0x1d: {  	_ =	swait.ge [sflag:s15], $0x4000  }
0x1e: {  	[sflag:s15] =	ssyncset.done $0x0  }
0x1f: {  	[sflag:s15] =	ssyncadd.s32 $0xFFFFC000  }
0x20: {  	[spmem:s6] =	stream.linear.scatter [tilespmem:s14], [sflag:$0x2], $0x4000, $0x38;
	[tilespmem:$0x1D000] =	vst v63  }
0x21: {  	_ =	swait.ge [sflag:s15], $0x4000  }
0x22: {  	[sflag:s15] =	ssyncset.done $0x0  }
0x23: {  	[sflag:s15] =	ssyncadd.s32 $0xFFFFC000  }
0x24: {  	[spmem:s7] =	stream.linear.scatter [tilespmem:s14], [sflag:$0x2], $0x4000, $0x38;
	[tilespmem:$0x1D000] =	vst v63  }
0x25: {  	_ =	swait.ge [sflag:s15], $0x4000  }
0x26: {  	[sflag:s15] =	ssyncset.done $0x0  }
0x27: {  	[sflag:s15] =	ssyncadd.s32 $0xFFFFC000  }
0x28: {  	[spmem:s8] =	stream.linear.scatter [tilespmem:s14], [sflag:$0x2], $0x4000, $0x38;
	[tilespmem:$0x1D000] =	vst v63  }
0x29: {  	_ =	swait.ge [sflag:s15], $0x4000  }
0x2a: {  	[sflag:s15] =	ssyncset.done $0x0  }
0x2b: {  	[sflag:s15] =	ssyncadd.s32 $0xFFFFC000  }
0x2c: {  	[spmem:s9] =	stream.linear.scatter [tilespmem:s14], [sflag:$0x2], $0x4000, $0x38;
	[tilespmem:$0x1D000] =	vst v63  }
0x2d: {  	_ =	swait.ge [sflag:s15], $0x4000  }
0x2e: {  	[sflag:s15] =	ssyncset.done $0x0  }
0x2f: {  	[sflag:s15] =	ssyncadd.s32 $0xFFFFC000  }
0x30: {  	s22 =	simm.s32 $0x0;
	[bflag:$0x0] =	sbarrier.arrive $0xFFFF  }
0x31: {  	[tilespmem:s22], [sflag:$0x2] =	stream.linear.gather [hbm4b:s10+s22], $0x2780, $0x38;
	[tilespmem:$0x1D000] =	vst v63  }
0x32: {  	_ =	swait.ge [sflag:s15], $0x2780  }
0x33: {  	[sflag:s15] =	ssyncset.done $0x0  }
0x34: {  	[sflag:s15] =	ssyncadd.s32 $0xFFFFD880  }
0x35: {  	[tilespmem:s16], [sflag:$0x2] =	stream.linear.gather [hbm4b:s11+s22], $0x2780, $0x38;
	[tilespmem:$0x1D000] =	vst v63  }
0x36: {  	_ =	swait.ge [sflag:s15], $0x2780  }
0x37: {  	[sflag:s15] =	ssyncset.done $0x0  }
0x38: {  	s30 =	simm.s32 $0x0;
	[sflag:s15] =	ssyncadd.s32 $0xFFFFD880  }
0x39: {  	[tilespmem:s14], [sflag:$0x1] =	stream.indirect.gather [hbm4b:s1+s17], $0x80, s30, s17, $0xb8;
	[tilespmem:$0x1D000] =	vst v63  }
0x3a: {  	_ =	swait.ge [sflag:s18], $0x4000  }
0x3b: {  	[sflag:s18] =	ssyncset.done $0x0  }
0x3c: {  	s31 =	simm.s32 $0x2800;
	[sflag:s18] =	ssyncadd.s32 $0xFFFFC000  }
0x3d: {  	[spmem:s3] =	stream.indirect.scatter.add.f32 [tilespmem:s14], [sflag:$0x2], $0x80, s31, s17, $0xb8;
	[tilespmem:$0x1D000] =	vst v63  }
0x3e: {  	_ =	swait.ge [sflag:s15], $0x4000  }
0x3f: {  	s23 =	simm.s32 $0x400;
	s22 =	simm.s32 $0x200;
	[sflag:s15] =	ssyncset.done $0x0  }
.LBB2_4:
0x40: {  	s24 =	sshra.s32 s22, $0x2  }
0x41: {  	[sflag:s15] =	ssyncadd.s32 $0xFFFFC000;
	s22 =	smov.u32 s23;
	s25 =	sadd.s32 $0x200, s23  }
0x42: {  	[tilespmem:s14], [sflag:$0x1] =	stream.indirect.gather [hbm4b:s1+s17], $0x80, s24, s17, $0xb8;
	[tilespmem:$0x1D000] =	vst v63  }
0x43: {  	p0 =	sne.s32 s23, $0x9C00;
	_ =	swait.ge [sflag:s18], $0x4000  }
.Ltmp1:
0x44: {  	[sflag:s18] =	ssyncset.done $0x0;
	(pc) =	sbr.rel @p0 .LBB2_4-.Ltmp1, $4  }
0x45: {  	s23 =	sadd.s32 $0x2800, s24;
	[sflag:s18] =	ssyncadd.s32 $0xFFFFC000  }
0x46: {  	[spmem:s3] =	stream.indirect.scatter.add.f32 [tilespmem:s14], [sflag:$0x2], $0x80, s23, s17, $0xb8;
	[tilespmem:$0x1D000] =	vst v63  }
0x47: {  	_ =	swait.ge [sflag:s15], $0x4000  }
0x48: {  	s23 =	smov.u32 s25;
	[sflag:s15] =	ssyncset.done $0x0  }
0x49: {  	s22 =	sshra.s32 s22, $0x2;
	[sflag:s15] =	ssyncadd.s32 $0xFFFFC000  }
0x4a: {  	[tilespmem:s14], [sflag:$0x1] =	stream.indirect.gather [hbm4b:s1+s17], $0x80, s22, s17, $0xb8;
	[tilespmem:$0x1D000] =	vst v63  }
0x4b: {  	_ =	swait.ge [sflag:s18], $0x4000  }
0x4c: {  	[sflag:s18] =	ssyncset.done $0x0  }
0x4d: {  	s22 =	sadd.s32 $0x2800, s22;
	[sflag:s18] =	ssyncadd.s32 $0xFFFFC000  }
0x4e: {  	[spmem:s3] =	stream.indirect.scatter.add.f32 [tilespmem:s14], [sflag:$0x2], $0x80, s22, s17, $0xb8;
	[tilespmem:$0x1D000] =	vst v63  }
0x4f: {  	_ =	swait.ge [sflag:s15], $0x4000  }
0x50: {  	s21 =	sadd.s32 $0x1, s21;
	[sflag:s15] =	ssyncset.done $0x0  }
0x51: {  	p0 =	sne.s32 s21, s13;
	[sflag:s15] =	ssyncadd.s32 $0xFFFFC000  }
.Ltmp2:
0x52: {  	[bflag:$0x0] =	sbarrier.arrive $0xFFFF;
	(pc) =	sbr.rel @p0 .LBB2_1-.Ltmp2, $4  }
0x53: {  	[hbm:s12], [sflag:s19] =	dma.local [spmem:s20], $0x2800  }
0x54: {  	_ =	swait.ge [sflag:s15], $0x2800  }
0x55: {  	[sflag:s15] =	ssyncset.done $0x0  }
0x56: {  	[sflag:s15] =	ssyncadd.s32 $0xFFFFD800  }
0x57: {  	_ =	sfence.sel $0x180000  }
0x58: {  	[bflag:$0x0] =	sbarrier.arrive $0xFFFF  }
0x59: {  	p0 =	sne.s32 s0, $0x0;
	_ =	strace $0x90000053  }
0x5a: {  	s0 =	sadd.s32 @!p0 $0x100000, s2;
	[bflag:$0x2] =	sbarrier.arrive $0xFFFF  }
0x5b: {  	[sflag:s0] =	ssyncadd.tile.s32 @!p0 $0x1;
	_ =	shalt  }
.Lfunc_end2:
_tile_overlayer_lowered:
.L_overlay_start_2:
0x5c: {  	(tag) =	ssettag $0x2  }
0x5d: {  	s0 =	rddreg [dreg:$0x0];
	s2 =	stileid.u32  }
0x5e: {  	s1 =	rddreg [dreg:$0x1];
	p0 =	sne.s32 s2, $0x0  }
0x5f: {  	s3 =	rddreg [dreg:$0x2];
	[bflag:$0x3] =	sbarrier.arrive $0xFFFF;
	s2 =	simm.s32 @!p0 $0x1C02  }
0x60: {  	[timem:s3], [sflag:s2] =	dma.local @!p0 [hbm:s0], s1  }
0x61: {  	s0 =	simm.s32 @!p0 $0x2  }
0x62: {  	_ =	swait.ge @!p0 [sflag:s0], s1  }
0x63: {  	s1 =	ssub.s32 @!p0 $0x0, s1;
	[sflag:s0] =	ssyncset.done @!p0 $0x0  }
0x64: {  	[sflag:s0] =	ssyncadd.s32 @!p0 s1  }
0x65: {  	[bflag:$0x3] =	sbarrier.arrive $0xFFFF  }
0x66: {  	_ =	shalt  }

// kernel: kernel.41.cloned.1.call-start
scs
__scs_entry_jumppad:
0x0: {  	(pc) =	sbr.rel $0x88, $3  }
0x1: {  	(tag) =	ssettag $0x0;
	lr =	simm.s32 $0x1  }
0x2: {  	[smem:$0x3F97] =	sst lr;
	_ =	strace $0xD0000000  }
0x3: {  	_ = 	snop  }
0x4: {  	_ = 	snop  }
0x5: {  	_ = 	snop  }
0x6: {  	_ = 	snop  }
0x7: {  	_ = 	snop  }
__scs_overlays_trampoline_lowered:
0x8: {  	[smem:$0x3FA6] =	sst s0  }
0x9: {  	[smem:$0x3FA7] =	sst s1  }
0xa: {  	[smem:$0x3FA8] =	sst s2  }
0xb: {  	[smem:$0x3FA9] =	sst s3  }
0xc: {  	[smem:$0x3FAA] =	sst s4  }
0xd: {  	[smem:$0x3FAB] =	sst s5  }
0xe: {  	[smem:$0x3FAC] =	sst s6  }
0xf: {  	[smem:$0x3FAD] =	sst s7  }
0x10: {  	[smem:$0x3FAE] =	sst s8  }
0x11: {  	[smem:$0x3FAF] =	sst s9;
	s0 =	simm.s32 @!p0 $0x0  }
0x12: {  	s1 =	sld [smem:$0x3F95];
	s0 =	simm.s32 @p0 $0x1  }
0x13: {  	[smem:$0x3FB0] =	sst s0;
	s0 =	simm.s32 @!p1 $0x0  }
0x14: {  	s2 =	sld [smem:$0x3F94];
	s0 =	simm.s32 @p1 $0x1  }
0x15: {  	[smem:$0x3FB1] =	sst s0;
	s0 =	simm.s32 @!p2 $0x0  }
0x16: {  	s3 =	sld [smem:$0x3FDB];
	s0 =	simm.s32 @p2 $0x1  }
0x17: {  	s4 =	simm.s32 $0x1BF5;
	[smem:$0x3FB3] =	sst s0  }
0x18: {  	s0 =	sld [smem:$0x3F96];
	_ =	swait.ge [sflag:s4], $0x0  }
0x19: {  	s7 =	sld [smem:$0x3F97]  }
0x1a: {  	s8 =	sadd.s32 $0xFFFFE003, lr  }
0x1b: {  	s9 =	sadd.s32 $0xFFFFFEF7, lr;
	s5 =	simm.s32 $0xFFFFFFFF;
	p2 =	slt.u32 s8, $0xFFFFF086  }
0x1c: {  	p1 =	slt.u32 s9, $0xF7A;
	s5 =	simm.s32 @!p2 $0x0  }
0x1d: {  	s5 =	simm.s32 @p1 $0x1;
	p0 =	seq.s32 s7, s2  }
0x1e: {  	s7 =	smul.u32 @!p0 $0xF7A, s2;
	p2 =	seq.s32 @!p0 s5, $0x0  }
0x1f: {  	s9 =	smul.u32 $0xF7A, s1;
	s8 =	simm.s32 @!p0 $0x1BF5;
	p2 =	por !p2, p0  }
0x20: {  	[sflag:s8] =	ssyncset.s32 @!p0 $0xFFFFF086;
	s6 =	sadd.s32 @!p0 s3, s7;
	s7 =	simm.s32 @!p0 $0x108  }
0x21: {  	s3 =	sadd.s32 s3, s9;
	s6 =	sadd.s32 @!p0 $0x88, s6;
	s7 =	simm.s32 @p2 $0x1082  }
0x22: {  	[simem:s7], [sflag:s8] =	dma.local @!p0 [hbm:s6], $0xF7A  }
0x23: {  	s9 =	sor.u32 $0xD0000000, s2;
	s6 =	simm.s32 $0x108;
	_ =	swait.ge @!p0 [sflag:s8], $0x0  }
0x24: {  	s3 =	sadd.s32 $0x88, s3;
	s6 =	simm.s32 @!p1 $0x1082;
	[sflag:s4] =	ssyncset.s32 $0xFFFFF086  }
0x25: {  	[simem:s6], [sflag:s4] =	dma.local [hbm:s3], $0xF7A  }
0x26: {  	[smem:$0x3F97] =	sst s1;
	(tag) =	ssettag s2;
	_ =	strace s9  }
0x27: {  	s1 =	sld [smem:$0x3FA7]  }
0x28: {  	s2 =	sld [smem:$0x3FA8]  }
0x29: {  	s4 =	sld [smem:$0x3FAA]  }
0x2a: {  	p0 =	seq.s32 s5, $0x0;
	s5 =	sld [smem:$0x3FAB]  }
0x2b: {  	s6 =	sld [smem:$0x3FAC]  }
0x2c: {  	s7 =	sld [smem:$0x3FAD]  }
0x2d: {  	s3 =	simm.s32 $0x108;
	s8 =	sld [smem:$0x3FAE]  }
0x2e: {  	s3 =	simm.s32 @!p0 $0x1082;
	s9 =	sld [smem:$0x3FAF]  }
0x2f: {  	lr =	sadd.s32 s0, s3;
	s0 =	sld [smem:$0x3FA6]  }
0x30: {  	s3 =	sld [smem:$0x3FA9]  }
0x31: {  	[smem:$0x3FB2] =	sst s10  }
0x32: {  	s10 =	sld [smem:$0x3FB0];
	_ =	sdelay $0x3  }
0x33: {  	p0 =	seq.s32 s10, $0x1;
	s10 =	sld [smem:$0x3FB2];
	_ =	sdelay $0x3  }
0x34: {  	[smem:$0x3FB2] =	sst s10  }
0x35: {  	s10 =	sld [smem:$0x3FB1];
	_ =	sdelay $0x3  }
0x36: {  	p1 =	seq.s32 s10, $0x1;
	s10 =	sld [smem:$0x3FB2];
	_ =	sdelay $0x3  }
0x37: {  	[smem:$0x3FB2] =	sst s10  }
0x38: {  	s10 =	sld [smem:$0x3FB3]  }
0x39: {  	_ = 	snop;
	(pc) =	sbr.ind lr, $3  }
0x3a: {  	_ = 	snop  }
0x3b: {  	_ = 	snop  }
0x3c: {  	p2 =	seq.s32 s10, $0x1;
	s10 =	sld [smem:$0x3FB2]  }
0x3d: {  	_ =	shalt  }
0x3e: {  	_ =	shalt  }
0x3f: {  	_ =	shalt  }
0x40: {  	_ =	shalt  }
0x41: {  	_ =	shalt  }
0x42: {  	_ =	shalt  }
0x43: {  	_ =	shalt  }
0x44: {  	_ =	shalt  }
0x45: {  	_ =	shalt  }
0x46: {  	_ =	shalt  }
0x47: {  	_ =	shalt  }
0x48: {  	_ =	shalt  }
0x49: {  	_ =	shalt  }
0x4a: {  	_ =	shalt  }
0x4b: {  	_ =	shalt  }
0x4c: {  	_ =	shalt  }
0x4d: {  	_ =	shalt  }
0x4e: {  	_ =	shalt  }
0x4f: {  	_ =	shalt  }
0x50: {  	_ =	shalt  }
0x51: {  	_ =	shalt  }
0x52: {  	_ =	shalt  }
0x53: {  	_ =	shalt  }
0x54: {  	_ =	shalt  }
0x55: {  	_ =	shalt  }
0x56: {  	_ =	shalt  }
0x57: {  	_ =	shalt  }
0x58: {  	_ =	shalt  }
0x59: {  	_ =	shalt  }
0x5a: {  	_ =	shalt  }
0x5b: {  	_ =	shalt  }
0x5c: {  	_ =	shalt  }
0x5d: {  	_ =	shalt  }
0x5e: {  	_ =	shalt  }
0x5f: {  	_ =	shalt  }
0x60: {  	_ =	shalt  }
0x61: {  	_ =	shalt  }
0x62: {  	_ =	shalt  }
0x63: {  	_ =	shalt  }
0x64: {  	_ =	shalt  }
0x65: {  	_ =	shalt  }
0x66: {  	_ =	shalt  }
0x67: {  	_ =	shalt  }
0x68: {  	_ =	shalt  }
0x69: {  	_ =	shalt  }
0x6a: {  	_ =	shalt  }
0x6b: {  	_ =	shalt  }
0x6c: {  	_ =	shalt  }
0x6d: {  	_ =	shalt  }
0x6e: {  	_ =	shalt  }
0x6f: {  	_ =	shalt  }
0x70: {  	_ =	shalt  }
0x71: {  	_ =	shalt  }
0x72: {  	_ =	shalt  }
0x73: {  	_ =	shalt  }
0x74: {  	_ =	shalt  }
0x75: {  	_ =	shalt  }
0x76: {  	_ =	shalt  }
0x77: {  	_ =	shalt  }
0x78: {  	_ =	shalt  }
0x79: {  	_ =	shalt  }
0x7a: {  	_ =	shalt  }
0x7b: {  	_ =	shalt  }
0x7c: {  	_ =	shalt  }
0x7d: {  	_ =	shalt  }
0x7e: {  	_ =	shalt  }
0x7f: {  	_ =	shalt  }
0x80: {  	_ =	shalt  }
0x81: {  	_ =	shalt  }
0x82: {  	_ =	shalt  }
0x83: {  	_ =	shalt  }
0x84: {  	_ =	shalt  }
0x85: {  	_ =	shalt  }
0x86: {  	_ =	shalt  }
0x87: {  	_ =	shalt  }
.Lfunc_end0:
.L_simem_size_0:
called_computation.5_lowered:
.L_overlay_start_0:
0x88: {  	s2 =	sld [smem:$0x3FD9]  }
0x89: {  	s3 =	sld [smem:$0x3FFE];
	_ =	sdelay $0x1  }
0x8a: {  	s1 =	srdreg.scid  }
0x8b: {  	s0 =	sand.u32 $0x1, s1  }
0x8c: {  	s17 =	sshll.u32 s0, $0xA;
	s2 =	sadd.s32 s3, s2  }
0x8d: {  	s2 =	sadd.s32 s2, s17  }
0x8e: {  	[smem:$0x3FBE] =	sst s2  }
0x8f: {  	_ = 	snop  }
0x90: {  	s2 =	sld [smem:$0x3FD0];
	(tm) =	ssettm $0x1  }
0x91: {  	s18 =	sld [smem:$0x3FFB];
	_ =	sdelay $0x3  }
0x92: {  	_ =	strace s18  }
0x93: {  	s3 =	sld [smem:$0x3FFC];
	_ =	sdelay $0x3  }
0x94: {  	_ =	strace s3  }
0x95: {  	s3 =	sld [smem:$0x3FFD];
	_ =	sdelay $0x3  }
0x96: {  	_ =	strace s3  }
0x97: {  	_ =	strace $0x8FFFFFFF  }
0x98: {  	s19 =	sld [smem:$0x3FDB];
	_ =	sdelay $0x1  }
0x99: {  	s4 =	simm.s32 $_scs_section_size  }
0x9a: {  	s5 =	simm.s32 $_size__tile_overlayer_lowered;
	s6 =	simm.s32 $_tile_overlayer_lowered  }
0x9b: {  	s22 =	simm.s32 $0x1BFF;
	s21 =	sshll.u32 s6, $0x1;
	s3 =	sadd.s32 s4, s19  }
0x9c: {  	s7 =	simm.s32 $0x0;
	s20 =	sshll.u32 s5, $0x1;
	s5 =	sadd.s32 s21, s3  }
0x9d: {  	[timem:s7], [sflag:s22] =	dma.local [hbm:s5], s20  }
0x9e: {  	_ =	swait.ge [sflag:s22], s20  }
0x9f: {  	s4 =	ssub.s32 $0x0, s20;
	[sflag:s22] =	ssyncset.done $0x0  }
0xa0: {  	[sflag:s22] =	ssyncadd.s32 s4;
	_ =	sdelay $0x1  }
0xa1: {  	s23 =	simm.s32 $0x1B8B  }
0xa2: {  	_ =	swait.ge [sflag:s23], $0x1  }
0xa3: {  	[sflag:s23] =	ssyncset.done $0x0  }
0xa4: {  	s25 =	simm.s32 $0x1B8E;
	s24 =	sld [smem:$0x3FFE];
	[sflag:s23] =	ssyncadd.s32 $0xFFFFFFFF  }
0xa5: {  	s26 =	simm.s32 $execute0_lowered;
	[smem:$0x3FD2] =	sst s25  }
0xa6: {  	s5 =	sshll.u32 s26, $0x1;
	_ =	strace $0x80000055;
	[dreg:$0x1] =	wrdreg $0xFFFFFFFF  }
0xa7: {  	s28 =	simm.s32 $_size_execute0_lowered;
	s3 =	sadd.s32 s3, s5;
	[dreg:$0x0] =	wrdreg $0x0  }
0xa8: {  	s5 =	sshll.u32 s28, $0x1;
	[dreg:$0x2] =	wrdreg s3  }
0xa9: {  	[dreg:$0x3] =	wrdreg s5  }
0xaa: {  	[dreg:$0x4] =	wrdreg $0xC0  }
0xab: {  	_ =	task [dreg:s7], $0x5FFFF  }
0xac: {  	[dreg:$0x1] =	wrdreg $0xFFFFFFFF  }
0xad: {  	[dreg:$0x0] =	wrdreg $0x60  }
0xae: {  	[dreg:$0x2] =	wrdreg s2  }
0xaf: {  	[dreg:$0x3] =	wrdreg s24  }
0xb0: {  	[dreg:$0x4] =	wrdreg $0x90000  }
0xb1: {  	[dreg:$0x5] =	wrdreg $0x9  }
0xb2: {  	_ =	task.clear_ibuf [dreg:s7], $0x6FFFF;
	_ =	strace $0x90000055  }
0xb3: {  	s29 =	simm.s32 $0x9;
	_ =	strace $0x80000057  }
0xb4: {  	_ =	swait.ge [sflag:s29], $0x1  }
0xb5: {  	[sflag:s29] =	ssyncadd.s32 $0xFFFFFFFF  }
0xb6: {  	_ =	strace $0x90000057  }
0xb7: {  	_ =	sfence  }
0xb8: {  	s30 =	sld [smem:$0x0];
	_ =	sdelay $0x2  }
0xb9: {  	s31 =	sshll.u32 s1, $0xD;
	s1 =	sshrl.u32 s1, $0x2  }
0xba: {  	s3 =	sand.u32 $0x4000, s31;
	s1 =	sadd.s32 s1, s30  }
0xbb: {  	s0 =	sor.u32 s3, s0;
	s1 =	sshll.u32 s1, $0x11  }
0xbc: {  	s0 =	sor.u32 s1, s0  }
0xbd: {  	s0 =	sadd.s32 $0x8F2B, s0  }
0xbe: {  	[sflag:s0] =	ssyncadd.remote.s32 $0x1  }
0xbf: {  	_ =	sfence.sel $0xFFFF  }
0xc0: {  	[dreg:$0x0] =	wrdreg $0xFFFFFFFF;
	(pc) =	sbr.abs _section_cstart, $3  }
0xc1: {  	[dreg:$0x1] =	wrdreg $0xFFFFFFFF  }
0xc2: {  	_ =	task.clear_ibuf [dreg:s7], $0x2FFFF;
	_ =	strace $0x9FFFFFFF  }
0xc3: {  	(tm) =	ssettm $0x7FFFFFFF  }
tec
execute0_lowered:
.L_overlay_start_1:
0x0: {  	(tag) =	ssettag $0x1  }
0x1: {  	s1 =	rddreg [dreg:$0x0]  }
0x2: {  	s5 =	rddreg [dreg:$0x1];
	s2 =	srdreg.scid  }
0x3: {  	s0 =	stileid.u32;
	s3 =	rddreg [dreg:$0x2];
	s4 =	simm.s32 $0x0  }
0x4: {  	s16 =	simm.s32 $0x2800;
	s17 =	simm.s32 $0x80;
	s7 =	smul.u32 $0x2800, s0  }
0x5: {  	s18 =	simm.s32 $0x1;
	s21 =	simm.s32 $0x0;
	s10 =	smul.u32 $0x14000, s0  }
0x6: {  	s6 =	sand.u32 $0x1, s2;
	s2 =	rddreg [dreg:$0x3];
	s11 =	smul.u32 $0x50000, s0  }
0x7: {  	[smem:$0x7FF] =	sst s4;
	s19 =	sshll.u32 s0, $0x6;
	s8 =	smul.u32 $0x28000, s6  }
0x8: {  	s9 =	smul.u32 $0x140000, s6;
	_ =	strace $0x80000056;
	s6 =	ssub.s32 $0x2, s6  }
0x9: {  	s19 =	sor.u32 $0x1C02, s19;
	s30 =	sshrl.u32 s11, $0x2;
	s31 =	sshrl.u32 s6, $0x1  }
0xa: {  	s8 =	sadd.s32 s7, s8;
	s7 =	sshrl.u32 s7, $0x3;
	s29 =	sadd.s32 s10, s9  }
0xb: {  	s8 =	sshrl.u32 s8, $0x3;
	s13 =	sadd.s32 s7, s5;
	s7 =	sshrl.u32 s29, $0x3  }
0xc: {  	s15 =	ssub.s32 s6, s31;
	s12 =	sadd.s32 s8, s5;
	s14 =	sadd.s32 s7, s5  }
0xd: {  	s5 =	sadd.s32 s30, s3;
	s11 =	sadd.s32 $0x13C00, s13;
	s13 =	smax.u32 s15, $0x1  }
0xe: {  	s15 =	simm.s32 $0x2;
	s6 =	sadd.s32 $0x4000, s5;
	s7 =	sadd.s32 $0x8000, s5  }
0xf: {  	s8 =	sadd.s32 $0xC000, s5;
	s9 =	sadd.s32 $0x10000, s5;
	s10 =	sadd.s32 $0x9C00, s12  }
0x10: {  	v0 =	vimm.f32 $0.0e+00;
	s12 =	sadd.s32 $0x18C00, s14;
	s14 =	simm.s32 $0x5000;
	s20 =	sshrl.u32 s5, $0x3  }
.LBB2_1:
0x11: {  	s22 =	sand.u32 $0xFE00, s4  }
0x12: {  	s23 =	sand.u32 $0x70, s4;
	s24 =	sshrl.u32 s22, $0x2  }
0x13: {  	s22 =	simm.s32 $0x40;
	s24 =	sor.u32 s23, s24;
	s23 =	simm.s32 $0x0  }
.LBB2_2:
0x14: {  	p0 =	sne.s32 s22, $0xFFC0  }
0x15: {  	[tilespmem:s24+$0x5000] =	vst v0;
	s23 =	sadd.s32 $0x10, s23;
	s24 =	smov.u32 s22;
	s22 =	sadd.s32 $0x40, s22  }
.Ltmp0:
0x16: {  	(pc) =	sbr.rel @p0 .LBB2_2-.Ltmp0, $4  }
0x17: {  	_ = 	snop  }
0x18: {  	s24 =	sand.u32 $0xFE00, s24  }
0x19: {  	s25 =	sand.u32 $0x70, s23;
	s24 =	sshrl.u32 s24, $0x2  }
0x1a: {  	s24 =	sor.u32 s25, s24  }
0x1b: {  	[tilespmem:s24+$0x5000] =	vst v0  }
0x1c: {  	[spmem:s5] =	stream.linear.scatter [tilespmem:s14], [sflag:$0x2], $0x4000, $0x38;
	[tilespmem:$0x1D000] =	vst v63  }
0x1d: {  	_ =	swait.ge [sflag:s15], $0x4000  }
0x1e: {  	[sflag:s15] =	ssyncset.done $0x0  }
0x1f: {  	[sflag:s15] =	ssyncadd.s32 $0xFFFFC000  }
0x20: {  	[spmem:s6] =	stream.linear.scatter [tilespmem:s14], [sflag:$0x2], $0x4000, $0x38;
	[tilespmem:$0x1D000] =	vst v63  }
0x21: {  	_ =	swait.ge [sflag:s15], $0x4000  }
0x22: {  	[sflag:s15] =	ssyncset.done $0x0  }
0x23: {  	[sflag:s15] =	ssyncadd.s32 $0xFFFFC000  }
0x24: {  	[spmem:s7] =	stream.linear.scatter [tilespmem:s14], [sflag:$0x2], $0x4000, $0x38;
	[tilespmem:$0x1D000] =	vst v63  }
0x25: {  	_ =	swait.ge [sflag:s15], $0x4000  }
0x26: {  	[sflag:s15] =	ssyncset.done $0x0  }
0x27: {  	[sflag:s15] =	ssyncadd.s32 $0xFFFFC000  }
0x28: {  	[spmem:s8] =	stream.linear.scatter [tilespmem:s14], [sflag:$0x2], $0x4000, $0x38;
	[tilespmem:$0x1D000] =	vst v63  }
0x29: {  	_ =	swait.ge [sflag:s15], $0x4000  }
0x2a: {  	[sflag:s15] =	ssyncset.done $0x0  }
0x2b: {  	[sflag:s15] =	ssyncadd.s32 $0xFFFFC000  }
0x2c: {  	[spmem:s9] =	stream.linear.scatter [tilespmem:s14], [sflag:$0x2], $0x4000, $0x38;
	[tilespmem:$0x1D000] =	vst v63  }
0x2d: {  	_ =	swait.ge [sflag:s15], $0x4000  }
0x2e: {  	[sflag:s15] =	ssyncset.done $0x0  }
0x2f: {  	[sflag:s15] =	ssyncadd.s32 $0xFFFFC000  }
0x30: {  	s22 =	simm.s32 $0x0;
	[bflag:$0x0] =	sbarrier.arrive $0xFFFF  }
0x31: {  	[tilespmem:s22], [sflag:$0x2] =	stream.linear.gather [hbm4b:s10+s22], $0x2780, $0x38;
	[tilespmem:$0x1D000] =	vst v63  }
0x32: {  	_ =	swait.ge [sflag:s15], $0x2780  }
0x33: {  	[sflag:s15] =	ssyncset.done $0x0  }
0x34: {  	[sflag:s15] =	ssyncadd.s32 $0xFFFFD880  }
0x35: {  	[tilespmem:s16], [sflag:$0x2] =	stream.linear.gather [hbm4b:s11+s22], $0x2780, $0x38;
	[tilespmem:$0x1D000] =	vst v63  }
0x36: {  	_ =	swait.ge [sflag:s15], $0x2780  }
0x37: {  	[sflag:s15] =	ssyncset.done $0x0  }
0x38: {  	s30 =	simm.s32 $0x0;
	[sflag:s15] =	ssyncadd.s32 $0xFFFFD880  }
0x39: {  	[tilespmem:s14], [sflag:$0x1] =	stream.indirect.gather [hbm4b:s1+s17], $0x80, s30, s17, $0xb8;
	[tilespmem:$0x1D000] =	vst v63  }
0x3a: {  	_ =	swait.ge [sflag:s18], $0x4000  }
0x3b: {  	[sflag:s18] =	ssyncset.done $0x0  }
0x3c: {  	s31 =	simm.s32 $0x2800;
	[sflag:s18] =	ssyncadd.s32 $0xFFFFC000  }
0x3d: {  	[spmem:s3] =	stream.indirect.scatter.add.f32 [tilespmem:s14], [sflag:$0x2], $0x80, s31, s17, $0xb8;
	[tilespmem:$0x1D000] =	vst v63  }
0x3e: {  	_ =	swait.ge [sflag:s15], $0x4000  }
0x3f: {  	s23 =	simm.s32 $0x400;
	s22 =	simm.s32 $0x200;
	[sflag:s15] =	ssyncset.done $0x0  }
.LBB2_4:
0x40: {  	s24 =	sshra.s32 s22, $0x2  }
0x41: {  	[sflag:s15] =	ssyncadd.s32 $0xFFFFC000;
	s22 =	smov.u32 s23;
	s25 =	sadd.s32 $0x200, s23  }
0x42: {  	[tilespmem:s14], [sflag:$0x1] =	stream.indirect.gather [hbm4b:s1+s17], $0x80, s24, s17, $0xb8;
	[tilespmem:$0x1D000] =	vst v63  }
0x43: {  	p0 =	sne.s32 s23, $0x9C00;
	_ =	swait.ge [sflag:s18], $0x4000  }
.Ltmp1:
0x44: {  	[sflag:s18] =	ssyncset.done $0x0;
	(pc) =	sbr.rel @p0 .LBB2_4-.Ltmp1, $4  }
0x45: {  	s23 =	sadd.s32 $0x2800, s24;
	[sflag:s18] =	ssyncadd.s32 $0xFFFFC000  }
0x46: {  	[spmem:s3] =	stream.indirect.scatter.add.f32 [tilespmem:s14], [sflag:$0x2], $0x80, s23, s17, $0xb8;
	[tilespmem:$0x1D000] =	vst v63  }
0x47: {  	_ =	swait.ge [sflag:s15], $0x4000  }
0x48: {  	s23 =	smov.u32 s25;
	[sflag:s15] =	ssyncset.done $0x0  }
0x49: {  	s22 =	sshra.s32 s22, $0x2;
	[sflag:s15] =	ssyncadd.s32 $0xFFFFC000  }
0x4a: {  	[tilespmem:s14], [sflag:$0x1] =	stream.indirect.gather [hbm4b:s1+s17], $0x80, s22, s17, $0xb8;
	[tilespmem:$0x1D000] =	vst v63  }
0x4b: {  	_ =	swait.ge [sflag:s18], $0x4000  }
0x4c: {  	[sflag:s18] =	ssyncset.done $0x0  }
0x4d: {  	s22 =	sadd.s32 $0x2800, s22;
	[sflag:s18] =	ssyncadd.s32 $0xFFFFC000  }
0x4e: {  	[spmem:s3] =	stream.indirect.scatter.add.f32 [tilespmem:s14], [sflag:$0x2], $0x80, s22, s17, $0xb8;
	[tilespmem:$0x1D000] =	vst v63  }
0x4f: {  	_ =	swait.ge [sflag:s15], $0x4000  }
0x50: {  	s21 =	sadd.s32 $0x1, s21;
	[sflag:s15] =	ssyncset.done $0x0  }
0x51: {  	p0 =	sne.s32 s21, s13;
	[sflag:s15] =	ssyncadd.s32 $0xFFFFC000  }
.Ltmp2:
0x52: {  	[bflag:$0x0] =	sbarrier.arrive $0xFFFF;
	(pc) =	sbr.rel @p0 .LBB2_1-.Ltmp2, $4  }
0x53: {  	[hbm:s12], [sflag:s19] =	dma.local [spmem:s20], $0x2800  }
0x54: {  	_ =	swait.ge [sflag:s15], $0x2800  }
0x55: {  	[sflag:s15] =	ssyncset.done $0x0  }
0x56: {  	[sflag:s15] =	ssyncadd.s32 $0xFFFFD800  }
0x57: {  	_ =	sfence.sel $0x180000  }
0x58: {  	[bflag:$0x0] =	sbarrier.arrive $0xFFFF  }
0x59: {  	p0 =	sne.s32 s0, $0x0;
	_ =	strace $0x90000056  }
0x5a: {  	s0 =	sadd.s32 @!p0 $0x100000, s2;
	[bflag:$0x2] =	sbarrier.arrive $0xFFFF  }
0x5b: {  	[sflag:s0] =	ssyncadd.tile.s32 @!p0 $0x1;
	_ =	shalt  }
.Lfunc_end2:
_tile_overlayer_lowered:
.L_overlay_start_2:
0x5c: {  	(tag) =	ssettag $0x2  }
0x5d: {  	s0 =	rddreg [dreg:$0x0];
	s2 =	stileid.u32  }
0x5e: {  	s1 =	rddreg [dreg:$0x1];
	p0 =	sne.s32 s2, $0x0  }
0x5f: {  	s3 =	rddreg [dreg:$0x2];
	[bflag:$0x3] =	sbarrier.arrive $0xFFFF;
	s2 =	simm.s32 @!p0 $0x1C02  }
0x60: {  	[timem:s3], [sflag:s2] =	dma.local @!p0 [hbm:s0], s1  }
0x61: {  	s0 =	simm.s32 @!p0 $0x2  }
0x62: {  	_ =	swait.ge @!p0 [sflag:s0], s1  }
0x63: {  	s1 =	ssub.s32 @!p0 $0x0, s1;
	[sflag:s0] =	ssyncset.done @!p0 $0x0  }
0x64: {  	[sflag:s0] =	ssyncadd.s32 @!p0 s1  }
0x65: {  	[bflag:$0x3] =	sbarrier.arrive $0xFFFF  }
0x66: {  	_ =	shalt  }

</sc_bundles>
